<compile_context>
chip_gen: v7x
topology: tpu7x:2x2x1
jax: 0.10.2.dev20260603
libtpu: 0.0.44.dev20260713+nightly
codegen_flags: <defaults>
</compile_context>

<pallas_src>
import functools

import jax
import jax.numpy as jnp
from jax import lax
from jax.experimental import pallas as pl
from jax.experimental.pallas import tpu as pltpu
from jax.experimental.pallas import tpu_sc as plsc

N = 150000
IN_CH = 16
OUT_CH = 16
BB = 2
DD = 41
HH = 400
WW = 352
NGRID = BB * DD * HH * WW
K26 = 26

NC = 2
NS = 16
NWK = NC * NS
NPAD = 153600
CHUNK = NPAD // NWK
HCH = CHUNK // 2
NG = HCH // 16
QUARTER = NPAD // NS // 4
CAP = 2432
ADUMP = HCH + 16

BMW = 360832
BMZ = BMW // NS
SAFE_W = NGRID // 32

_OFFSETS26 = [(dz, dy, dx)
              for dz in (-1, 0, 1) for dy in (-1, 0, 1) for dx in (-1, 0, 1)
              if not (dz == 0 and dy == 0 and dx == 0)]

_mesh = plsc.VectorSubcoreMesh(
    core_axis_name="c", subcore_axis_name="s", num_cores=NC, num_subcores=NS)
_sc_params = pltpu.CompilerParams(
    use_tc_tiling_on_sc=False, needs_layout_passes=False)


def _iota16():
  return lax.iota(jnp.int32, 16)


def _sc_scatter_body(bcol, dcol, hcol, wcol, grid, cb, cd, ch, cw, lin_v, val_v, sem):
  wid = lax.axis_index("s") * NC + lax.axis_index("c")

  for h in range(2):
    base = wid * CHUNK + h * HCH
    pltpu.sync_copy(bcol.at[pl.ds(base, HCH)], cb)
    pltpu.sync_copy(dcol.at[pl.ds(base, HCH)], cd)
    pltpu.sync_copy(hcol.at[pl.ds(base, HCH)], ch)
    pltpu.sync_copy(wcol.at[pl.ds(base, HCH)], cw)

    def body(g, c2, base=base):
      sl = pl.ds(g * 16, 16)
      lin = ((cb[sl] * DD + cd[sl]) * HH + ch[sl]) * WW + cw[sl]
      gi = base + g * 16 + _iota16()
      lin_v[sl] = lin
      val_v[sl] = jnp.where(gi < N, gi, 0)
      return c2

    lax.fori_loop(0, NG, body, 0)
    pltpu.async_copy(val_v, grid.at[lin_v], sem).wait()


def _sc_gather_body(bcol, dcol, hcol, wcol, h26, hc, grid, out,
                    cb, cd, ch, cw, lin_v, nlin_v, wq_v, pword_v,
                    hidxc_v, dposc_v, cc_v, hh_v, bidx_v,
                    gbuf_v, acc_v, bm, sem):
  sid = lax.axis_index("s")
  wid = sid * NC + lax.axis_index("c")

  def zbody(g, carry):
    pword_v[pl.ds(g * 16, 16)] = jnp.zeros((16,), jnp.int32)
    return carry
  lax.fori_loop(0, NG, zbody, 0)
  zoff = sid * BMZ
  for c in range(9):
    pltpu.sync_copy(pword_v.at[pl.ds(0, HCH)], bm.at[pl.ds(zoff + c * HCH, HCH)])
  pltpu.sync_copy(pword_v.at[pl.ds(0, BMZ - 9 * HCH)],
                  bm.at[pl.ds(zoff + 9 * HCH, BMZ - 9 * HCH)])
  plsc.subcore_barrier()

  for p in range(4):
    hoff = sid * (4 * QUARTER) + p * QUARTER
    pltpu.sync_copy(bcol.at[pl.ds(hoff, HCH)], cb)
    pltpu.sync_copy(dcol.at[pl.ds(hoff, HCH)], cd)
    pltpu.sync_copy(hcol.at[pl.ds(hoff, HCH)], ch)
    pltpu.sync_copy(wcol.at[pl.ds(hoff, HCH)], cw)

    def bbody(g, c2, hoff=hoff):
      sl = pl.ds(g * 16, 16)
      lin = ((cb[sl] * DD + cd[sl]) * HH + ch[sl]) * WW + cw[sl]
      gi = hoff + g * 16 + _iota16()
      live = gi < N
      nlin_v[sl] = jnp.where(live, lin >> 5, SAFE_W)
      pword_v[sl] = jnp.where(live, 1 << (lin & 31), 0)
      return c2

    lax.fori_loop(0, NG, bbody, 0)
    pltpu.sync_copy(pword_v, bm.at[nlin_v], add=True)
  plsc.subcore_barrier()

  def prefill(g, carry):
    sl = pl.ds(g * 16, 16)
    hidxc_v[sl] = jnp.full((16,), NGRID, jnp.int32)
    dposc_v[sl] = HCH + _iota16()
    return carry

  def compact(g, cnt_vec):
    sl = pl.ds(g * 16, 16)
    w16 = pword_v[sl]
    nl16 = nlin_v[sl]
    hit = (w16 & (1 << (nl16 & 31))) != 0
    hi = hit.astype(jnp.int32)
    cs = plsc.cumsum(hi)
    pos = cnt_vec - 1 + cs
    plsc.store_scatter(hidxc_v, [pos], nl16, mask=hit)
    plsc.store_scatter(dposc_v, [pos], g * 16 + _iota16(), mask=hit)
    return cnt_vec + jnp.take(cs, jnp.full((16,), 15, jnp.int32))

  def half(hsel, carry):
    base = wid * CHUNK + hsel * HCH
    pltpu.sync_copy(bcol.at[pl.ds(base, HCH)], cb)
    pltpu.sync_copy(dcol.at[pl.ds(base, HCH)], cd)
    pltpu.sync_copy(hcol.at[pl.ds(base, HCH)], ch)
    pltpu.sync_copy(wcol.at[pl.ds(base, HCH)], cw)

    def lbody(g, c2):
      sl = pl.ds(g * 16, 16)
      lin_v[sl] = ((cb[sl] * DD + cd[sl]) * HH + ch[sl]) * WW + cw[sl]
      return c2
    lax.fori_loop(0, NG, lbody, 0)

    pltpu.sync_copy(hc.at[pl.ds(base, HCH)], acc_v.at[pl.ds(0, HCH)])

    def offs(j, c2):
      k = j + (j >= 13).astype(jnp.int32)
      dz = k // 9 - 1
      dy = (k // 3) % 3 - 1
      dx = k % 3 - 1
      ck = (dz * HH + dy) * WW + dx

      def nlin_f(g, c3):
        sl = pl.ds(g * 16, 16)
        nd = cd[sl] + dz
        nh = ch[sl] + dy
        nw = cw[sl] + dx
        ok = (nd >= 0) & (nd < DD) & (nh >= 0) & (nh < HH) & (nw >= 0) & (nw < WW)
        nl = jnp.where(ok, lin_v[sl] + ck, NGRID)
        nlin_v[sl] = nl
        wq_v[sl] = nl >> 5
        return c3

      lax.fori_loop(0, NG, nlin_f, 0)
      pltpu.async_copy(bm.at[wq_v], pword_v, sem).wait()
      lax.fori_loop(0, CAP // 16, prefill, 0)
      cnt_vec = lax.fori_loop(0, NG, compact, jnp.zeros((16,), jnp.int32))
      cnt = jnp.max(cnt_vec)
      nb = (cnt + 127) // 128

      def batch(bj, c3):
        def stage(q, c4):
          sl = pl.ds(q * 16, 16)
          bidx_v[sl] = hidxc_v[pl.ds(bj * 128 + q * 16, 16)]
          return c4
        lax.fori_loop(0, 8, stage, 0)
        pltpu.async_copy(grid.at[bidx_v], cc_v, sem).wait()

        def rows(q, c4):
          sl = pl.ds(q * 16, 16)
          c16 = cc_v[sl]
          hh_v[sl] = jnp.clip(c16, 0, N) * K26 + j
          return c4
        lax.fori_loop(0, 8, rows, 0)
        pltpu.async_copy(h26.at[hh_v], gbuf_v, sem).wait()

        def sadd(q, c4):
          p16 = dposc_v[pl.ds(bj * 128 + q * 16, 16)]
          src = q * 16 + _iota16()

          def chan(cix, c5):
            cvec = jnp.full((16,), cix, jnp.int32)
            vals = plsc.load_gather(gbuf_v, [src, cvec])
            plsc.addupdate_scatter(acc_v, [p16, cvec], vals)
            return c5
          lax.fori_loop(0, OUT_CH, chan, 0)
          return c4
        lax.fori_loop(0, 8, sadd, 0)
        return c3

      lax.fori_loop(0, nb, batch, 0)
      return c2

    lax.fori_loop(0, K26, offs, 0)
    pltpu.sync_copy(acc_v.at[pl.ds(0, HCH)], out.at[pl.ds(base, HCH)])
    return carry

  lax.fori_loop(0, 2, half, 0)


_sc_scatter = functools.partial(
    pl.kernel,
    out_type=jax.ShapeDtypeStruct((NGRID + 1,), jnp.int32),
    mesh=_mesh,
    compiler_params=_sc_params,
    scratch_types=[
        pltpu.VMEM((HCH,), jnp.int32),
        pltpu.VMEM((HCH,), jnp.int32),
        pltpu.VMEM((HCH,), jnp.int32),
        pltpu.VMEM((HCH,), jnp.int32),
        pltpu.VMEM((HCH,), jnp.int32),
        pltpu.VMEM((HCH,), jnp.int32),
        pltpu.SemaphoreType.DMA,
    ],
)(_sc_scatter_body)

_sc_gather = functools.partial(
    pl.kernel,
    out_type=jax.ShapeDtypeStruct((NPAD, OUT_CH), jnp.float32),
    mesh=_mesh,
    compiler_params=_sc_params,
    scratch_types=[
        pltpu.VMEM((HCH,), jnp.int32),
        pltpu.VMEM((HCH,), jnp.int32),
        pltpu.VMEM((HCH,), jnp.int32),
        pltpu.VMEM((HCH,), jnp.int32),
        pltpu.VMEM((HCH,), jnp.int32),
        pltpu.VMEM((HCH,), jnp.int32),
        pltpu.VMEM((HCH,), jnp.int32),
        pltpu.VMEM((HCH,), jnp.int32),
        pltpu.VMEM((CAP,), jnp.int32),
        pltpu.VMEM((CAP,), jnp.int32),
        pltpu.VMEM((128,), jnp.int32),
        pltpu.VMEM((128,), jnp.int32),
        pltpu.VMEM((128,), jnp.int32),
        pltpu.VMEM((128, OUT_CH), jnp.float32),
        pltpu.VMEM((ADUMP, OUT_CH), jnp.float32),
        pltpu.VMEM_SHARED((BMW,), jnp.int32),
        pltpu.SemaphoreType.DMA,
    ],
)(_sc_gather_body)


_MM_BLK = 2400


def _mm_body(f_ref, w26_ref, wc_ref, o26_ref, oc_ref):
  f = f_ref[...]
  o26_ref[...] = jnp.dot(f, w26_ref[...], preferred_element_type=jnp.float32)
  oc_ref[...] = jnp.dot(f, wc_ref[...], preferred_element_type=jnp.float32)


_mm = pl.pallas_call(
    _mm_body,
    grid=(NPAD // _MM_BLK,),
    in_specs=[
        pl.BlockSpec((_MM_BLK, IN_CH), lambda i: (i, 0)),
        pl.BlockSpec((IN_CH, K26 * OUT_CH), lambda i: (0, 0)),
        pl.BlockSpec((IN_CH, OUT_CH), lambda i: (0, 0)),
    ],
    out_specs=[
        pl.BlockSpec((_MM_BLK, K26 * OUT_CH), lambda i: (i, 0)),
        pl.BlockSpec((_MM_BLK, OUT_CH), lambda i: (i, 0)),
    ],
    out_shape=[
        jax.ShapeDtypeStruct((NPAD, K26 * OUT_CH), jnp.float32),
        jax.ShapeDtypeStruct((NPAD, OUT_CH), jnp.float32),
    ],
)

NROWS = NPAD * OUT_CH // 128
NROWS_VALID = N * OUT_CH // 128


def _bn_body(x_ref, g_ref, b_ref, y_ref):
  x = x_ref[...]
  rid = lax.broadcasted_iota(jnp.int32, (NROWS, 128), 0)
  m = (rid < NROWS_VALID).astype(jnp.float32)
  xm = x * m
  s = jnp.sum(xm, axis=0, keepdims=True)
  q = jnp.sum(xm * x, axis=0, keepdims=True)
  s_fold = s
  q_fold = q
  for j in range(1, 8):
    s_fold = s_fold + jnp.roll(s, 16 * j, axis=1)
    q_fold = q_fold + jnp.roll(q, 16 * j, axis=1)
  mean = s_fold * (1.0 / N)
  var = q_fold * (1.0 / N) - mean * mean
  inv = lax.rsqrt(var + 1e-5)
  scale = inv * g_ref[...]
  shift = b_ref[...] - mean * scale
  y_ref[...] = jnp.maximum(x * scale + shift, 0.0)


_bn = pl.pallas_call(
    _bn_body,
    out_shape=jax.ShapeDtypeStruct((NROWS, 128), jnp.float32),
)


def kernel(features, indices, W, gamma, beta):
  fpad = jnp.concatenate(
      [features, jnp.zeros((NPAD - N, IN_CH), jnp.float32)], axis=0)
  ipad = jnp.concatenate(
      [indices, jnp.broadcast_to(indices[0:1], (NPAD - N, 4))], axis=0)
  bcol = ipad[:, 0]
  dcol = ipad[:, 1]
  hcol = ipad[:, 2]
  wcol = ipad[:, 3]
  w26 = jnp.concatenate([W[:13], W[14:]], axis=0)
  wcat26 = jnp.transpose(w26, (1, 0, 2)).reshape(IN_CH, K26 * OUT_CH)
  wc = W[13]

  h26, hcen = _mm(fpad, wcat26, wc)
  h26r = h26.reshape(NPAD * K26, OUT_CH)

  grid = _sc_scatter(bcol, dcol, hcol, wcol)
  conv = _sc_gather(bcol, dcol, hcol, wcol, h26r, hcen, grid)

  y = _bn(conv.reshape(NROWS, 128), jnp.tile(gamma, 8).reshape(1, 128),
          jnp.tile(beta, 8).reshape(1, 128))
  return y.reshape(NPAD, OUT_CH)[:N]

# --- scband reference (transcript-rebuilt; emitter-appended) ---
"""Pipeline reference for scband-sub-mconv-bnre-lu-40467181863449 (READ-ONLY COPY).

The authoritative reference and input builder live on the scoring server;
editing this copy changes nothing except your own understanding.
"""

import jax, jax.numpy as jnp
import numpy as np

N = 150000
IN_CH = 16
OUT_CH = 16
B = 2
D = 41
H = 400
W_DIM = 352


def setup_inputs(seed: int = 0) -> dict:
    key = jax.random.key(seed)
    k1, k2 = jax.random.split(key, 2)
    features = jax.random.normal(k1, (N, IN_CH), dtype=jnp.float32)
    rng = np.random.default_rng(0)
    lin = rng.choice(B * D * H * W_DIM, size=N, replace=False)
    b, rem = np.divmod(lin, D * H * W_DIM)
    d, rem = np.divmod(rem, H * W_DIM)
    h, w = np.divmod(rem, W_DIM)
    indices = jnp.asarray(np.stack([b, d, h, w], axis=1), dtype=jnp.int32)
    Wt = jax.random.normal(k2, (27, IN_CH, OUT_CH), dtype=jnp.float32) * (1.0 / np.sqrt(27.0 * IN_CH))
    gamma = jnp.ones((OUT_CH,), dtype=jnp.float32)
    beta = jnp.zeros((OUT_CH,), dtype=jnp.float32)
    return {"features": features, "indices": indices, "W": Wt, "gamma": gamma, "beta": beta}


def reference(features, indices, W, gamma, beta):
    n = features.shape[0]
    lin = ((indices[:, 0] * D + indices[:, 1]) * H + indices[:, 2]) * W_DIM + indices[:, 3]
    grid = jnp.full((B * D * H * W_DIM,), -1, dtype=jnp.int32).at[lin].set(
        jnp.arange(n, dtype=jnp.int32))
    out = jnp.zeros((n, W.shape[2]), dtype=jnp.float32)
    kidx = 0
    for dz in (-1, 0, 1):
        for dy in (-1, 0, 1):
            for dx in (-1, 0, 1):
                nd = indices[:, 1] + dz
                nh = indices[:, 2] + dy
                nw = indices[:, 3] + dx
                valid = (nd >= 0) & (nd < D) & (nh >= 0) & (nh < H) & (nw >= 0) & (nw < W_DIM)
                nlin = ((indices[:, 0] * D + jnp.clip(nd, 0, D - 1)) * H
                        + jnp.clip(nh, 0, H - 1)) * W_DIM + jnp.clip(nw, 0, W_DIM - 1)
                nbr = grid[nlin]
                ok = valid & (nbr >= 0)
                f = jnp.take(features, jnp.where(ok, nbr, 0), axis=0)
                f = f * ok[:, None].astype(features.dtype)
                out = out + f @ W[kidx]
                kidx += 1
    mean = out.mean(axis=0)
    var = out.var(axis=0)
    y = (out - mean) / jnp.sqrt(var + 1e-5) * gamma + beta
    return jnp.maximum(y, 0.0)

if __name__ == "__main__":
    import jax
    _d = setup_inputs()
    print(jax.jit(kernel)(*tuple(_d.values())))

</pallas_src>

<mosaic_0001>
#map = affine_map<(d0, d1) -> (0)>
#map1 = affine_map<(d0, d1) -> (0, 0)>
module attributes {stable_mosaic.version = 14 : i64} {
  func.func @_sc_gather_body(%arg0: i32, %arg1: i32, %arg2: memref<153600xi32, #tpu.memory_space<hbm>>, %arg3: memref<153600xi32, #tpu.memory_space<hbm>>, %arg4: memref<153600xi32, #tpu.memory_space<hbm>>, %arg5: memref<153600xi32, #tpu.memory_space<hbm>>, %arg6: memref<3993600x16xf32, #tpu.memory_space<hbm>>, %arg7: memref<153600x16xf32, #tpu.memory_space<hbm>>, %arg8: memref<11545601xi32, #tpu.memory_space<hbm>>, %arg9: memref<153600x16xf32, #tpu.memory_space<hbm>>, %arg10: memref<2400xi32, #tpu.memory_space<vmem>>, %arg11: memref<2400xi32, #tpu.memory_space<vmem>>, %arg12: memref<2400xi32, #tpu.memory_space<vmem>>, %arg13: memref<2400xi32, #tpu.memory_space<vmem>>, %arg14: memref<2400xi32, #tpu.memory_space<vmem>>, %arg15: memref<2400xi32, #tpu.memory_space<vmem>>, %arg16: memref<2400xi32, #tpu.memory_space<vmem>>, %arg17: memref<2400xi32, #tpu.memory_space<vmem>>, %arg18: memref<2432xi32, #tpu.memory_space<vmem>>, %arg19: memref<2432xi32, #tpu.memory_space<vmem>>, %arg20: memref<128xi32, #tpu.memory_space<vmem>>, %arg21: memref<128xi32, #tpu.memory_space<vmem>>, %arg22: memref<128xi32, #tpu.memory_space<vmem>>, %arg23: memref<128x16xf32, #tpu.memory_space<vmem>>, %arg24: memref<2416x16xf32, #tpu.memory_space<vmem>>, %arg25: memref<360832xi32, #tpu.memory_space<vmem_shared>>, %arg26: memref<!tpu.dma_semaphore, #tpu.memory_space<semaphore_mem>>) attributes {dimension_semantics = [#tpu.dimension_semantics<core_parallel>, #tpu.dimension_semantics<subcore_parallel>], iteration_bounds = array<i64: 2, 16>, scalar_prefetch = 0 : i64, scratch_operands = 17 : i64, tpu.core_type = #tpu.core_type<sc_vector_subcore>, window_params = [{transform_indices = #map}, {transform_indices = #map}, {transform_indices = #map}, {transform_indices = #map}, {transform_indices = #map1}, {transform_indices = #map1}, {transform_indices = #map}, {transform_indices = #map1}]} {
    %mul3A = arith.constant 2 : i32
    %mul3A_0 = arith.muli %arg1, %mul3A : i32
    %add3A = arith.addi %mul3A_0, %arg0 : i32
    %scan3A = arith.constant 0 : i32
    %scan3A_1 = arith.constant 0 : i32
    %scan3A_2 = arith.constant 150 : i32
    %scan3A_3 = arith.addi %scan3A_1, %scan3A_2 : i32
    %scan3A_4 = arith.constant 1 : i32
    scf.for %scan3A_75 = %scan3A_1 to %scan3A_3 step %scan3A_4  : i32 {
      %broadcast_in_dim3A = arith.constant 0 : i32
      %broadcast_in_dim3A_76 = vector.broadcast %broadcast_in_dim3A : i32 to vector<16xi32>
      %mul3A_77 = arith.constant 16 : i32
      %mul3A_78 = arith.muli %scan3A_75, %mul3A_77 : i32
      %swap3A = arith.index_cast %mul3A_78 : i32 to index
      %swap3A_79 = tpu.vector_load %arg17[%swap3A] {strides = array<i32>} : memref<2400xi32, #tpu.memory_space<vmem>>, vector<16xi32>,
      tpu.vector_store %arg17[%swap3A], %broadcast_in_dim3A_76 {strides = array<i32>} : memref<2400xi32, #tpu.memory_space<vmem>>, vector<16xi32>,
    }
    %scan3A_5 = arith.constant 150 : i32
    %mul3A_6 = arith.constant 22552 : i32
    %mul3A_7 = arith.muli %arg1, %mul3A_6 : i32
    %add3A_8 = arith.constant 0 : i32
    %add3A_9 = arith.addi %mul3A_7, %add3A_8 : i32
    "tpu.region"() ({
      %run_scoped3A = tpu.sem_alloc : memref<!tpu.dma_semaphore, #tpu.memory_space<semaphore_mem>>
      %dma_start3A = arith.constant 0 : i32
      %dma_start3A_75 = tpu.memref_slice %arg17[%dma_start3A] : memref<2400xi32, #tpu.memory_space<vmem>> -> memref<2400xi32, #tpu.memory_space<vmem>>
      %dma_start3A_76 = tpu.memref_slice %arg25[%add3A_9] : memref<360832xi32, #tpu.memory_space<vmem_shared>> -> memref<2400xi32, #tpu.memory_space<vmem_shared>>
      %dma_start3A_77 = tpu.memref_slice %arg25[%add3A_9] : memref<360832xi32, #tpu.memory_space<vmem_shared>> -> memref<2400xi32, #tpu.memory_space<vmem_shared>>
      %dma_start3A_78 = arith.constant 0 : i32
      %dma_start3A_79 = tpu.memref_slice %arg17[%dma_start3A_78] : memref<2400xi32, #tpu.memory_space<vmem>> -> memref<2400xi32, #tpu.memory_space<vmem>>
      tpu.enqueue_dma source(%dma_start3A_79 : memref<2400xi32, #tpu.memory_space<vmem>>) target(%dma_start3A_77 : memref<2400xi32, #tpu.memory_space<vmem_shared>>) target_semaphore(%run_scoped3A : memref<!tpu.dma_semaphore, #tpu.memory_space<semaphore_mem>>)
      %dma_wait3A = arith.constant 0 : i32
      %dma_wait3A_80 = tpu.memref_slice %arg17[%dma_wait3A] : memref<2400xi32, #tpu.memory_space<vmem>> -> memref<2400xi32, #tpu.memory_space<vmem>>
      %dma_wait3A_81 = tpu.memref_slice %arg25[%add3A_9] : memref<360832xi32, #tpu.memory_space<vmem_shared>> -> memref<2400xi32, #tpu.memory_space<vmem_shared>>
      %dma_wait3A_82 = tpu.memref_slice %arg25[%add3A_9] : memref<360832xi32, #tpu.memory_space<vmem_shared>> -> memref<2400xi32, #tpu.memory_space<vmem_shared>>
      %dma_wait3A_83 = arith.constant 0 : i32
      %dma_wait3A_84 = tpu.memref_slice %arg17[%dma_wait3A_83] : memref<2400xi32, #tpu.memory_space<vmem>> -> memref<2400xi32, #tpu.memory_space<vmem>>
      tpu.wait_dma2 semaphore(%run_scoped3A : memref<!tpu.dma_semaphore, #tpu.memory_space<semaphore_mem>>) src(%dma_wait3A_84 : memref<2400xi32, #tpu.memory_space<vmem>>) dst(%dma_wait3A_82 : memref<2400xi32, #tpu.memory_space<vmem_shared>>)
      tpu.yield
    }) : () -> ()
    %add3A_10 = arith.constant 2400 : i32
    %add3A_11 = arith.addi %mul3A_7, %add3A_10 : i32
    "tpu.region"() ({
      %run_scoped3A = tpu.sem_alloc : memref<!tpu.dma_semaphore, #tpu.memory_space<semaphore_mem>>
      %dma_start3A = arith.constant 0 : i32
      %dma_start3A_75 = tpu.memref_slice %arg17[%dma_start3A] : memref<2400xi32, #tpu.memory_space<vmem>> -> memref<2400xi32, #tpu.memory_space<vmem>>
      %dma_start3A_76 = tpu.memref_slice %arg25[%add3A_11] : memref<360832xi32, #tpu.memory_space<vmem_shared>> -> memref<2400xi32, #tpu.memory_space<vmem_shared>>
      %dma_start3A_77 = tpu.memref_slice %arg25[%add3A_11] : memref<360832xi32, #tpu.memory_space<vmem_shared>> -> memref<2400xi32, #tpu.memory_space<vmem_shared>>
      %dma_start3A_78 = arith.constant 0 : i32
      %dma_start3A_79 = tpu.memref_slice %arg17[%dma_start3A_78] : memref<2400xi32, #tpu.memory_space<vmem>> -> memref<2400xi32, #tpu.memory_space<vmem>>
      tpu.enqueue_dma source(%dma_start3A_79 : memref<2400xi32, #tpu.memory_space<vmem>>) target(%dma_start3A_77 : memref<2400xi32, #tpu.memory_space<vmem_shared>>) target_semaphore(%run_scoped3A : memref<!tpu.dma_semaphore, #tpu.memory_space<semaphore_mem>>)
      %dma_wait3A = arith.constant 0 : i32
      %dma_wait3A_80 = tpu.memref_slice %arg17[%dma_wait3A] : memref<2400xi32, #tpu.memory_space<vmem>> -> memref<2400xi32, #tpu.memory_space<vmem>>
      %dma_wait3A_81 = tpu.memref_slice %arg25[%add3A_11] : memref<360832xi32, #tpu.memory_space<vmem_shared>> -> memref<2400xi32, #tpu.memory_space<vmem_shared>>
      %dma_wait3A_82 = tpu.memref_slice %arg25[%add3A_11] : memref<360832xi32, #tpu.memory_space<vmem_shared>> -> memref<2400xi32, #tpu.memory_space<vmem_shared>>
      %dma_wait3A_83 = arith.constant 0 : i32
      %dma_wait3A_84 = tpu.memref_slice %arg17[%dma_wait3A_83] : memref<2400xi32, #tpu.memory_space<vmem>> -> memref<2400xi32, #tpu.memory_space<vmem>>
      tpu.wait_dma2 semaphore(%run_scoped3A : memref<!tpu.dma_semaphore, #tpu.memory_space<semaphore_mem>>) src(%dma_wait3A_84 : memref<2400xi32, #tpu.memory_space<vmem>>) dst(%dma_wait3A_82 : memref<2400xi32, #tpu.memory_space<vmem_shared>>)
      tpu.yield
    }) : () -> ()
    %add3A_12 = arith.constant 4800 : i32
    %add3A_13 = arith.addi %mul3A_7, %add3A_12 : i32
    "tpu.region"() ({
      %run_scoped3A = tpu.sem_alloc : memref<!tpu.dma_semaphore, #tpu.memory_space<semaphore_mem>>
      %dma_start3A = arith.constant 0 : i32
      %dma_start3A_75 = tpu.memref_slice %arg17[%dma_start3A] : memref<2400xi32, #tpu.memory_space<vmem>> -> memref<2400xi32, #tpu.memory_space<vmem>>
      %dma_start3A_76 = tpu.memref_slice %arg25[%add3A_13] : memref<360832xi32, #tpu.memory_space<vmem_shared>> -> memref<2400xi32, #tpu.memory_space<vmem_shared>>
      %dma_start3A_77 = tpu.memref_slice %arg25[%add3A_13] : memref<360832xi32, #tpu.memory_space<vmem_shared>> -> memref<2400xi32, #tpu.memory_space<vmem_shared>>
      %dma_start3A_78 = arith.constant 0 : i32
      %dma_start3A_79 = tpu.memref_slice %arg17[%dma_start3A_78] : memref<2400xi32, #tpu.memory_space<vmem>> -> memref<2400xi32, #tpu.memory_space<vmem>>
      tpu.enqueue_dma source(%dma_start3A_79 : memref<2400xi32, #tpu.memory_space<vmem>>) target(%dma_start3A_77 : memref<2400xi32, #tpu.memory_space<vmem_shared>>) target_semaphore(%run_scoped3A : memref<!tpu.dma_semaphore, #tpu.memory_space<semaphore_mem>>)
      %dma_wait3A = arith.constant 0 : i32
      %dma_wait3A_80 = tpu.memref_slice %arg17[%dma_wait3A] : memref<2400xi32, #tpu.memory_space<vmem>> -> memref<2400xi32, #tpu.memory_space<vmem>>
      %dma_wait3A_81 = tpu.memref_slice %arg25[%add3A_13] : memref<360832xi32, #tpu.memory_space<vmem_shared>> -> memref<2400xi32, #tpu.memory_space<vmem_shared>>
      %dma_wait3A_82 = tpu.memref_slice %arg25[%add3A_13] : memref<360832xi32, #tpu.memory_space<vmem_shared>> -> memref<2400xi32, #tpu.memory_space<vmem_shared>>
      %dma_wait3A_83 = arith.constant 0 : i32
      %dma_wait3A_84 = tpu.memref_slice %arg17[%dma_wait3A_83] : memref<2400xi32, #tpu.memory_space<vmem>> -> memref<2400xi32, #tpu.memory_space<vmem>>
      tpu.wait_dma2 semaphore(%run_scoped3A : memref<!tpu.dma_semaphore, #tpu.memory_space<semaphore_mem>>) src(%dma_wait3A_84 : memref<2400xi32, #tpu.memory_space<vmem>>) dst(%dma_wait3A_82 : memref<2400xi32, #tpu.memory_space<vmem_shared>>)
      tpu.yield
    }) : () -> ()
    %add3A_14 = arith.constant 7200 : i32
    %add3A_15 = arith.addi %mul3A_7, %add3A_14 : i32
    "tpu.region"() ({
      %run_scoped3A = tpu.sem_alloc : memref<!tpu.dma_semaphore, #tpu.memory_space<semaphore_mem>>
      %dma_start3A = arith.constant 0 : i32
      %dma_start3A_75 = tpu.memref_slice %arg17[%dma_start3A] : memref<2400xi32, #tpu.memory_space<vmem>> -> memref<2400xi32, #tpu.memory_space<vmem>>
      %dma_start3A_76 = tpu.memref_slice %arg25[%add3A_15] : memref<360832xi32, #tpu.memory_space<vmem_shared>> -> memref<2400xi32, #tpu.memory_space<vmem_shared>>
      %dma_start3A_77 = tpu.memref_slice %arg25[%add3A_15] : memref<360832xi32, #tpu.memory_space<vmem_shared>> -> memref<2400xi32, #tpu.memory_space<vmem_shared>>
      %dma_start3A_78 = arith.constant 0 : i32
      %dma_start3A_79 = tpu.memref_slice %arg17[%dma_start3A_78] : memref<2400xi32, #tpu.memory_space<vmem>> -> memref<2400xi32, #tpu.memory_space<vmem>>
      tpu.enqueue_dma source(%dma_start3A_79 : memref<2400xi32, #tpu.memory_space<vmem>>) target(%dma_start3A_77 : memref<2400xi32, #tpu.memory_space<vmem_shared>>) target_semaphore(%run_scoped3A : memref<!tpu.dma_semaphore, #tpu.memory_space<semaphore_mem>>)
      %dma_wait3A = arith.constant 0 : i32
      %dma_wait3A_80 = tpu.memref_slice %arg17[%dma_wait3A] : memref<2400xi32, #tpu.memory_space<vmem>> -> memref<2400xi32, #tpu.memory_space<vmem>>
      %dma_wait3A_81 = tpu.memref_slice %arg25[%add3A_15] : memref<360832xi32, #tpu.memory_space<vmem_shared>> -> memref<2400xi32, #tpu.memory_space<vmem_shared>>
      %dma_wait3A_82 = tpu.memref_slice %arg25[%add3A_15] : memref<360832xi32, #tpu.memory_space<vmem_shared>> -> memref<2400xi32, #tpu.memory_space<vmem_shared>>
      %dma_wait3A_83 = arith.constant 0 : i32
      %dma_wait3A_84 = tpu.memref_slice %arg17[%dma_wait3A_83] : memref<2400xi32, #tpu.memory_space<vmem>> -> memref<2400xi32, #tpu.memory_space<vmem>>
      tpu.wait_dma2 semaphore(%run_scoped3A : memref<!tpu.dma_semaphore, #tpu.memory_space<semaphore_mem>>) src(%dma_wait3A_84 : memref<2400xi32, #tpu.memory_space<vmem>>) dst(%dma_wait3A_82 : memref<2400xi32, #tpu.memory_space<vmem_shared>>)
      tpu.yield
    }) : () -> ()
    %add3A_16 = arith.constant 9600 : i32
    %add3A_17 = arith.addi %mul3A_7, %add3A_16 : i32
    "tpu.region"() ({
      %run_scoped3A = tpu.sem_alloc : memref<!tpu.dma_semaphore, #tpu.memory_space<semaphore_mem>>
      %dma_start3A = arith.constant 0 : i32
      %dma_start3A_75 = tpu.memref_slice %arg17[%dma_start3A] : memref<2400xi32, #tpu.memory_space<vmem>> -> memref<2400xi32, #tpu.memory_space<vmem>>
      %dma_start3A_76 = tpu.memref_slice %arg25[%add3A_17] : memref<360832xi32, #tpu.memory_space<vmem_shared>> -> memref<2400xi32, #tpu.memory_space<vmem_shared>>
      %dma_start3A_77 = tpu.memref_slice %arg25[%add3A_17] : memref<360832xi32, #tpu.memory_space<vmem_shared>> -> memref<2400xi32, #tpu.memory_space<vmem_shared>>
      %dma_start3A_78 = arith.constant 0 : i32
      %dma_start3A_79 = tpu.memref_slice %arg17[%dma_start3A_78] : memref<2400xi32, #tpu.memory_space<vmem>> -> memref<2400xi32, #tpu.memory_space<vmem>>
      tpu.enqueue_dma source(%dma_start3A_79 : memref<2400xi32, #tpu.memory_space<vmem>>) target(%dma_start3A_77 : memref<2400xi32, #tpu.memory_space<vmem_shared>>) target_semaphore(%run_scoped3A : memref<!tpu.dma_semaphore, #tpu.memory_space<semaphore_mem>>)
      %dma_wait3A = arith.constant 0 : i32
      %dma_wait3A_80 = tpu.memref_slice %arg17[%dma_wait3A] : memref<2400xi32, #tpu.memory_space<vmem>> -> memref<2400xi32, #tpu.memory_space<vmem>>
      %dma_wait3A_81 = tpu.memref_slice %arg25[%add3A_17] : memref<360832xi32, #tpu.memory_space<vmem_shared>> -> memref<2400xi32, #tpu.memory_space<vmem_shared>>
      %dma_wait3A_82 = tpu.memref_slice %arg25[%add3A_17] : memref<360832xi32, #tpu.memory_space<vmem_shared>> -> memref<2400xi32, #tpu.memory_space<vmem_shared>>
      %dma_wait3A_83 = arith.constant 0 : i32
      %dma_wait3A_84 = tpu.memref_slice %arg17[%dma_wait3A_83] : memref<2400xi32, #tpu.memory_space<vmem>> -> memref<2400xi32, #tpu.memory_space<vmem>>
      tpu.wait_dma2 semaphore(%run_scoped3A : memref<!tpu.dma_semaphore, #tpu.memory_space<semaphore_mem>>) src(%dma_wait3A_84 : memref<2400xi32, #tpu.memory_space<vmem>>) dst(%dma_wait3A_82 : memref<2400xi32, #tpu.memory_space<vmem_shared>>)
      tpu.yield
    }) : () -> ()
    %add3A_18 = arith.constant 12000 : i32
    %add3A_19 = arith.addi %mul3A_7, %add3A_18 : i32
    "tpu.region"() ({
      %run_scoped3A = tpu.sem_alloc : memref<!tpu.dma_semaphore, #tpu.memory_space<semaphore_mem>>
      %dma_start3A = arith.constant 0 : i32
      %dma_start3A_75 = tpu.memref_slice %arg17[%dma_start3A] : memref<2400xi32, #tpu.memory_space<vmem>> -> memref<2400xi32, #tpu.memory_space<vmem>>
      %dma_start3A_76 = tpu.memref_slice %arg25[%add3A_19] : memref<360832xi32, #tpu.memory_space<vmem_shared>> -> memref<2400xi32, #tpu.memory_space<vmem_shared>>
      %dma_start3A_77 = tpu.memref_slice %arg25[%add3A_19] : memref<360832xi32, #tpu.memory_space<vmem_shared>> -> memref<2400xi32, #tpu.memory_space<vmem_shared>>
      %dma_start3A_78 = arith.constant 0 : i32
      %dma_start3A_79 = tpu.memref_slice %arg17[%dma_start3A_78] : memref<2400xi32, #tpu.memory_space<vmem>> -> memref<2400xi32, #tpu.memory_space<vmem>>
      tpu.enqueue_dma source(%dma_start3A_79 : memref<2400xi32, #tpu.memory_space<vmem>>) target(%dma_start3A_77 : memref<2400xi32, #tpu.memory_space<vmem_shared>>) target_semaphore(%run_scoped3A : memref<!tpu.dma_semaphore, #tpu.memory_space<semaphore_mem>>)
      %dma_wait3A = arith.constant 0 : i32
      %dma_wait3A_80 = tpu.memref_slice %arg17[%dma_wait3A] : memref<2400xi32, #tpu.memory_space<vmem>> -> memref<2400xi32, #tpu.memory_space<vmem>>
      %dma_wait3A_81 = tpu.memref_slice %arg25[%add3A_19] : memref<360832xi32, #tpu.memory_space<vmem_shared>> -> memref<2400xi32, #tpu.memory_space<vmem_shared>>
      %dma_wait3A_82 = tpu.memref_slice %arg25[%add3A_19] : memref<360832xi32, #tpu.memory_space<vmem_shared>> -> memref<2400xi32, #tpu.memory_space<vmem_shared>>
      %dma_wait3A_83 = arith.constant 0 : i32
      %dma_wait3A_84 = tpu.memref_slice %arg17[%dma_wait3A_83] : memref<2400xi32, #tpu.memory_space<vmem>> -> memref<2400xi32, #tpu.memory_space<vmem>>
      tpu.wait_dma2 semaphore(%run_scoped3A : memref<!tpu.dma_semaphore, #tpu.memory_space<semaphore_mem>>) src(%dma_wait3A_84 : memref<2400xi32, #tpu.memory_space<vmem>>) dst(%dma_wait3A_82 : memref<2400xi32, #tpu.memory_space<vmem_shared>>)
      tpu.yield
    }) : () -> ()
    %add3A_20 = arith.constant 14400 : i32
    %add3A_21 = arith.addi %mul3A_7, %add3A_20 : i32
    "tpu.region"() ({
      %run_scoped3A = tpu.sem_alloc : memref<!tpu.dma_semaphore, #tpu.memory_space<semaphore_mem>>
      %dma_start3A = arith.constant 0 : i32
      %dma_start3A_75 = tpu.memref_slice %arg17[%dma_start3A] : memref<2400xi32, #tpu.memory_space<vmem>> -> memref<2400xi32, #tpu.memory_space<vmem>>
      %dma_start3A_76 = tpu.memref_slice %arg25[%add3A_21] : memref<360832xi32, #tpu.memory_space<vmem_shared>> -> memref<2400xi32, #tpu.memory_space<vmem_shared>>
      %dma_start3A_77 = tpu.memref_slice %arg25[%add3A_21] : memref<360832xi32, #tpu.memory_space<vmem_shared>> -> memref<2400xi32, #tpu.memory_space<vmem_shared>>
      %dma_start3A_78 = arith.constant 0 : i32
      %dma_start3A_79 = tpu.memref_slice %arg17[%dma_start3A_78] : memref<2400xi32, #tpu.memory_space<vmem>> -> memref<2400xi32, #tpu.memory_space<vmem>>
      tpu.enqueue_dma source(%dma_start3A_79 : memref<2400xi32, #tpu.memory_space<vmem>>) target(%dma_start3A_77 : memref<2400xi32, #tpu.memory_space<vmem_shared>>) target_semaphore(%run_scoped3A : memref<!tpu.dma_semaphore, #tpu.memory_space<semaphore_mem>>)
      %dma_wait3A = arith.constant 0 : i32
      %dma_wait3A_80 = tpu.memref_slice %arg17[%dma_wait3A] : memref<2400xi32, #tpu.memory_space<vmem>> -> memref<2400xi32, #tpu.memory_space<vmem>>
      %dma_wait3A_81 = tpu.memref_slice %arg25[%add3A_21] : memref<360832xi32, #tpu.memory_space<vmem_shared>> -> memref<2400xi32, #tpu.memory_space<vmem_shared>>
      %dma_wait3A_82 = tpu.memref_slice %arg25[%add3A_21] : memref<360832xi32, #tpu.memory_space<vmem_shared>> -> memref<2400xi32, #tpu.memory_space<vmem_shared>>
      %dma_wait3A_83 = arith.constant 0 : i32
      %dma_wait3A_84 = tpu.memref_slice %arg17[%dma_wait3A_83] : memref<2400xi32, #tpu.memory_space<vmem>> -> memref<2400xi32, #tpu.memory_space<vmem>>
      tpu.wait_dma2 semaphore(%run_scoped3A : memref<!tpu.dma_semaphore, #tpu.memory_space<semaphore_mem>>) src(%dma_wait3A_84 : memref<2400xi32, #tpu.memory_space<vmem>>) dst(%dma_wait3A_82 : memref<2400xi32, #tpu.memory_space<vmem_shared>>)
      tpu.yield
    }) : () -> ()
    %add3A_22 = arith.constant 16800 : i32
    %add3A_23 = arith.addi %mul3A_7, %add3A_22 : i32
    "tpu.region"() ({
      %run_scoped3A = tpu.sem_alloc : memref<!tpu.dma_semaphore, #tpu.memory_space<semaphore_mem>>
      %dma_start3A = arith.constant 0 : i32
      %dma_start3A_75 = tpu.memref_slice %arg17[%dma_start3A] : memref<2400xi32, #tpu.memory_space<vmem>> -> memref<2400xi32, #tpu.memory_space<vmem>>
      %dma_start3A_76 = tpu.memref_slice %arg25[%add3A_23] : memref<360832xi32, #tpu.memory_space<vmem_shared>> -> memref<2400xi32, #tpu.memory_space<vmem_shared>>
      %dma_start3A_77 = tpu.memref_slice %arg25[%add3A_23] : memref<360832xi32, #tpu.memory_space<vmem_shared>> -> memref<2400xi32, #tpu.memory_space<vmem_shared>>
      %dma_start3A_78 = arith.constant 0 : i32
      %dma_start3A_79 = tpu.memref_slice %arg17[%dma_start3A_78] : memref<2400xi32, #tpu.memory_space<vmem>> -> memref<2400xi32, #tpu.memory_space<vmem>>
      tpu.enqueue_dma source(%dma_start3A_79 : memref<2400xi32, #tpu.memory_space<vmem>>) target(%dma_start3A_77 : memref<2400xi32, #tpu.memory_space<vmem_shared>>) target_semaphore(%run_scoped3A : memref<!tpu.dma_semaphore, #tpu.memory_space<semaphore_mem>>)
      %dma_wait3A = arith.constant 0 : i32
      %dma_wait3A_80 = tpu.memref_slice %arg17[%dma_wait3A] : memref<2400xi32, #tpu.memory_space<vmem>> -> memref<2400xi32, #tpu.memory_space<vmem>>
      %dma_wait3A_81 = tpu.memref_slice %arg25[%add3A_23] : memref<360832xi32, #tpu.memory_space<vmem_shared>> -> memref<2400xi32, #tpu.memory_space<vmem_shared>>
      %dma_wait3A_82 = tpu.memref_slice %arg25[%add3A_23] : memref<360832xi32, #tpu.memory_space<vmem_shared>> -> memref<2400xi32, #tpu.memory_space<vmem_shared>>
      %dma_wait3A_83 = arith.constant 0 : i32
      %dma_wait3A_84 = tpu.memref_slice %arg17[%dma_wait3A_83] : memref<2400xi32, #tpu.memory_space<vmem>> -> memref<2400xi32, #tpu.memory_space<vmem>>
      tpu.wait_dma2 semaphore(%run_scoped3A : memref<!tpu.dma_semaphore, #tpu.memory_space<semaphore_mem>>) src(%dma_wait3A_84 : memref<2400xi32, #tpu.memory_space<vmem>>) dst(%dma_wait3A_82 : memref<2400xi32, #tpu.memory_space<vmem_shared>>)
      tpu.yield
    }) : () -> ()
    %add3A_24 = arith.constant 19200 : i32
    %add3A_25 = arith.addi %mul3A_7, %add3A_24 : i32
    "tpu.region"() ({
      %run_scoped3A = tpu.sem_alloc : memref<!tpu.dma_semaphore, #tpu.memory_space<semaphore_mem>>
      %dma_start3A = arith.constant 0 : i32
      %dma_start3A_75 = tpu.memref_slice %arg17[%dma_start3A] : memref<2400xi32, #tpu.memory_space<vmem>> -> memref<2400xi32, #tpu.memory_space<vmem>>
      %dma_start3A_76 = tpu.memref_slice %arg25[%add3A_25] : memref<360832xi32, #tpu.memory_space<vmem_shared>> -> memref<2400xi32, #tpu.memory_space<vmem_shared>>
      %dma_start3A_77 = tpu.memref_slice %arg25[%add3A_25] : memref<360832xi32, #tpu.memory_space<vmem_shared>> -> memref<2400xi32, #tpu.memory_space<vmem_shared>>
      %dma_start3A_78 = arith.constant 0 : i32
      %dma_start3A_79 = tpu.memref_slice %arg17[%dma_start3A_78] : memref<2400xi32, #tpu.memory_space<vmem>> -> memref<2400xi32, #tpu.memory_space<vmem>>
      tpu.enqueue_dma source(%dma_start3A_79 : memref<2400xi32, #tpu.memory_space<vmem>>) target(%dma_start3A_77 : memref<2400xi32, #tpu.memory_space<vmem_shared>>) target_semaphore(%run_scoped3A : memref<!tpu.dma_semaphore, #tpu.memory_space<semaphore_mem>>)
      %dma_wait3A = arith.constant 0 : i32
      %dma_wait3A_80 = tpu.memref_slice %arg17[%dma_wait3A] : memref<2400xi32, #tpu.memory_space<vmem>> -> memref<2400xi32, #tpu.memory_space<vmem>>
      %dma_wait3A_81 = tpu.memref_slice %arg25[%add3A_25] : memref<360832xi32, #tpu.memory_space<vmem_shared>> -> memref<2400xi32, #tpu.memory_space<vmem_shared>>
      %dma_wait3A_82 = tpu.memref_slice %arg25[%add3A_25] : memref<360832xi32, #tpu.memory_space<vmem_shared>> -> memref<2400xi32, #tpu.memory_space<vmem_shared>>
      %dma_wait3A_83 = arith.constant 0 : i32
      %dma_wait3A_84 = tpu.memref_slice %arg17[%dma_wait3A_83] : memref<2400xi32, #tpu.memory_space<vmem>> -> memref<2400xi32, #tpu.memory_space<vmem>>
      tpu.wait_dma2 semaphore(%run_scoped3A : memref<!tpu.dma_semaphore, #tpu.memory_space<semaphore_mem>>) src(%dma_wait3A_84 : memref<2400xi32, #tpu.memory_space<vmem>>) dst(%dma_wait3A_82 : memref<2400xi32, #tpu.memory_space<vmem_shared>>)
      tpu.yield
    }) : () -> ()
    %add3A_26 = arith.constant 21600 : i32
    %add3A_27 = arith.addi %mul3A_7, %add3A_26 : i32
    "tpu.region"() ({
      %run_scoped3A = tpu.sem_alloc : memref<!tpu.dma_semaphore, #tpu.memory_space<semaphore_mem>>
      %dma_start3A = arith.constant 0 : i32
      %dma_start3A_75 = tpu.memref_slice %arg17[%dma_start3A] : memref<2400xi32, #tpu.memory_space<vmem>> -> memref<952xi32, #tpu.memory_space<vmem>>
      %dma_start3A_76 = tpu.memref_slice %arg25[%add3A_27] : memref<360832xi32, #tpu.memory_space<vmem_shared>> -> memref<952xi32, #tpu.memory_space<vmem_shared>>
      %dma_start3A_77 = tpu.memref_slice %arg25[%add3A_27] : memref<360832xi32, #tpu.memory_space<vmem_shared>> -> memref<952xi32, #tpu.memory_space<vmem_shared>>
      %dma_start3A_78 = arith.constant 0 : i32
      %dma_start3A_79 = tpu.memref_slice %arg17[%dma_start3A_78] : memref<2400xi32, #tpu.memory_space<vmem>> -> memref<952xi32, #tpu.memory_space<vmem>>
      tpu.enqueue_dma source(%dma_start3A_79 : memref<952xi32, #tpu.memory_space<vmem>>) target(%dma_start3A_77 : memref<952xi32, #tpu.memory_space<vmem_shared>>) target_semaphore(%run_scoped3A : memref<!tpu.dma_semaphore, #tpu.memory_space<semaphore_mem>>)
      %dma_wait3A = arith.constant 0 : i32
      %dma_wait3A_80 = tpu.memref_slice %arg17[%dma_wait3A] : memref<2400xi32, #tpu.memory_space<vmem>> -> memref<952xi32, #tpu.memory_space<vmem>>
      %dma_wait3A_81 = tpu.memref_slice %arg25[%add3A_27] : memref<360832xi32, #tpu.memory_space<vmem_shared>> -> memref<952xi32, #tpu.memory_space<vmem_shared>>
      %dma_wait3A_82 = tpu.memref_slice %arg25[%add3A_27] : memref<360832xi32, #tpu.memory_space<vmem_shared>> -> memref<952xi32, #tpu.memory_space<vmem_shared>>
      %dma_wait3A_83 = arith.constant 0 : i32
      %dma_wait3A_84 = tpu.memref_slice %arg17[%dma_wait3A_83] : memref<2400xi32, #tpu.memory_space<vmem>> -> memref<952xi32, #tpu.memory_space<vmem>>
      tpu.wait_dma2 semaphore(%run_scoped3A : memref<!tpu.dma_semaphore, #tpu.memory_space<semaphore_mem>>) src(%dma_wait3A_84 : memref<952xi32, #tpu.memory_space<vmem>>) dst(%dma_wait3A_82 : memref<952xi32, #tpu.memory_space<vmem_shared>>)
      tpu.yield
    }) : () -> ()
    %barrier3A = arith.constant 0 : index
    tpu.barrier barrier_id(%barrier3A)
    %mul3A_28 = arith.constant 9600 : i32
    %mul3A_29 = arith.muli %arg1, %mul3A_28 : i32
    %add3A_30 = arith.constant 0 : i32
    %add3A_31 = arith.addi %mul3A_29, %add3A_30 : i32
    "tpu.region"() ({
      %run_scoped3A = tpu.sem_alloc : memref<!tpu.dma_semaphore, #tpu.memory_space<semaphore_mem>>
      %dma_start3A = tpu.memref_slice %arg2[%add3A_31] : memref<153600xi32, #tpu.memory_space<hbm>> -> memref<2400xi32, #tpu.memory_space<hbm>>
      %dma_start3A_75 = tpu.memref_slice %arg2[%add3A_31] : memref<153600xi32, #tpu.memory_space<hbm>> -> memref<2400xi32, #tpu.memory_space<hbm>>
      tpu.enqueue_dma source(%dma_start3A_75 : memref<2400xi32, #tpu.memory_space<hbm>>) target(%arg10 : memref<2400xi32, #tpu.memory_space<vmem>>) target_semaphore(%run_scoped3A : memref<!tpu.dma_semaphore, #tpu.memory_space<semaphore_mem>>)
      %dma_wait3A = tpu.memref_slice %arg2[%add3A_31] : memref<153600xi32, #tpu.memory_space<hbm>> -> memref<2400xi32, #tpu.memory_space<hbm>>
      %dma_wait3A_76 = tpu.memref_slice %arg2[%add3A_31] : memref<153600xi32, #tpu.memory_space<hbm>> -> memref<2400xi32, #tpu.memory_space<hbm>>
      tpu.wait_dma2 semaphore(%run_scoped3A : memref<!tpu.dma_semaphore, #tpu.memory_space<semaphore_mem>>) src(%dma_wait3A_76 : memref<2400xi32, #tpu.memory_space<hbm>>) dst(%arg10 : memref<2400xi32, #tpu.memory_space<vmem>>)
      tpu.yield
    }) : () -> ()
    "tpu.region"() ({
      %run_scoped3A = tpu.sem_alloc : memref<!tpu.dma_semaphore, #tpu.memory_space<semaphore_mem>>
      %dma_start3A = tpu.memref_slice %arg3[%add3A_31] : memref<153600xi32, #tpu.memory_space<hbm>> -> memref<2400xi32, #tpu.memory_space<hbm>>
      %dma_start3A_75 = tpu.memref_slice %arg3[%add3A_31] : memref<153600xi32, #tpu.memory_space<hbm>> -> memref<2400xi32, #tpu.memory_space<hbm>>
      tpu.enqueue_dma source(%dma_start3A_75 : memref<2400xi32, #tpu.memory_space<hbm>>) target(%arg11 : memref<2400xi32, #tpu.memory_space<vmem>>) target_semaphore(%run_scoped3A : memref<!tpu.dma_semaphore, #tpu.memory_space<semaphore_mem>>)
      %dma_wait3A = tpu.memref_slice %arg3[%add3A_31] : memref<153600xi32, #tpu.memory_space<hbm>> -> memref<2400xi32, #tpu.memory_space<hbm>>
      %dma_wait3A_76 = tpu.memref_slice %arg3[%add3A_31] : memref<153600xi32, #tpu.memory_space<hbm>> -> memref<2400xi32, #tpu.memory_space<hbm>>
      tpu.wait_dma2 semaphore(%run_scoped3A : memref<!tpu.dma_semaphore, #tpu.memory_space<semaphore_mem>>) src(%dma_wait3A_76 : memref<2400xi32, #tpu.memory_space<hbm>>) dst(%arg11 : memref<2400xi32, #tpu.memory_space<vmem>>)
      tpu.yield
    }) : () -> ()
    "tpu.region"() ({
      %run_scoped3A = tpu.sem_alloc : memref<!tpu.dma_semaphore, #tpu.memory_space<semaphore_mem>>
      %dma_start3A = tpu.memref_slice %arg4[%add3A_31] : memref<153600xi32, #tpu.memory_space<hbm>> -> memref<2400xi32, #tpu.memory_space<hbm>>
      %dma_start3A_75 = tpu.memref_slice %arg4[%add3A_31] : memref<153600xi32, #tpu.memory_space<hbm>> -> memref<2400xi32, #tpu.memory_space<hbm>>
      tpu.enqueue_dma source(%dma_start3A_75 : memref<2400xi32, #tpu.memory_space<hbm>>) target(%arg12 : memref<2400xi32, #tpu.memory_space<vmem>>) target_semaphore(%run_scoped3A : memref<!tpu.dma_semaphore, #tpu.memory_space<semaphore_mem>>)
      %dma_wait3A = tpu.memref_slice %arg4[%add3A_31] : memref<153600xi32, #tpu.memory_space<hbm>> -> memref<2400xi32, #tpu.memory_space<hbm>>
      %dma_wait3A_76 = tpu.memref_slice %arg4[%add3A_31] : memref<153600xi32, #tpu.memory_space<hbm>> -> memref<2400xi32, #tpu.memory_space<hbm>>
      tpu.wait_dma2 semaphore(%run_scoped3A : memref<!tpu.dma_semaphore, #tpu.memory_space<semaphore_mem>>) src(%dma_wait3A_76 : memref<2400xi32, #tpu.memory_space<hbm>>) dst(%arg12 : memref<2400xi32, #tpu.memory_space<vmem>>)
      tpu.yield
    }) : () -> ()
    "tpu.region"() ({
      %run_scoped3A = tpu.sem_alloc : memref<!tpu.dma_semaphore, #tpu.memory_space<semaphore_mem>>
      %dma_start3A = tpu.memref_slice %arg5[%add3A_31] : memref<153600xi32, #tpu.memory_space<hbm>> -> memref<2400xi32, #tpu.memory_space<hbm>>
      %dma_start3A_75 = tpu.memref_slice %arg5[%add3A_31] : memref<153600xi32, #tpu.memory_space<hbm>> -> memref<2400xi32, #tpu.memory_space<hbm>>
      tpu.enqueue_dma source(%dma_start3A_75 : memref<2400xi32, #tpu.memory_space<hbm>>) target(%arg13 : memref<2400xi32, #tpu.memory_space<vmem>>) target_semaphore(%run_scoped3A : memref<!tpu.dma_semaphore, #tpu.memory_space<semaphore_mem>>)
      %dma_wait3A = tpu.memref_slice %arg5[%add3A_31] : memref<153600xi32, #tpu.memory_space<hbm>> -> memref<2400xi32, #tpu.memory_space<hbm>>
      %dma_wait3A_76 = tpu.memref_slice %arg5[%add3A_31] : memref<153600xi32, #tpu.memory_space<hbm>> -> memref<2400xi32, #tpu.memory_space<hbm>>
      tpu.wait_dma2 semaphore(%run_scoped3A : memref<!tpu.dma_semaphore, #tpu.memory_space<semaphore_mem>>) src(%dma_wait3A_76 : memref<2400xi32, #tpu.memory_space<hbm>>) dst(%arg13 : memref<2400xi32, #tpu.memory_space<vmem>>)
      tpu.yield
    }) : () -> ()
    %scan3A_32 = arith.constant 0 : i32
    %scan3A_33 = arith.constant 0 : i32
    %scan3A_34 = arith.constant 150 : i32
    %scan3A_35 = arith.addi %scan3A_33, %scan3A_34 : i32
    %scan3A_36 = arith.constant 1 : i32
    scf.for %scan3A_75 = %scan3A_33 to %scan3A_35 step %scan3A_36  : i32 {
      %mul3A_76 = arith.constant 16 : i32
      %mul3A_77 = arith.muli %scan3A_75, %mul3A_76 : i32
      %get3A = arith.index_cast %mul3A_77 : i32 to index
      %get3A_78 = tpu.vector_load %arg10[%get3A] {strides = array<i32>} : memref<2400xi32, #tpu.memory_space<vmem>>, vector<16xi32>,
      %mul3A_79 = arith.constant 41 : i32
      %mul3A_80 = vector.broadcast %mul3A_79 : i32 to vector<16xi32>
      %mul3A_81 = arith.muli %get3A_78, %mul3A_80 : vector<16xi32>
      %get3A_82 = arith.index_cast %mul3A_77 : i32 to index
      %get3A_83 = tpu.vector_load %arg11[%get3A_82] {strides = array<i32>} : memref<2400xi32, #tpu.memory_space<vmem>>, vector<16xi32>,
      %add3A_84 = arith.addi %mul3A_81, %get3A_83 : vector<16xi32>
      %mul3A_85 = arith.constant 400 : i32
      %mul3A_86 = vector.broadcast %mul3A_85 : i32 to vector<16xi32>
      %mul3A_87 = arith.muli %add3A_84, %mul3A_86 : vector<16xi32>
      %get3A_88 = arith.index_cast %mul3A_77 : i32 to index
      %get3A_89 = tpu.vector_load %arg12[%get3A_88] {strides = array<i32>} : memref<2400xi32, #tpu.memory_space<vmem>>, vector<16xi32>,
      %add3A_90 = arith.addi %mul3A_87, %get3A_89 : vector<16xi32>
      %mul3A_91 = arith.constant 352 : i32
      %mul3A_92 = vector.broadcast %mul3A_91 : i32 to vector<16xi32>
      %mul3A_93 = arith.muli %add3A_90, %mul3A_92 : vector<16xi32>
      %get3A_94 = arith.index_cast %mul3A_77 : i32 to index
      %get3A_95 = tpu.vector_load %arg13[%get3A_94] {strides = array<i32>} : memref<2400xi32, #tpu.memory_space<vmem>>, vector<16xi32>,
      %add3A_96 = arith.addi %mul3A_93, %get3A_95 : vector<16xi32>
      %mul3A_97 = arith.constant 16 : i32
      %mul3A_98 = arith.muli %scan3A_75, %mul3A_97 : i32
      %add3A_99 = arith.addi %add3A_31, %mul3A_98 : i32
      %iota3A = tpu.iota {dimensions = array<i32: 0>} : vector<16xi32>
      %add3A_100 = vector.broadcast %add3A_99 : i32 to vector<16xi32>
      %add3A_101 = arith.addi %add3A_100, %iota3A : vector<16xi32>
      %lt3A = arith.constant 150000 : i32
      %lt3A_102 = vector.broadcast %lt3A : i32 to vector<16xi32>
      %lt3A_103 = arith.cmpi slt, %add3A_101, %lt3A_102 : vector<16xi32>
      %shift_right_arithmetic3A = arith.constant 5 : i32
      %shift_right_arithmetic3A_104 = vector.broadcast %shift_right_arithmetic3A : i32 to vector<16xi32>
      %shift_right_arithmetic3A_105 = arith.shrsi %add3A_96, %shift_right_arithmetic3A_104 : vector<16xi32>
      %jit3A = arith.constant 360800 : i32
      %broadcast_in_dim3A = vector.broadcast %jit3A : i32 to vector<16xi32>
      %select_n3A = arith.select %lt3A_103, %shift_right_arithmetic3A_105, %broadcast_in_dim3A : vector<16xi1>, vector<16xi32>
      %swap3A = arith.index_cast %mul3A_77 : i32 to index
      %swap3A_106 = tpu.vector_load %arg15[%swap3A] {strides = array<i32>} : memref<2400xi32, #tpu.memory_space<vmem>>, vector<16xi32>,
      tpu.vector_store %arg15[%swap3A], %select_n3A {strides = array<i32>} : memref<2400xi32, #tpu.memory_space<vmem>>, vector<16xi32>,
      %and3A = arith.constant 31 : i32
      %and3A_107 = vector.broadcast %and3A : i32 to vector<16xi32>
      %and3A_108 = arith.andi %add3A_96, %and3A_107 : vector<16xi32>
      %shift_left3A = arith.constant 1 : i32
      %shift_left3A_109 = vector.broadcast %shift_left3A : i32 to vector<16xi32>
      %shift_left3A_110 = arith.shli %shift_left3A_109, %and3A_108 : vector<16xi32>
      %jit3A_111 = arith.constant 0 : i32
      %broadcast_in_dim3A_112 = vector.broadcast %jit3A_111 : i32 to vector<16xi32>
      %select_n3A_113 = arith.select %lt3A_103, %shift_left3A_110, %broadcast_in_dim3A_112 : vector<16xi1>, vector<16xi32>
      %swap3A_114 = arith.index_cast %mul3A_77 : i32 to index
      %swap3A_115 = tpu.vector_load %arg17[%swap3A_114] {strides = array<i32>} : memref<2400xi32, #tpu.memory_space<vmem>>, vector<16xi32>,
      tpu.vector_store %arg17[%swap3A_114], %select_n3A_113 {strides = array<i32>} : memref<2400xi32, #tpu.memory_space<vmem>>, vector<16xi32>,
    }
    %scan3A_37 = arith.constant 150 : i32
    "tpu.region"() ({
      %run_scoped3A = tpu.sem_alloc : memref<!tpu.dma_semaphore, #tpu.memory_space<semaphore_mem>>
      %dma_start3A = arith.constant 0 : i32
      %dma_start3A_75 = tpu.memref_slice %arg25[%dma_start3A] : memref<360832xi32, #tpu.memory_space<vmem_shared>> -> memref<360832xi32, #tpu.memory_space<vmem_shared>>
      tpu.enqueue_indirect_dma source(%arg17 : memref<2400xi32, #tpu.memory_space<vmem>>) target(%dma_start3A_75 : memref<360832xi32, #tpu.memory_space<vmem_shared>>) offsets(%arg15 : memref<2400xi32, #tpu.memory_space<vmem>>) semaphore(%run_scoped3A : memref<!tpu.dma_semaphore, #tpu.memory_space<semaphore_mem>>) {add = true}
      %dma_wait3A = arith.constant 0 : i32
      %dma_wait3A_76 = tpu.memref_slice %arg25[%dma_wait3A] : memref<360832xi32, #tpu.memory_space<vmem_shared>> -> memref<360832xi32, #tpu.memory_space<vmem_shared>>
      tpu.wait_indirect_dma semaphore(%run_scoped3A : memref<!tpu.dma_semaphore, #tpu.memory_space<semaphore_mem>>) src(%arg17 : memref<2400xi32, #tpu.memory_space<vmem>>) dst(%dma_wait3A_76 : memref<360832xi32, #tpu.memory_space<vmem_shared>>)
      tpu.yield
    }) : () -> ()
    %mul3A_38 = arith.constant 9600 : i32
    %mul3A_39 = arith.muli %arg1, %mul3A_38 : i32
    %add3A_40 = arith.constant 2400 : i32
    %add3A_41 = arith.addi %mul3A_39, %add3A_40 : i32
    "tpu.region"() ({
      %run_scoped3A = tpu.sem_alloc : memref<!tpu.dma_semaphore, #tpu.memory_space<semaphore_mem>>
      %dma_start3A = tpu.memref_slice %arg2[%add3A_41] : memref<153600xi32, #tpu.memory_space<hbm>> -> memref<2400xi32, #tpu.memory_space<hbm>>
      %dma_start3A_75 = tpu.memref_slice %arg2[%add3A_41] : memref<153600xi32, #tpu.memory_space<hbm>> -> memref<2400xi32, #tpu.memory_space<hbm>>
      tpu.enqueue_dma source(%dma_start3A_75 : memref<2400xi32, #tpu.memory_space<hbm>>) target(%arg10 : memref<2400xi32, #tpu.memory_space<vmem>>) target_semaphore(%run_scoped3A : memref<!tpu.dma_semaphore, #tpu.memory_space<semaphore_mem>>)
      %dma_wait3A = tpu.memref_slice %arg2[%add3A_41] : memref<153600xi32, #tpu.memory_space<hbm>> -> memref<2400xi32, #tpu.memory_space<hbm>>
      %dma_wait3A_76 = tpu.memref_slice %arg2[%add3A_41] : memref<153600xi32, #tpu.memory_space<hbm>> -> memref<2400xi32, #tpu.memory_space<hbm>>
      tpu.wait_dma2 semaphore(%run_scoped3A : memref<!tpu.dma_semaphore, #tpu.memory_space<semaphore_mem>>) src(%dma_wait3A_76 : memref<2400xi32, #tpu.memory_space<hbm>>) dst(%arg10 : memref<2400xi32, #tpu.memory_space<vmem>>)
      tpu.yield
    }) : () -> ()
    "tpu.region"() ({
      %run_scoped3A = tpu.sem_alloc : memref<!tpu.dma_semaphore, #tpu.memory_space<semaphore_mem>>
      %dma_start3A = tpu.memref_slice %arg3[%add3A_41] : memref<153600xi32, #tpu.memory_space<hbm>> -> memref<2400xi32, #tpu.memory_space<hbm>>
      %dma_start3A_75 = tpu.memref_slice %arg3[%add3A_41] : memref<153600xi32, #tpu.memory_space<hbm>> -> memref<2400xi32, #tpu.memory_space<hbm>>
      tpu.enqueue_dma source(%dma_start3A_75 : memref<2400xi32, #tpu.memory_space<hbm>>) target(%arg11 : memref<2400xi32, #tpu.memory_space<vmem>>) target_semaphore(%run_scoped3A : memref<!tpu.dma_semaphore, #tpu.memory_space<semaphore_mem>>)
      %dma_wait3A = tpu.memref_slice %arg3[%add3A_41] : memref<153600xi32, #tpu.memory_space<hbm>> -> memref<2400xi32, #tpu.memory_space<hbm>>
      %dma_wait3A_76 = tpu.memref_slice %arg3[%add3A_41] : memref<153600xi32, #tpu.memory_space<hbm>> -> memref<2400xi32, #tpu.memory_space<hbm>>
      tpu.wait_dma2 semaphore(%run_scoped3A : memref<!tpu.dma_semaphore, #tpu.memory_space<semaphore_mem>>) src(%dma_wait3A_76 : memref<2400xi32, #tpu.memory_space<hbm>>) dst(%arg11 : memref<2400xi32, #tpu.memory_space<vmem>>)
      tpu.yield
    }) : () -> ()
    "tpu.region"() ({
      %run_scoped3A = tpu.sem_alloc : memref<!tpu.dma_semaphore, #tpu.memory_space<semaphore_mem>>
      %dma_start3A = tpu.memref_slice %arg4[%add3A_41] : memref<153600xi32, #tpu.memory_space<hbm>> -> memref<2400xi32, #tpu.memory_space<hbm>>
      %dma_start3A_75 = tpu.memref_slice %arg4[%add3A_41] : memref<153600xi32, #tpu.memory_space<hbm>> -> memref<2400xi32, #tpu.memory_space<hbm>>
      tpu.enqueue_dma source(%dma_start3A_75 : memref<2400xi32, #tpu.memory_space<hbm>>) target(%arg12 : memref<2400xi32, #tpu.memory_space<vmem>>) target_semaphore(%run_scoped3A : memref<!tpu.dma_semaphore, #tpu.memory_space<semaphore_mem>>)
      %dma_wait3A = tpu.memref_slice %arg4[%add3A_41] : memref<153600xi32, #tpu.memory_space<hbm>> -> memref<2400xi32, #tpu.memory_space<hbm>>
      %dma_wait3A_76 = tpu.memref_slice %arg4[%add3A_41] : memref<153600xi32, #tpu.memory_space<hbm>> -> memref<2400xi32, #tpu.memory_space<hbm>>
      tpu.wait_dma2 semaphore(%run_scoped3A : memref<!tpu.dma_semaphore, #tpu.memory_space<semaphore_mem>>) src(%dma_wait3A_76 : memref<2400xi32, #tpu.memory_space<hbm>>) dst(%arg12 : memref<2400xi32, #tpu.memory_space<vmem>>)
      tpu.yield
    }) : () -> ()
    "tpu.region"() ({
      %run_scoped3A = tpu.sem_alloc : memref<!tpu.dma_semaphore, #tpu.memory_space<semaphore_mem>>
      %dma_start3A = tpu.memref_slice %arg5[%add3A_41] : memref<153600xi32, #tpu.memory_space<hbm>> -> memref<2400xi32, #tpu.memory_space<hbm>>
      %dma_start3A_75 = tpu.memref_slice %arg5[%add3A_41] : memref<153600xi32, #tpu.memory_space<hbm>> -> memref<2400xi32, #tpu.memory_space<hbm>>
      tpu.enqueue_dma source(%dma_start3A_75 : memref<2400xi32, #tpu.memory_space<hbm>>) target(%arg13 : memref<2400xi32, #tpu.memory_space<vmem>>) target_semaphore(%run_scoped3A : memref<!tpu.dma_semaphore, #tpu.memory_space<semaphore_mem>>)
      %dma_wait3A = tpu.memref_slice %arg5[%add3A_41] : memref<153600xi32, #tpu.memory_space<hbm>> -> memref<2400xi32, #tpu.memory_space<hbm>>
      %dma_wait3A_76 = tpu.memref_slice %arg5[%add3A_41] : memref<153600xi32, #tpu.memory_space<hbm>> -> memref<2400xi32, #tpu.memory_space<hbm>>
      tpu.wait_dma2 semaphore(%run_scoped3A : memref<!tpu.dma_semaphore, #tpu.memory_space<semaphore_mem>>) src(%dma_wait3A_76 : memref<2400xi32, #tpu.memory_space<hbm>>) dst(%arg13 : memref<2400xi32, #tpu.memory_space<vmem>>)
      tpu.yield
    }) : () -> ()
    %scan3A_42 = arith.constant 0 : i32
    %scan3A_43 = arith.constant 0 : i32
    %scan3A_44 = arith.constant 150 : i32
    %scan3A_45 = arith.addi %scan3A_43, %scan3A_44 : i32
    %scan3A_46 = arith.constant 1 : i32
    scf.for %scan3A_75 = %scan3A_43 to %scan3A_45 step %scan3A_46  : i32 {
      %mul3A_76 = arith.constant 16 : i32
      %mul3A_77 = arith.muli %scan3A_75, %mul3A_76 : i32
      %get3A = arith.index_cast %mul3A_77 : i32 to index
      %get3A_78 = tpu.vector_load %arg10[%get3A] {strides = array<i32>} : memref<2400xi32, #tpu.memory_space<vmem>>, vector<16xi32>,
      %mul3A_79 = arith.constant 41 : i32
      %mul3A_80 = vector.broadcast %mul3A_79 : i32 to vector<16xi32>
      %mul3A_81 = arith.muli %get3A_78, %mul3A_80 : vector<16xi32>
      %get3A_82 = arith.index_cast %mul3A_77 : i32 to index
      %get3A_83 = tpu.vector_load %arg11[%get3A_82] {strides = array<i32>} : memref<2400xi32, #tpu.memory_space<vmem>>, vector<16xi32>,
      %add3A_84 = arith.addi %mul3A_81, %get3A_83 : vector<16xi32>
      %mul3A_85 = arith.constant 400 : i32
      %mul3A_86 = vector.broadcast %mul3A_85 : i32 to vector<16xi32>
      %mul3A_87 = arith.muli %add3A_84, %mul3A_86 : vector<16xi32>
      %get3A_88 = arith.index_cast %mul3A_77 : i32 to index
      %get3A_89 = tpu.vector_load %arg12[%get3A_88] {strides = array<i32>} : memref<2400xi32, #tpu.memory_space<vmem>>, vector<16xi32>,
      %add3A_90 = arith.addi %mul3A_87, %get3A_89 : vector<16xi32>
      %mul3A_91 = arith.constant 352 : i32
      %mul3A_92 = vector.broadcast %mul3A_91 : i32 to vector<16xi32>
      %mul3A_93 = arith.muli %add3A_90, %mul3A_92 : vector<16xi32>
      %get3A_94 = arith.index_cast %mul3A_77 : i32 to index
      %get3A_95 = tpu.vector_load %arg13[%get3A_94] {strides = array<i32>} : memref<2400xi32, #tpu.memory_space<vmem>>, vector<16xi32>,
      %add3A_96 = arith.addi %mul3A_93, %get3A_95 : vector<16xi32>
      %mul3A_97 = arith.constant 16 : i32
      %mul3A_98 = arith.muli %scan3A_75, %mul3A_97 : i32
      %add3A_99 = arith.addi %add3A_41, %mul3A_98 : i32
      %iota3A = tpu.iota {dimensions = array<i32: 0>} : vector<16xi32>
      %add3A_100 = vector.broadcast %add3A_99 : i32 to vector<16xi32>
      %add3A_101 = arith.addi %add3A_100, %iota3A : vector<16xi32>
      %lt3A = arith.constant 150000 : i32
      %lt3A_102 = vector.broadcast %lt3A : i32 to vector<16xi32>
      %lt3A_103 = arith.cmpi slt, %add3A_101, %lt3A_102 : vector<16xi32>
      %shift_right_arithmetic3A = arith.constant 5 : i32
      %shift_right_arithmetic3A_104 = vector.broadcast %shift_right_arithmetic3A : i32 to vector<16xi32>
      %shift_right_arithmetic3A_105 = arith.shrsi %add3A_96, %shift_right_arithmetic3A_104 : vector<16xi32>
      %jit3A = arith.constant 360800 : i32
      %broadcast_in_dim3A = vector.broadcast %jit3A : i32 to vector<16xi32>
      %select_n3A = arith.select %lt3A_103, %shift_right_arithmetic3A_105, %broadcast_in_dim3A : vector<16xi1>, vector<16xi32>
      %swap3A = arith.index_cast %mul3A_77 : i32 to index
      %swap3A_106 = tpu.vector_load %arg15[%swap3A] {strides = array<i32>} : memref<2400xi32, #tpu.memory_space<vmem>>, vector<16xi32>,
      tpu.vector_store %arg15[%swap3A], %select_n3A {strides = array<i32>} : memref<2400xi32, #tpu.memory_space<vmem>>, vector<16xi32>,
      %and3A = arith.constant 31 : i32
      %and3A_107 = vector.broadcast %and3A : i32 to vector<16xi32>
      %and3A_108 = arith.andi %add3A_96, %and3A_107 : vector<16xi32>
      %shift_left3A = arith.constant 1 : i32
      %shift_left3A_109 = vector.broadcast %shift_left3A : i32 to vector<16xi32>
      %shift_left3A_110 = arith.shli %shift_left3A_109, %and3A_108 : vector<16xi32>
      %jit3A_111 = arith.constant 0 : i32
      %broadcast_in_dim3A_112 = vector.broadcast %jit3A_111 : i32 to vector<16xi32>
      %select_n3A_113 = arith.select %lt3A_103, %shift_left3A_110, %broadcast_in_dim3A_112 : vector<16xi1>, vector<16xi32>
      %swap3A_114 = arith.index_cast %mul3A_77 : i32 to index
      %swap3A_115 = tpu.vector_load %arg17[%swap3A_114] {strides = array<i32>} : memref<2400xi32, #tpu.memory_space<vmem>>, vector<16xi32>,
      tpu.vector_store %arg17[%swap3A_114], %select_n3A_113 {strides = array<i32>} : memref<2400xi32, #tpu.memory_space<vmem>>, vector<16xi32>,
    }
    %scan3A_47 = arith.constant 150 : i32
    "tpu.region"() ({
      %run_scoped3A = tpu.sem_alloc : memref<!tpu.dma_semaphore, #tpu.memory_space<semaphore_mem>>
      %dma_start3A = arith.constant 0 : i32
      %dma_start3A_75 = tpu.memref_slice %arg25[%dma_start3A] : memref<360832xi32, #tpu.memory_space<vmem_shared>> -> memref<360832xi32, #tpu.memory_space<vmem_shared>>
      tpu.enqueue_indirect_dma source(%arg17 : memref<2400xi32, #tpu.memory_space<vmem>>) target(%dma_start3A_75 : memref<360832xi32, #tpu.memory_space<vmem_shared>>) offsets(%arg15 : memref<2400xi32, #tpu.memory_space<vmem>>) semaphore(%run_scoped3A : memref<!tpu.dma_semaphore, #tpu.memory_space<semaphore_mem>>) {add = true}
      %dma_wait3A = arith.constant 0 : i32
      %dma_wait3A_76 = tpu.memref_slice %arg25[%dma_wait3A] : memref<360832xi32, #tpu.memory_space<vmem_shared>> -> memref<360832xi32, #tpu.memory_space<vmem_shared>>
      tpu.wait_indirect_dma semaphore(%run_scoped3A : memref<!tpu.dma_semaphore, #tpu.memory_space<semaphore_mem>>) src(%arg17 : memref<2400xi32, #tpu.memory_space<vmem>>) dst(%dma_wait3A_76 : memref<360832xi32, #tpu.memory_space<vmem_shared>>)
      tpu.yield
    }) : () -> ()
    %mul3A_48 = arith.constant 9600 : i32
    %mul3A_49 = arith.muli %arg1, %mul3A_48 : i32
    %add3A_50 = arith.constant 4800 : i32
    %add3A_51 = arith.addi %mul3A_49, %add3A_50 : i32
    "tpu.region"() ({
      %run_scoped3A = tpu.sem_alloc : memref<!tpu.dma_semaphore, #tpu.memory_space<semaphore_mem>>
      %dma_start3A = tpu.memref_slice %arg2[%add3A_51] : memref<153600xi32, #tpu.memory_space<hbm>> -> memref<2400xi32, #tpu.memory_space<hbm>>
      %dma_start3A_75 = tpu.memref_slice %arg2[%add3A_51] : memref<153600xi32, #tpu.memory_space<hbm>> -> memref<2400xi32, #tpu.memory_space<hbm>>
      tpu.enqueue_dma source(%dma_start3A_75 : memref<2400xi32, #tpu.memory_space<hbm>>) target(%arg10 : memref<2400xi32, #tpu.memory_space<vmem>>) target_semaphore(%run_scoped3A : memref<!tpu.dma_semaphore, #tpu.memory_space<semaphore_mem>>)
      %dma_wait3A = tpu.memref_slice %arg2[%add3A_51] : memref<153600xi32, #tpu.memory_space<hbm>> -> memref<2400xi32, #tpu.memory_space<hbm>>
      %dma_wait3A_76 = tpu.memref_slice %arg2[%add3A_51] : memref<153600xi32, #tpu.memory_space<hbm>> -> memref<2400xi32, #tpu.memory_space<hbm>>
      tpu.wait_dma2 semaphore(%run_scoped3A : memref<!tpu.dma_semaphore, #tpu.memory_space<semaphore_mem>>) src(%dma_wait3A_76 : memref<2400xi32, #tpu.memory_space<hbm>>) dst(%arg10 : memref<2400xi32, #tpu.memory_space<vmem>>)
      tpu.yield
    }) : () -> ()
    "tpu.region"() ({
      %run_scoped3A = tpu.sem_alloc : memref<!tpu.dma_semaphore, #tpu.memory_space<semaphore_mem>>
      %dma_start3A = tpu.memref_slice %arg3[%add3A_51] : memref<153600xi32, #tpu.memory_space<hbm>> -> memref<2400xi32, #tpu.memory_space<hbm>>
      %dma_start3A_75 = tpu.memref_slice %arg3[%add3A_51] : memref<153600xi32, #tpu.memory_space<hbm>> -> memref<2400xi32, #tpu.memory_space<hbm>>
      tpu.enqueue_dma source(%dma_start3A_75 : memref<2400xi32, #tpu.memory_space<hbm>>) target(%arg11 : memref<2400xi32, #tpu.memory_space<vmem>>) target_semaphore(%run_scoped3A : memref<!tpu.dma_semaphore, #tpu.memory_space<semaphore_mem>>)
      %dma_wait3A = tpu.memref_slice %arg3[%add3A_51] : memref<153600xi32, #tpu.memory_space<hbm>> -> memref<2400xi32, #tpu.memory_space<hbm>>
      %dma_wait3A_76 = tpu.memref_slice %arg3[%add3A_51] : memref<153600xi32, #tpu.memory_space<hbm>> -> memref<2400xi32, #tpu.memory_space<hbm>>
      tpu.wait_dma2 semaphore(%run_scoped3A : memref<!tpu.dma_semaphore, #tpu.memory_space<semaphore_mem>>) src(%dma_wait3A_76 : memref<2400xi32, #tpu.memory_space<hbm>>) dst(%arg11 : memref<2400xi32, #tpu.memory_space<vmem>>)
      tpu.yield
    }) : () -> ()
    "tpu.region"() ({
      %run_scoped3A = tpu.sem_alloc : memref<!tpu.dma_semaphore, #tpu.memory_space<semaphore_mem>>
      %dma_start3A = tpu.memref_slice %arg4[%add3A_51] : memref<153600xi32, #tpu.memory_space<hbm>> -> memref<2400xi32, #tpu.memory_space<hbm>>
      %dma_start3A_75 = tpu.memref_slice %arg4[%add3A_51] : memref<153600xi32, #tpu.memory_space<hbm>> -> memref<2400xi32, #tpu.memory_space<hbm>>
      tpu.enqueue_dma source(%dma_start3A_75 : memref<2400xi32, #tpu.memory_space<hbm>>) target(%arg12 : memref<2400xi32, #tpu.memory_space<vmem>>) target_semaphore(%run_scoped3A : memref<!tpu.dma_semaphore, #tpu.memory_space<semaphore_mem>>)
      %dma_wait3A = tpu.memref_slice %arg4[%add3A_51] : memref<153600xi32, #tpu.memory_space<hbm>> -> memref<2400xi32, #tpu.memory_space<hbm>>
      %dma_wait3A_76 = tpu.memref_slice %arg4[%add3A_51] : memref<153600xi32, #tpu.memory_space<hbm>> -> memref<2400xi32, #tpu.memory_space<hbm>>
      tpu.wait_dma2 semaphore(%run_scoped3A : memref<!tpu.dma_semaphore, #tpu.memory_space<semaphore_mem>>) src(%dma_wait3A_76 : memref<2400xi32, #tpu.memory_space<hbm>>) dst(%arg12 : memref<2400xi32, #tpu.memory_space<vmem>>)
      tpu.yield
    }) : () -> ()
    "tpu.region"() ({
      %run_scoped3A = tpu.sem_alloc : memref<!tpu.dma_semaphore, #tpu.memory_space<semaphore_mem>>
      %dma_start3A = tpu.memref_slice %arg5[%add3A_51] : memref<153600xi32, #tpu.memory_space<hbm>> -> memref<2400xi32, #tpu.memory_space<hbm>>
      %dma_start3A_75 = tpu.memref_slice %arg5[%add3A_51] : memref<153600xi32, #tpu.memory_space<hbm>> -> memref<2400xi32, #tpu.memory_space<hbm>>
      tpu.enqueue_dma source(%dma_start3A_75 : memref<2400xi32, #tpu.memory_space<hbm>>) target(%arg13 : memref<2400xi32, #tpu.memory_space<vmem>>) target_semaphore(%run_scoped3A : memref<!tpu.dma_semaphore, #tpu.memory_space<semaphore_mem>>)
      %dma_wait3A = tpu.memref_slice %arg5[%add3A_51] : memref<153600xi32, #tpu.memory_space<hbm>> -> memref<2400xi32, #tpu.memory_space<hbm>>
      %dma_wait3A_76 = tpu.memref_slice %arg5[%add3A_51] : memref<153600xi32, #tpu.memory_space<hbm>> -> memref<2400xi32, #tpu.memory_space<hbm>>
      tpu.wait_dma2 semaphore(%run_scoped3A : memref<!tpu.dma_semaphore, #tpu.memory_space<semaphore_mem>>) src(%dma_wait3A_76 : memref<2400xi32, #tpu.memory_space<hbm>>) dst(%arg13 : memref<2400xi32, #tpu.memory_space<vmem>>)
      tpu.yield
    }) : () -> ()
    %scan3A_52 = arith.constant 0 : i32
    %scan3A_53 = arith.constant 0 : i32
    %scan3A_54 = arith.constant 150 : i32
    %scan3A_55 = arith.addi %scan3A_53, %scan3A_54 : i32
    %scan3A_56 = arith.constant 1 : i32
    scf.for %scan3A_75 = %scan3A_53 to %scan3A_55 step %scan3A_56  : i32 {
      %mul3A_76 = arith.constant 16 : i32
      %mul3A_77 = arith.muli %scan3A_75, %mul3A_76 : i32
      %get3A = arith.index_cast %mul3A_77 : i32 to index
      %get3A_78 = tpu.vector_load %arg10[%get3A] {strides = array<i32>} : memref<2400xi32, #tpu.memory_space<vmem>>, vector<16xi32>,
      %mul3A_79 = arith.constant 41 : i32
      %mul3A_80 = vector.broadcast %mul3A_79 : i32 to vector<16xi32>
      %mul3A_81 = arith.muli %get3A_78, %mul3A_80 : vector<16xi32>
      %get3A_82 = arith.index_cast %mul3A_77 : i32 to index
      %get3A_83 = tpu.vector_load %arg11[%get3A_82] {strides = array<i32>} : memref<2400xi32, #tpu.memory_space<vmem>>, vector<16xi32>,
      %add3A_84 = arith.addi %mul3A_81, %get3A_83 : vector<16xi32>
      %mul3A_85 = arith.constant 400 : i32
      %mul3A_86 = vector.broadcast %mul3A_85 : i32 to vector<16xi32>
      %mul3A_87 = arith.muli %add3A_84, %mul3A_86 : vector<16xi32>
      %get3A_88 = arith.index_cast %mul3A_77 : i32 to index
      %get3A_89 = tpu.vector_load %arg12[%get3A_88] {strides = array<i32>} : memref<2400xi32, #tpu.memory_space<vmem>>, vector<16xi32>,
      %add3A_90 = arith.addi %mul3A_87, %get3A_89 : vector<16xi32>
      %mul3A_91 = arith.constant 352 : i32
      %mul3A_92 = vector.broadcast %mul3A_91 : i32 to vector<16xi32>
      %mul3A_93 = arith.muli %add3A_90, %mul3A_92 : vector<16xi32>
      %get3A_94 = arith.index_cast %mul3A_77 : i32 to index
      %get3A_95 = tpu.vector_load %arg13[%get3A_94] {strides = array<i32>} : memref<2400xi32, #tpu.memory_space<vmem>>, vector<16xi32>,
      %add3A_96 = arith.addi %mul3A_93, %get3A_95 : vector<16xi32>
      %mul3A_97 = arith.constant 16 : i32
      %mul3A_98 = arith.muli %scan3A_75, %mul3A_97 : i32
      %add3A_99 = arith.addi %add3A_51, %mul3A_98 : i32
      %iota3A = tpu.iota {dimensions = array<i32: 0>} : vector<16xi32>
      %add3A_100 = vector.broadcast %add3A_99 : i32 to vector<16xi32>
      %add3A_101 = arith.addi %add3A_100, %iota3A : vector<16xi32>
      %lt3A = arith.constant 150000 : i32
      %lt3A_102 = vector.broadcast %lt3A : i32 to vector<16xi32>
      %lt3A_103 = arith.cmpi slt, %add3A_101, %lt3A_102 : vector<16xi32>
      %shift_right_arithmetic3A = arith.constant 5 : i32
      %shift_right_arithmetic3A_104 = vector.broadcast %shift_right_arithmetic3A : i32 to vector<16xi32>
      %shift_right_arithmetic3A_105 = arith.shrsi %add3A_96, %shift_right_arithmetic3A_104 : vector<16xi32>
      %jit3A = arith.constant 360800 : i32
      %broadcast_in_dim3A = vector.broadcast %jit3A : i32 to vector<16xi32>
      %select_n3A = arith.select %lt3A_103, %shift_right_arithmetic3A_105, %broadcast_in_dim3A : vector<16xi1>, vector<16xi32>
      %swap3A = arith.index_cast %mul3A_77 : i32 to index
      %swap3A_106 = tpu.vector_load %arg15[%swap3A] {strides = array<i32>} : memref<2400xi32, #tpu.memory_space<vmem>>, vector<16xi32>,
      tpu.vector_store %arg15[%swap3A], %select_n3A {strides = array<i32>} : memref<2400xi32, #tpu.memory_space<vmem>>, vector<16xi32>,
      %and3A = arith.constant 31 : i32
      %and3A_107 = vector.broadcast %and3A : i32 to vector<16xi32>
      %and3A_108 = arith.andi %add3A_96, %and3A_107 : vector<16xi32>
      %shift_left3A = arith.constant 1 : i32
      %shift_left3A_109 = vector.broadcast %shift_left3A : i32 to vector<16xi32>
      %shift_left3A_110 = arith.shli %shift_left3A_109, %and3A_108 : vector<16xi32>
      %jit3A_111 = arith.constant 0 : i32
      %broadcast_in_dim3A_112 = vector.broadcast %jit3A_111 : i32 to vector<16xi32>
      %select_n3A_113 = arith.select %lt3A_103, %shift_left3A_110, %broadcast_in_dim3A_112 : vector<16xi1>, vector<16xi32>
      %swap3A_114 = arith.index_cast %mul3A_77 : i32 to index
      %swap3A_115 = tpu.vector_load %arg17[%swap3A_114] {strides = array<i32>} : memref<2400xi32, #tpu.memory_space<vmem>>, vector<16xi32>,
      tpu.vector_store %arg17[%swap3A_114], %select_n3A_113 {strides = array<i32>} : memref<2400xi32, #tpu.memory_space<vmem>>, vector<16xi32>,
    }
    %scan3A_57 = arith.constant 150 : i32
    "tpu.region"() ({
      %run_scoped3A = tpu.sem_alloc : memref<!tpu.dma_semaphore, #tpu.memory_space<semaphore_mem>>
      %dma_start3A = arith.constant 0 : i32
      %dma_start3A_75 = tpu.memref_slice %arg25[%dma_start3A] : memref<360832xi32, #tpu.memory_space<vmem_shared>> -> memref<360832xi32, #tpu.memory_space<vmem_shared>>
      tpu.enqueue_indirect_dma source(%arg17 : memref<2400xi32, #tpu.memory_space<vmem>>) target(%dma_start3A_75 : memref<360832xi32, #tpu.memory_space<vmem_shared>>) offsets(%arg15 : memref<2400xi32, #tpu.memory_space<vmem>>) semaphore(%run_scoped3A : memref<!tpu.dma_semaphore, #tpu.memory_space<semaphore_mem>>) {add = true}
      %dma_wait3A = arith.constant 0 : i32
      %dma_wait3A_76 = tpu.memref_slice %arg25[%dma_wait3A] : memref<360832xi32, #tpu.memory_space<vmem_shared>> -> memref<360832xi32, #tpu.memory_space<vmem_shared>>
      tpu.wait_indirect_dma semaphore(%run_scoped3A : memref<!tpu.dma_semaphore, #tpu.memory_space<semaphore_mem>>) src(%arg17 : memref<2400xi32, #tpu.memory_space<vmem>>) dst(%dma_wait3A_76 : memref<360832xi32, #tpu.memory_space<vmem_shared>>)
      tpu.yield
    }) : () -> ()
    %mul3A_58 = arith.constant 9600 : i32
    %mul3A_59 = arith.muli %arg1, %mul3A_58 : i32
    %add3A_60 = arith.constant 7200 : i32
    %add3A_61 = arith.addi %mul3A_59, %add3A_60 : i32
    "tpu.region"() ({
      %run_scoped3A = tpu.sem_alloc : memref<!tpu.dma_semaphore, #tpu.memory_space<semaphore_mem>>
      %dma_start3A = tpu.memref_slice %arg2[%add3A_61] : memref<153600xi32, #tpu.memory_space<hbm>> -> memref<2400xi32, #tpu.memory_space<hbm>>
      %dma_start3A_75 = tpu.memref_slice %arg2[%add3A_61] : memref<153600xi32, #tpu.memory_space<hbm>> -> memref<2400xi32, #tpu.memory_space<hbm>>
      tpu.enqueue_dma source(%dma_start3A_75 : memref<2400xi32, #tpu.memory_space<hbm>>) target(%arg10 : memref<2400xi32, #tpu.memory_space<vmem>>) target_semaphore(%run_scoped3A : memref<!tpu.dma_semaphore, #tpu.memory_space<semaphore_mem>>)
      %dma_wait3A = tpu.memref_slice %arg2[%add3A_61] : memref<153600xi32, #tpu.memory_space<hbm>> -> memref<2400xi32, #tpu.memory_space<hbm>>
      %dma_wait3A_76 = tpu.memref_slice %arg2[%add3A_61] : memref<153600xi32, #tpu.memory_space<hbm>> -> memref<2400xi32, #tpu.memory_space<hbm>>
      tpu.wait_dma2 semaphore(%run_scoped3A : memref<!tpu.dma_semaphore, #tpu.memory_space<semaphore_mem>>) src(%dma_wait3A_76 : memref<2400xi32, #tpu.memory_space<hbm>>) dst(%arg10 : memref<2400xi32, #tpu.memory_space<vmem>>)
      tpu.yield
    }) : () -> ()
    "tpu.region"() ({
      %run_scoped3A = tpu.sem_alloc : memref<!tpu.dma_semaphore, #tpu.memory_space<semaphore_mem>>
      %dma_start3A = tpu.memref_slice %arg3[%add3A_61] : memref<153600xi32, #tpu.memory_space<hbm>> -> memref<2400xi32, #tpu.memory_space<hbm>>
      %dma_start3A_75 = tpu.memref_slice %arg3[%add3A_61] : memref<153600xi32, #tpu.memory_space<hbm>> -> memref<2400xi32, #tpu.memory_space<hbm>>
      tpu.enqueue_dma source(%dma_start3A_75 : memref<2400xi32, #tpu.memory_space<hbm>>) target(%arg11 : memref<2400xi32, #tpu.memory_space<vmem>>) target_semaphore(%run_scoped3A : memref<!tpu.dma_semaphore, #tpu.memory_space<semaphore_mem>>)
      %dma_wait3A = tpu.memref_slice %arg3[%add3A_61] : memref<153600xi32, #tpu.memory_space<hbm>> -> memref<2400xi32, #tpu.memory_space<hbm>>
      %dma_wait3A_76 = tpu.memref_slice %arg3[%add3A_61] : memref<153600xi32, #tpu.memory_space<hbm>> -> memref<2400xi32, #tpu.memory_space<hbm>>
      tpu.wait_dma2 semaphore(%run_scoped3A : memref<!tpu.dma_semaphore, #tpu.memory_space<semaphore_mem>>) src(%dma_wait3A_76 : memref<2400xi32, #tpu.memory_space<hbm>>) dst(%arg11 : memref<2400xi32, #tpu.memory_space<vmem>>)
      tpu.yield
    }) : () -> ()
    "tpu.region"() ({
      %run_scoped3A = tpu.sem_alloc : memref<!tpu.dma_semaphore, #tpu.memory_space<semaphore_mem>>
      %dma_start3A = tpu.memref_slice %arg4[%add3A_61] : memref<153600xi32, #tpu.memory_space<hbm>> -> memref<2400xi32, #tpu.memory_space<hbm>>
      %dma_start3A_75 = tpu.memref_slice %arg4[%add3A_61] : memref<153600xi32, #tpu.memory_space<hbm>> -> memref<2400xi32, #tpu.memory_space<hbm>>
      tpu.enqueue_dma source(%dma_start3A_75 : memref<2400xi32, #tpu.memory_space<hbm>>) target(%arg12 : memref<2400xi32, #tpu.memory_space<vmem>>) target_semaphore(%run_scoped3A : memref<!tpu.dma_semaphore, #tpu.memory_space<semaphore_mem>>)
      %dma_wait3A = tpu.memref_slice %arg4[%add3A_61] : memref<153600xi32, #tpu.memory_space<hbm>> -> memref<2400xi32, #tpu.memory_space<hbm>>
      %dma_wait3A_76 = tpu.memref_slice %arg4[%add3A_61] : memref<153600xi32, #tpu.memory_space<hbm>> -> memref<2400xi32, #tpu.memory_space<hbm>>
      tpu.wait_dma2 semaphore(%run_scoped3A : memref<!tpu.dma_semaphore, #tpu.memory_space<semaphore_mem>>) src(%dma_wait3A_76 : memref<2400xi32, #tpu.memory_space<hbm>>) dst(%arg12 : memref<2400xi32, #tpu.memory_space<vmem>>)
      tpu.yield
    }) : () -> ()
    "tpu.region"() ({
      %run_scoped3A = tpu.sem_alloc : memref<!tpu.dma_semaphore, #tpu.memory_space<semaphore_mem>>
      %dma_start3A = tpu.memref_slice %arg5[%add3A_61] : memref<153600xi32, #tpu.memory_space<hbm>> -> memref<2400xi32, #tpu.memory_space<hbm>>
      %dma_start3A_75 = tpu.memref_slice %arg5[%add3A_61] : memref<153600xi32, #tpu.memory_space<hbm>> -> memref<2400xi32, #tpu.memory_space<hbm>>
      tpu.enqueue_dma source(%dma_start3A_75 : memref<2400xi32, #tpu.memory_space<hbm>>) target(%arg13 : memref<2400xi32, #tpu.memory_space<vmem>>) target_semaphore(%run_scoped3A : memref<!tpu.dma_semaphore, #tpu.memory_space<semaphore_mem>>)
      %dma_wait3A = tpu.memref_slice %arg5[%add3A_61] : memref<153600xi32, #tpu.memory_space<hbm>> -> memref<2400xi32, #tpu.memory_space<hbm>>
      %dma_wait3A_76 = tpu.memref_slice %arg5[%add3A_61] : memref<153600xi32, #tpu.memory_space<hbm>> -> memref<2400xi32, #tpu.memory_space<hbm>>
      tpu.wait_dma2 semaphore(%run_scoped3A : memref<!tpu.dma_semaphore, #tpu.memory_space<semaphore_mem>>) src(%dma_wait3A_76 : memref<2400xi32, #tpu.memory_space<hbm>>) dst(%arg13 : memref<2400xi32, #tpu.memory_space<vmem>>)
      tpu.yield
    }) : () -> ()
    %scan3A_62 = arith.constant 0 : i32
    %scan3A_63 = arith.constant 0 : i32
    %scan3A_64 = arith.constant 150 : i32
    %scan3A_65 = arith.addi %scan3A_63, %scan3A_64 : i32
    %scan3A_66 = arith.constant 1 : i32
    scf.for %scan3A_75 = %scan3A_63 to %scan3A_65 step %scan3A_66  : i32 {
      %mul3A_76 = arith.constant 16 : i32
      %mul3A_77 = arith.muli %scan3A_75, %mul3A_76 : i32
      %get3A = arith.index_cast %mul3A_77 : i32 to index
      %get3A_78 = tpu.vector_load %arg10[%get3A] {strides = array<i32>} : memref<2400xi32, #tpu.memory_space<vmem>>, vector<16xi32>,
      %mul3A_79 = arith.constant 41 : i32
      %mul3A_80 = vector.broadcast %mul3A_79 : i32 to vector<16xi32>
      %mul3A_81 = arith.muli %get3A_78, %mul3A_80 : vector<16xi32>
      %get3A_82 = arith.index_cast %mul3A_77 : i32 to index
      %get3A_83 = tpu.vector_load %arg11[%get3A_82] {strides = array<i32>} : memref<2400xi32, #tpu.memory_space<vmem>>, vector<16xi32>,
      %add3A_84 = arith.addi %mul3A_81, %get3A_83 : vector<16xi32>
      %mul3A_85 = arith.constant 400 : i32
      %mul3A_86 = vector.broadcast %mul3A_85 : i32 to vector<16xi32>
      %mul3A_87 = arith.muli %add3A_84, %mul3A_86 : vector<16xi32>
      %get3A_88 = arith.index_cast %mul3A_77 : i32 to index
      %get3A_89 = tpu.vector_load %arg12[%get3A_88] {strides = array<i32>} : memref<2400xi32, #tpu.memory_space<vmem>>, vector<16xi32>,
      %add3A_90 = arith.addi %mul3A_87, %get3A_89 : vector<16xi32>
      %mul3A_91 = arith.constant 352 : i32
      %mul3A_92 = vector.broadcast %mul3A_91 : i32 to vector<16xi32>
      %mul3A_93 = arith.muli %add3A_90, %mul3A_92 : vector<16xi32>
      %get3A_94 = arith.index_cast %mul3A_77 : i32 to index
      %get3A_95 = tpu.vector_load %arg13[%get3A_94] {strides = array<i32>} : memref<2400xi32, #tpu.memory_space<vmem>>, vector<16xi32>,
      %add3A_96 = arith.addi %mul3A_93, %get3A_95 : vector<16xi32>
      %mul3A_97 = arith.constant 16 : i32
      %mul3A_98 = arith.muli %scan3A_75, %mul3A_97 : i32
      %add3A_99 = arith.addi %add3A_61, %mul3A_98 : i32
      %iota3A = tpu.iota {dimensions = array<i32: 0>} : vector<16xi32>
      %add3A_100 = vector.broadcast %add3A_99 : i32 to vector<16xi32>
      %add3A_101 = arith.addi %add3A_100, %iota3A : vector<16xi32>
      %lt3A = arith.constant 150000 : i32
      %lt3A_102 = vector.broadcast %lt3A : i32 to vector<16xi32>
      %lt3A_103 = arith.cmpi slt, %add3A_101, %lt3A_102 : vector<16xi32>
      %shift_right_arithmetic3A = arith.constant 5 : i32
      %shift_right_arithmetic3A_104 = vector.broadcast %shift_right_arithmetic3A : i32 to vector<16xi32>
      %shift_right_arithmetic3A_105 = arith.shrsi %add3A_96, %shift_right_arithmetic3A_104 : vector<16xi32>
      %jit3A = arith.constant 360800 : i32
      %broadcast_in_dim3A = vector.broadcast %jit3A : i32 to vector<16xi32>
      %select_n3A = arith.select %lt3A_103, %shift_right_arithmetic3A_105, %broadcast_in_dim3A : vector<16xi1>, vector<16xi32>
      %swap3A = arith.index_cast %mul3A_77 : i32 to index
      %swap3A_106 = tpu.vector_load %arg15[%swap3A] {strides = array<i32>} : memref<2400xi32, #tpu.memory_space<vmem>>, vector<16xi32>,
      tpu.vector_store %arg15[%swap3A], %select_n3A {strides = array<i32>} : memref<2400xi32, #tpu.memory_space<vmem>>, vector<16xi32>,
      %and3A = arith.constant 31 : i32
      %and3A_107 = vector.broadcast %and3A : i32 to vector<16xi32>
      %and3A_108 = arith.andi %add3A_96, %and3A_107 : vector<16xi32>
      %shift_left3A = arith.constant 1 : i32
      %shift_left3A_109 = vector.broadcast %shift_left3A : i32 to vector<16xi32>
      %shift_left3A_110 = arith.shli %shift_left3A_109, %and3A_108 : vector<16xi32>
      %jit3A_111 = arith.constant 0 : i32
      %broadcast_in_dim3A_112 = vector.broadcast %jit3A_111 : i32 to vector<16xi32>
      %select_n3A_113 = arith.select %lt3A_103, %shift_left3A_110, %broadcast_in_dim3A_112 : vector<16xi1>, vector<16xi32>
      %swap3A_114 = arith.index_cast %mul3A_77 : i32 to index
      %swap3A_115 = tpu.vector_load %arg17[%swap3A_114] {strides = array<i32>} : memref<2400xi32, #tpu.memory_space<vmem>>, vector<16xi32>,
      tpu.vector_store %arg17[%swap3A_114], %select_n3A_113 {strides = array<i32>} : memref<2400xi32, #tpu.memory_space<vmem>>, vector<16xi32>,
    }
    %scan3A_67 = arith.constant 150 : i32
    "tpu.region"() ({
      %run_scoped3A = tpu.sem_alloc : memref<!tpu.dma_semaphore, #tpu.memory_space<semaphore_mem>>
      %dma_start3A = arith.constant 0 : i32
      %dma_start3A_75 = tpu.memref_slice %arg25[%dma_start3A] : memref<360832xi32, #tpu.memory_space<vmem_shared>> -> memref<360832xi32, #tpu.memory_space<vmem_shared>>
      tpu.enqueue_indirect_dma source(%arg17 : memref<2400xi32, #tpu.memory_space<vmem>>) target(%dma_start3A_75 : memref<360832xi32, #tpu.memory_space<vmem_shared>>) offsets(%arg15 : memref<2400xi32, #tpu.memory_space<vmem>>) semaphore(%run_scoped3A : memref<!tpu.dma_semaphore, #tpu.memory_space<semaphore_mem>>) {add = true}
      %dma_wait3A = arith.constant 0 : i32
      %dma_wait3A_76 = tpu.memref_slice %arg25[%dma_wait3A] : memref<360832xi32, #tpu.memory_space<vmem_shared>> -> memref<360832xi32, #tpu.memory_space<vmem_shared>>
      tpu.wait_indirect_dma semaphore(%run_scoped3A : memref<!tpu.dma_semaphore, #tpu.memory_space<semaphore_mem>>) src(%arg17 : memref<2400xi32, #tpu.memory_space<vmem>>) dst(%dma_wait3A_76 : memref<360832xi32, #tpu.memory_space<vmem_shared>>)
      tpu.yield
    }) : () -> ()
    %barrier3A_68 = arith.constant 0 : index
    tpu.barrier barrier_id(%barrier3A_68)
    %scan3A_69 = arith.constant 0 : i32
    %scan3A_70 = arith.constant 0 : i32
    %scan3A_71 = arith.constant 2 : i32
    %scan3A_72 = arith.addi %scan3A_70, %scan3A_71 : i32
    %scan3A_73 = arith.constant 1 : i32
    scf.for %scan3A_75 = %scan3A_70 to %scan3A_72 step %scan3A_73  : i32 {
      %mul3A_76 = arith.constant 4800 : i32
      %mul3A_77 = arith.muli %add3A, %mul3A_76 : i32
      %mul3A_78 = arith.constant 2400 : i32
      %mul3A_79 = arith.muli %scan3A_75, %mul3A_78 : i32
      %add3A_80 = arith.addi %mul3A_77, %mul3A_79 : i32
      "tpu.region"() ({
        %run_scoped3A = tpu.sem_alloc : memref<!tpu.dma_semaphore, #tpu.memory_space<semaphore_mem>>
        %dma_start3A = tpu.memref_slice %arg2[%add3A_80] : memref<153600xi32, #tpu.memory_space<hbm>> -> memref<2400xi32, #tpu.memory_space<hbm>>
        %dma_start3A_93 = tpu.memref_slice %arg2[%add3A_80] : memref<153600xi32, #tpu.memory_space<hbm>> -> memref<2400xi32, #tpu.memory_space<hbm>>
        tpu.enqueue_dma source(%dma_start3A_93 : memref<2400xi32, #tpu.memory_space<hbm>>) target(%arg10 : memref<2400xi32, #tpu.memory_space<vmem>>) target_semaphore(%run_scoped3A : memref<!tpu.dma_semaphore, #tpu.memory_space<semaphore_mem>>)
        %dma_wait3A = tpu.memref_slice %arg2[%add3A_80] : memref<153600xi32, #tpu.memory_space<hbm>> -> memref<2400xi32, #tpu.memory_space<hbm>>
        %dma_wait3A_94 = tpu.memref_slice %arg2[%add3A_80] : memref<153600xi32, #tpu.memory_space<hbm>> -> memref<2400xi32, #tpu.memory_space<hbm>>
        tpu.wait_dma2 semaphore(%run_scoped3A : memref<!tpu.dma_semaphore, #tpu.memory_space<semaphore_mem>>) src(%dma_wait3A_94 : memref<2400xi32, #tpu.memory_space<hbm>>) dst(%arg10 : memref<2400xi32, #tpu.memory_space<vmem>>)
        tpu.yield
      }) : () -> ()
      "tpu.region"() ({
        %run_scoped3A = tpu.sem_alloc : memref<!tpu.dma_semaphore, #tpu.memory_space<semaphore_mem>>
        %dma_start3A = tpu.memref_slice %arg3[%add3A_80] : memref<153600xi32, #tpu.memory_space<hbm>> -> memref<2400xi32, #tpu.memory_space<hbm>>
        %dma_start3A_93 = tpu.memref_slice %arg3[%add3A_80] : memref<153600xi32, #tpu.memory_space<hbm>> -> memref<2400xi32, #tpu.memory_space<hbm>>
        tpu.enqueue_dma source(%dma_start3A_93 : memref<2400xi32, #tpu.memory_space<hbm>>) target(%arg11 : memref<2400xi32, #tpu.memory_space<vmem>>) target_semaphore(%run_scoped3A : memref<!tpu.dma_semaphore, #tpu.memory_space<semaphore_mem>>)
        %dma_wait3A = tpu.memref_slice %arg3[%add3A_80] : memref<153600xi32, #tpu.memory_space<hbm>> -> memref<2400xi32, #tpu.memory_space<hbm>>
        %dma_wait3A_94 = tpu.memref_slice %arg3[%add3A_80] : memref<153600xi32, #tpu.memory_space<hbm>> -> memref<2400xi32, #tpu.memory_space<hbm>>
        tpu.wait_dma2 semaphore(%run_scoped3A : memref<!tpu.dma_semaphore, #tpu.memory_space<semaphore_mem>>) src(%dma_wait3A_94 : memref<2400xi32, #tpu.memory_space<hbm>>) dst(%arg11 : memref<2400xi32, #tpu.memory_space<vmem>>)
        tpu.yield
      }) : () -> ()
      "tpu.region"() ({
        %run_scoped3A = tpu.sem_alloc : memref<!tpu.dma_semaphore, #tpu.memory_space<semaphore_mem>>
        %dma_start3A = tpu.memref_slice %arg4[%add3A_80] : memref<153600xi32, #tpu.memory_space<hbm>> -> memref<2400xi32, #tpu.memory_space<hbm>>
        %dma_start3A_93 = tpu.memref_slice %arg4[%add3A_80] : memref<153600xi32, #tpu.memory_space<hbm>> -> memref<2400xi32, #tpu.memory_space<hbm>>
        tpu.enqueue_dma source(%dma_start3A_93 : memref<2400xi32, #tpu.memory_space<hbm>>) target(%arg12 : memref<2400xi32, #tpu.memory_space<vmem>>) target_semaphore(%run_scoped3A : memref<!tpu.dma_semaphore, #tpu.memory_space<semaphore_mem>>)
        %dma_wait3A = tpu.memref_slice %arg4[%add3A_80] : memref<153600xi32, #tpu.memory_space<hbm>> -> memref<2400xi32, #tpu.memory_space<hbm>>
        %dma_wait3A_94 = tpu.memref_slice %arg4[%add3A_80] : memref<153600xi32, #tpu.memory_space<hbm>> -> memref<2400xi32, #tpu.memory_space<hbm>>
        tpu.wait_dma2 semaphore(%run_scoped3A : memref<!tpu.dma_semaphore, #tpu.memory_space<semaphore_mem>>) src(%dma_wait3A_94 : memref<2400xi32, #tpu.memory_space<hbm>>) dst(%arg12 : memref<2400xi32, #tpu.memory_space<vmem>>)
        tpu.yield
      }) : () -> ()
      "tpu.region"() ({
        %run_scoped3A = tpu.sem_alloc : memref<!tpu.dma_semaphore, #tpu.memory_space<semaphore_mem>>
        %dma_start3A = tpu.memref_slice %arg5[%add3A_80] : memref<153600xi32, #tpu.memory_space<hbm>> -> memref<2400xi32, #tpu.memory_space<hbm>>
        %dma_start3A_93 = tpu.memref_slice %arg5[%add3A_80] : memref<153600xi32, #tpu.memory_space<hbm>> -> memref<2400xi32, #tpu.memory_space<hbm>>
        tpu.enqueue_dma source(%dma_start3A_93 : memref<2400xi32, #tpu.memory_space<hbm>>) target(%arg13 : memref<2400xi32, #tpu.memory_space<vmem>>) target_semaphore(%run_scoped3A : memref<!tpu.dma_semaphore, #tpu.memory_space<semaphore_mem>>)
        %dma_wait3A = tpu.memref_slice %arg5[%add3A_80] : memref<153600xi32, #tpu.memory_space<hbm>> -> memref<2400xi32, #tpu.memory_space<hbm>>
        %dma_wait3A_94 = tpu.memref_slice %arg5[%add3A_80] : memref<153600xi32, #tpu.memory_space<hbm>> -> memref<2400xi32, #tpu.memory_space<hbm>>
        tpu.wait_dma2 semaphore(%run_scoped3A : memref<!tpu.dma_semaphore, #tpu.memory_space<semaphore_mem>>) src(%dma_wait3A_94 : memref<2400xi32, #tpu.memory_space<hbm>>) dst(%arg13 : memref<2400xi32, #tpu.memory_space<vmem>>)
        tpu.yield
      }) : () -> ()
      %scan3A_81 = arith.constant 0 : i32
      %scan3A_82 = arith.constant 0 : i32
      %scan3A_83 = arith.constant 150 : i32
      %scan3A_84 = arith.addi %scan3A_82, %scan3A_83 : i32
      %scan3A_85 = arith.constant 1 : i32
      scf.for %scan3A_93 = %scan3A_82 to %scan3A_84 step %scan3A_85  : i32 {
        %mul3A_94 = arith.constant 16 : i32
        %mul3A_95 = arith.muli %scan3A_93, %mul3A_94 : i32
        %get3A = arith.index_cast %mul3A_95 : i32 to index
        %get3A_96 = tpu.vector_load %arg10[%get3A] {strides = array<i32>} : memref<2400xi32, #tpu.memory_space<vmem>>, vector<16xi32>,
        %mul3A_97 = arith.constant 41 : i32
        %mul3A_98 = vector.broadcast %mul3A_97 : i32 to vector<16xi32>
        %mul3A_99 = arith.muli %get3A_96, %mul3A_98 : vector<16xi32>
        %get3A_100 = arith.index_cast %mul3A_95 : i32 to index
        %get3A_101 = tpu.vector_load %arg11[%get3A_100] {strides = array<i32>} : memref<2400xi32, #tpu.memory_space<vmem>>, vector<16xi32>,
        %add3A_102 = arith.addi %mul3A_99, %get3A_101 : vector<16xi32>
        %mul3A_103 = arith.constant 400 : i32
        %mul3A_104 = vector.broadcast %mul3A_103 : i32 to vector<16xi32>
        %mul3A_105 = arith.muli %add3A_102, %mul3A_104 : vector<16xi32>
        %get3A_106 = arith.index_cast %mul3A_95 : i32 to index
        %get3A_107 = tpu.vector_load %arg12[%get3A_106] {strides = array<i32>} : memref<2400xi32, #tpu.memory_space<vmem>>, vector<16xi32>,
        %add3A_108 = arith.addi %mul3A_105, %get3A_107 : vector<16xi32>
        %mul3A_109 = arith.constant 352 : i32
        %mul3A_110 = vector.broadcast %mul3A_109 : i32 to vector<16xi32>
        %mul3A_111 = arith.muli %add3A_108, %mul3A_110 : vector<16xi32>
        %get3A_112 = arith.index_cast %mul3A_95 : i32 to index
        %get3A_113 = tpu.vector_load %arg13[%get3A_112] {strides = array<i32>} : memref<2400xi32, #tpu.memory_space<vmem>>, vector<16xi32>,
        %add3A_114 = arith.addi %mul3A_111, %get3A_113 : vector<16xi32>
        %swap3A = arith.index_cast %mul3A_95 : i32 to index
        %swap3A_115 = tpu.vector_load %arg14[%swap3A] {strides = array<i32>} : memref<2400xi32, #tpu.memory_space<vmem>>, vector<16xi32>,
        tpu.vector_store %arg14[%swap3A], %add3A_114 {strides = array<i32>} : memref<2400xi32, #tpu.memory_space<vmem>>, vector<16xi32>,
      }
      %scan3A_86 = arith.constant 150 : i32
      "tpu.region"() ({
        %run_scoped3A = tpu.sem_alloc : memref<!tpu.dma_semaphore, #tpu.memory_space<semaphore_mem>>
        %dma_start3A = arith.constant 0 : i32
        %dma_start3A_93 = arith.constant 0 : i32
        %dma_start3A_94 = tpu.memref_slice %arg24[%dma_start3A, %dma_start3A_93] : memref<2416x16xf32, #tpu.memory_space<vmem>> -> memref<2400x16xf32, #tpu.memory_space<vmem>>
        %dma_start3A_95 = arith.constant 0 : i32
        %dma_start3A_96 = tpu.memref_slice %arg7[%add3A_80, %dma_start3A_95] : memref<153600x16xf32, #tpu.memory_space<hbm>> -> memref<2400x16xf32, #tpu.memory_space<hbm>>
        %dma_start3A_97 = arith.constant 0 : i32
        %dma_start3A_98 = arith.constant 0 : i32
        %dma_start3A_99 = tpu.memref_slice %arg24[%dma_start3A_97, %dma_start3A_98] : memref<2416x16xf32, #tpu.memory_space<vmem>> -> memref<2400x16xf32, #tpu.memory_space<vmem>>
        %dma_start3A_100 = arith.constant 0 : i32
        %dma_start3A_101 = tpu.memref_slice %arg7[%add3A_80, %dma_start3A_100] : memref<153600x16xf32, #tpu.memory_space<hbm>> -> memref<2400x16xf32, #tpu.memory_space<hbm>>
        tpu.enqueue_dma source(%dma_start3A_101 : memref<2400x16xf32, #tpu.memory_space<hbm>>) target(%dma_start3A_99 : memref<2400x16xf32, #tpu.memory_space<vmem>>) target_semaphore(%run_scoped3A : memref<!tpu.dma_semaphore, #tpu.memory_space<semaphore_mem>>)
        %dma_wait3A = arith.constant 0 : i32
        %dma_wait3A_102 = arith.constant 0 : i32
        %dma_wait3A_103 = tpu.memref_slice %arg24[%dma_wait3A, %dma_wait3A_102] : memref<2416x16xf32, #tpu.memory_space<vmem>> -> memref<2400x16xf32, #tpu.memory_space<vmem>>
        %dma_wait3A_104 = arith.constant 0 : i32
        %dma_wait3A_105 = tpu.memref_slice %arg7[%add3A_80, %dma_wait3A_104] : memref<153600x16xf32, #tpu.memory_space<hbm>> -> memref<2400x16xf32, #tpu.memory_space<hbm>>
        %dma_wait3A_106 = arith.constant 0 : i32
        %dma_wait3A_107 = arith.constant 0 : i32
        %dma_wait3A_108 = tpu.memref_slice %arg24[%dma_wait3A_106, %dma_wait3A_107] : memref<2416x16xf32, #tpu.memory_space<vmem>> -> memref<2400x16xf32, #tpu.memory_space<vmem>>
        %dma_wait3A_109 = arith.constant 0 : i32
        %dma_wait3A_110 = tpu.memref_slice %arg7[%add3A_80, %dma_wait3A_109] : memref<153600x16xf32, #tpu.memory_space<hbm>> -> memref<2400x16xf32, #tpu.memory_space<hbm>>
        tpu.wait_dma2 semaphore(%run_scoped3A : memref<!tpu.dma_semaphore, #tpu.memory_space<semaphore_mem>>) src(%dma_wait3A_110 : memref<2400x16xf32, #tpu.memory_space<hbm>>) dst(%dma_wait3A_108 : memref<2400x16xf32, #tpu.memory_space<vmem>>)
        tpu.yield
      }) : () -> ()
      %scan3A_87 = arith.constant 0 : i32
      %scan3A_88 = arith.constant 0 : i32
      %scan3A_89 = arith.constant 26 : i32
      %scan3A_90 = arith.addi %scan3A_88, %scan3A_89 : i32
      %scan3A_91 = arith.constant 1 : i32
      scf.for %scan3A_93 = %scan3A_88 to %scan3A_90 step %scan3A_91  : i32 {
        %ge3A = arith.constant 13 : i32
        %ge3A_94 = arith.cmpi sge, %scan3A_93, %ge3A : i32
        %convert_element_type3A = arith.extui %ge3A_94 : i1 to i32
        %add3A_95 = arith.addi %scan3A_93, %convert_element_type3A : i32
        %jit3A = arith.constant 9 : i32
        %div3A = arith.divsi %add3A_95, %jit3A : i32
        %sign3A = arith.constant 0 : i32
        %sign3A_96 = arith.cmpi sgt, %add3A_95, %sign3A : i32
        %sign3A_97 = arith.extui %sign3A_96 : i1 to i32
        %sign3A_98 = arith.constant 0 : i32
        %sign3A_99 = arith.cmpi slt, %add3A_95, %sign3A_98 : i32
        %sign3A_100 = arith.extui %sign3A_99 : i1 to i32
        %sign3A_101 = arith.subi %sign3A_97, %sign3A_100 : i32
        %sign3A_102 = arith.constant 0 : i32
        %sign3A_103 = arith.cmpi sgt, %jit3A, %sign3A_102 : i32
        %sign3A_104 = arith.extui %sign3A_103 : i1 to i32
        %sign3A_105 = arith.constant 0 : i32
        %sign3A_106 = arith.cmpi slt, %jit3A, %sign3A_105 : i32
        %sign3A_107 = arith.extui %sign3A_106 : i1 to i32
        %sign3A_108 = arith.subi %sign3A_104, %sign3A_107 : i32
        %ne3A = arith.cmpi ne, %sign3A_101, %sign3A_108 : i32
        %rem3A = arith.remsi %add3A_95, %jit3A : i32
        %ne3A_109 = arith.constant 0 : i32
        %ne3A_110 = arith.cmpi ne, %rem3A, %ne3A_109 : i32
        %and3A = arith.andi %ne3A, %ne3A_110 : i1
        %sub3A = arith.constant 1 : i32
        %sub3A_111 = arith.subi %div3A, %sub3A : i32
        %select_n3A = arith.select %and3A, %sub3A_111, %div3A : i32
        %sub3A_112 = arith.constant 1 : i32
        %sub3A_113 = arith.subi %select_n3A, %sub3A_112 : i32
        %jit3A_114 = arith.constant 3 : i32
        %div3A_115 = arith.divsi %add3A_95, %jit3A_114 : i32
        %sign3A_116 = arith.constant 0 : i32
        %sign3A_117 = arith.cmpi sgt, %add3A_95, %sign3A_116 : i32
        %sign3A_118 = arith.extui %sign3A_117 : i1 to i32
        %sign3A_119 = arith.constant 0 : i32
        %sign3A_120 = arith.cmpi slt, %add3A_95, %sign3A_119 : i32
        %sign3A_121 = arith.extui %sign3A_120 : i1 to i32
        %sign3A_122 = arith.subi %sign3A_118, %sign3A_121 : i32
        %sign3A_123 = arith.constant 0 : i32
        %sign3A_124 = arith.cmpi sgt, %jit3A_114, %sign3A_123 : i32
        %sign3A_125 = arith.extui %sign3A_124 : i1 to i32
        %sign3A_126 = arith.constant 0 : i32
        %sign3A_127 = arith.cmpi slt, %jit3A_114, %sign3A_126 : i32
        %sign3A_128 = arith.extui %sign3A_127 : i1 to i32
        %sign3A_129 = arith.subi %sign3A_125, %sign3A_128 : i32
        %ne3A_130 = arith.cmpi ne, %sign3A_122, %sign3A_129 : i32
        %rem3A_131 = arith.remsi %add3A_95, %jit3A_114 : i32
        %ne3A_132 = arith.constant 0 : i32
        %ne3A_133 = arith.cmpi ne, %rem3A_131, %ne3A_132 : i32
        %and3A_134 = arith.andi %ne3A_130, %ne3A_133 : i1
        %sub3A_135 = arith.constant 1 : i32
        %sub3A_136 = arith.subi %div3A_115, %sub3A_135 : i32
        %select_n3A_137 = arith.select %and3A_134, %sub3A_136, %div3A_115 : i32
        %jit3A_138 = arith.constant 3 : i32
        %eq3A = arith.constant 0 : i32
        %eq3A_139 = arith.cmpi eq, %jit3A_138, %eq3A : i32
        %jit3A_140 = arith.constant 1 : i32
        %select_n3A_141 = arith.select %eq3A_139, %jit3A_140, %jit3A_138 : i32
        %rem3A_142 = arith.remsi %select_n3A_137, %select_n3A_141 : i32
        %ne3A_143 = arith.constant 0 : i32
        %ne3A_144 = arith.cmpi ne, %rem3A_142, %ne3A_143 : i32
        %lt3A = arith.constant 0 : i32
        %lt3A_145 = arith.cmpi slt, %rem3A_142, %lt3A : i32
        %lt3A_146 = arith.constant 0 : i32
        %lt3A_147 = arith.cmpi slt, %select_n3A_141, %lt3A_146 : i32
        %ne3A_148 = arith.xori %lt3A_145, %lt3A_147 : i1
        %and3A_149 = arith.andi %ne3A_148, %ne3A_144 : i1
        %add3A_150 = arith.addi %rem3A_142, %select_n3A_141 : i32
        %select_n3A_151 = arith.select %and3A_149, %add3A_150, %rem3A_142 : i32
        %sub3A_152 = arith.constant 1 : i32
        %sub3A_153 = arith.subi %select_n3A_151, %sub3A_152 : i32
        %jit3A_154 = arith.constant 3 : i32
        %eq3A_155 = arith.constant 0 : i32
        %eq3A_156 = arith.cmpi eq, %jit3A_154, %eq3A_155 : i32
        %jit3A_157 = arith.constant 1 : i32
        %select_n3A_158 = arith.select %eq3A_156, %jit3A_157, %jit3A_154 : i32
        %rem3A_159 = arith.remsi %add3A_95, %select_n3A_158 : i32
        %ne3A_160 = arith.constant 0 : i32
        %ne3A_161 = arith.cmpi ne, %rem3A_159, %ne3A_160 : i32
        %lt3A_162 = arith.constant 0 : i32
        %lt3A_163 = arith.cmpi slt, %rem3A_159, %lt3A_162 : i32
        %lt3A_164 = arith.constant 0 : i32
        %lt3A_165 = arith.cmpi slt, %select_n3A_158, %lt3A_164 : i32
        %ne3A_166 = arith.xori %lt3A_163, %lt3A_165 : i1
        %and3A_167 = arith.andi %ne3A_166, %ne3A_161 : i1
        %add3A_168 = arith.addi %rem3A_159, %select_n3A_158 : i32
        %select_n3A_169 = arith.select %and3A_167, %add3A_168, %rem3A_159 : i32
        %sub3A_170 = arith.constant 1 : i32
        %sub3A_171 = arith.subi %select_n3A_169, %sub3A_170 : i32
        %mul3A_172 = arith.constant 400 : i32
        %mul3A_173 = arith.muli %sub3A_113, %mul3A_172 : i32
        %add3A_174 = arith.addi %mul3A_173, %sub3A_153 : i32
        %mul3A_175 = arith.constant 352 : i32
        %mul3A_176 = arith.muli %add3A_174, %mul3A_175 : i32
        %add3A_177 = arith.addi %mul3A_176, %sub3A_171 : i32
        %scan3A_178 = arith.constant 0 : i32
        %scan3A_179 = arith.constant 0 : i32
        %scan3A_180 = arith.constant 150 : i32
        %scan3A_181 = arith.addi %scan3A_179, %scan3A_180 : i32
        %scan3A_182 = arith.constant 1 : i32
        scf.for %scan3A_241 = %scan3A_179 to %scan3A_181 step %scan3A_182  : i32 {
          %mul3A_242 = arith.constant 16 : i32
          %mul3A_243 = arith.muli %scan3A_241, %mul3A_242 : i32
          %get3A = arith.index_cast %mul3A_243 : i32 to index
          %get3A_244 = tpu.vector_load %arg11[%get3A] {strides = array<i32>} : memref<2400xi32, #tpu.memory_space<vmem>>, vector<16xi32>,
          %add3A_245 = vector.broadcast %sub3A_113 : i32 to vector<16xi32>
          %add3A_246 = arith.addi %get3A_244, %add3A_245 : vector<16xi32>
          %get3A_247 = arith.index_cast %mul3A_243 : i32 to index
          %get3A_248 = tpu.vector_load %arg12[%get3A_247] {strides = array<i32>} : memref<2400xi32, #tpu.memory_space<vmem>>, vector<16xi32>,
          %add3A_249 = vector.broadcast %sub3A_153 : i32 to vector<16xi32>
          %add3A_250 = arith.addi %get3A_248, %add3A_249 : vector<16xi32>
          %get3A_251 = arith.index_cast %mul3A_243 : i32 to index
          %get3A_252 = tpu.vector_load %arg13[%get3A_251] {strides = array<i32>} : memref<2400xi32, #tpu.memory_space<vmem>>, vector<16xi32>,
          %add3A_253 = vector.broadcast %sub3A_171 : i32 to vector<16xi32>
          %add3A_254 = arith.addi %get3A_252, %add3A_253 : vector<16xi32>
          %ge3A_255 = arith.constant 0 : i32
          %ge3A_256 = vector.broadcast %ge3A_255 : i32 to vector<16xi32>
          %ge3A_257 = arith.cmpi sge, %add3A_246, %ge3A_256 : vector<16xi32>
          %lt3A_258 = arith.constant 41 : i32
          %lt3A_259 = vector.broadcast %lt3A_258 : i32 to vector<16xi32>
          %lt3A_260 = arith.cmpi slt, %add3A_246, %lt3A_259 : vector<16xi32>
          %and3A_261 = arith.andi %ge3A_257, %lt3A_260 : vector<16xi1>
          %ge3A_262 = arith.constant 0 : i32
          %ge3A_263 = vector.broadcast %ge3A_262 : i32 to vector<16xi32>
          %ge3A_264 = arith.cmpi sge, %add3A_250, %ge3A_263 : vector<16xi32>
          %and3A_265 = arith.andi %and3A_261, %ge3A_264 : vector<16xi1>
          %lt3A_266 = arith.constant 400 : i32
          %lt3A_267 = vector.broadcast %lt3A_266 : i32 to vector<16xi32>
          %lt3A_268 = arith.cmpi slt, %add3A_250, %lt3A_267 : vector<16xi32>
          %and3A_269 = arith.andi %and3A_265, %lt3A_268 : vector<16xi1>
          %ge3A_270 = arith.constant 0 : i32
          %ge3A_271 = vector.broadcast %ge3A_270 : i32 to vector<16xi32>
          %ge3A_272 = arith.cmpi sge, %add3A_254, %ge3A_271 : vector<16xi32>
          %and3A_273 = arith.andi %and3A_269, %ge3A_272 : vector<16xi1>
          %lt3A_274 = arith.constant 352 : i32
          %lt3A_275 = vector.broadcast %lt3A_274 : i32 to vector<16xi32>
          %lt3A_276 = arith.cmpi slt, %add3A_254, %lt3A_275 : vector<16xi32>
          %and3A_277 = arith.andi %and3A_273, %lt3A_276 : vector<16xi1>
          %get3A_278 = arith.index_cast %mul3A_243 : i32 to index
          %get3A_279 = tpu.vector_load %arg14[%get3A_278] {strides = array<i32>} : memref<2400xi32, #tpu.memory_space<vmem>>, vector<16xi32>,
          %add3A_280 = vector.broadcast %add3A_177 : i32 to vector<16xi32>
          %add3A_281 = arith.addi %get3A_279, %add3A_280 : vector<16xi32>
          %jit3A_282 = arith.constant 11545600 : i32
          %broadcast_in_dim3A_283 = vector.broadcast %jit3A_282 : i32 to vector<16xi32>
          %select_n3A_284 = arith.select %and3A_277, %add3A_281, %broadcast_in_dim3A_283 : vector<16xi1>, vector<16xi32>
          %swap3A = arith.index_cast %mul3A_243 : i32 to index
          %swap3A_285 = tpu.vector_load %arg15[%swap3A] {strides = array<i32>} : memref<2400xi32, #tpu.memory_space<vmem>>, vector<16xi32>,
          tpu.vector_store %arg15[%swap3A], %select_n3A_284 {strides = array<i32>} : memref<2400xi32, #tpu.memory_space<vmem>>, vector<16xi32>,
          %shift_right_arithmetic3A = arith.constant 5 : i32
          %shift_right_arithmetic3A_286 = vector.broadcast %shift_right_arithmetic3A : i32 to vector<16xi32>
          %shift_right_arithmetic3A_287 = arith.shrsi %select_n3A_284, %shift_right_arithmetic3A_286 : vector<16xi32>
          %swap3A_288 = arith.index_cast %mul3A_243 : i32 to index
          %swap3A_289 = tpu.vector_load %arg16[%swap3A_288] {strides = array<i32>} : memref<2400xi32, #tpu.memory_space<vmem>>, vector<16xi32>,
          tpu.vector_store %arg16[%swap3A_288], %shift_right_arithmetic3A_287 {strides = array<i32>} : memref<2400xi32, #tpu.memory_space<vmem>>, vector<16xi32>,
        }
        %scan3A_183 = arith.constant 150 : i32
        %dma_start3A = arith.constant 0 : i32
        %dma_start3A_184 = tpu.memref_slice %arg25[%dma_start3A] : memref<360832xi32, #tpu.memory_space<vmem_shared>> -> memref<360832xi32, #tpu.memory_space<vmem_shared>>
        tpu.enqueue_indirect_dma source(%dma_start3A_184 : memref<360832xi32, #tpu.memory_space<vmem_shared>>) target(%arg17 : memref<2400xi32, #tpu.memory_space<vmem>>) offsets(%arg16 : memref<2400xi32, #tpu.memory_space<vmem>>) semaphore(%arg26 : memref<!tpu.dma_semaphore, #tpu.memory_space<semaphore_mem>>)
        %dma_wait3A = arith.constant 0 : i32
        %dma_wait3A_185 = tpu.memref_slice %arg25[%dma_wait3A] : memref<360832xi32, #tpu.memory_space<vmem_shared>> -> memref<360832xi32, #tpu.memory_space<vmem_shared>>
        tpu.wait_indirect_dma semaphore(%arg26 : memref<!tpu.dma_semaphore, #tpu.memory_space<semaphore_mem>>) src(%dma_wait3A_185 : memref<360832xi32, #tpu.memory_space<vmem_shared>>) dst(%arg17 : memref<2400xi32, #tpu.memory_space<vmem>>)
        %scan3A_186 = arith.constant 0 : i32
        %scan3A_187 = arith.constant 0 : i32
        %scan3A_188 = arith.constant 152 : i32
        %scan3A_189 = arith.addi %scan3A_187, %scan3A_188 : i32
        %scan3A_190 = arith.constant 1 : i32
        scf.for %scan3A_241 = %scan3A_187 to %scan3A_189 step %scan3A_190  : i32 {
          %mul3A_242 = arith.constant 16 : i32
          %mul3A_243 = arith.muli %scan3A_241, %mul3A_242 : i32
          %broadcast_in_dim3A_244 = arith.constant 11545600 : i32
          %broadcast_in_dim3A_245 = vector.broadcast %broadcast_in_dim3A_244 : i32 to vector<16xi32>
          %swap3A = arith.index_cast %mul3A_243 : i32 to index
          %swap3A_246 = tpu.vector_load %arg18[%swap3A] {strides = array<i32>} : memref<2432xi32, #tpu.memory_space<vmem>>, vector<16xi32>,
          tpu.vector_store %arg18[%swap3A], %broadcast_in_dim3A_245 {strides = array<i32>} : memref<2432xi32, #tpu.memory_space<vmem>>, vector<16xi32>,
          %iota3A = tpu.iota {dimensions = array<i32: 0>} : vector<16xi32>
          %add3A_247 = arith.constant 2400 : i32
          %add3A_248 = vector.broadcast %add3A_247 : i32 to vector<16xi32>
          %add3A_249 = arith.addi %add3A_248, %iota3A : vector<16xi32>
          %swap3A_250 = arith.index_cast %mul3A_243 : i32 to index
          %swap3A_251 = tpu.vector_load %arg19[%swap3A_250] {strides = array<i32>} : memref<2432xi32, #tpu.memory_space<vmem>>, vector<16xi32>,
          tpu.vector_store %arg19[%swap3A_250], %add3A_249 {strides = array<i32>} : memref<2432xi32, #tpu.memory_space<vmem>>, vector<16xi32>,
        }
        %scan3A_191 = arith.constant 152 : i32
        %broadcast_in_dim3A = arith.constant 0 : i32
        %broadcast_in_dim3A_192 = vector.broadcast %broadcast_in_dim3A : i32 to vector<16xi32>
        %scan3A_193 = arith.constant 0 : i32
        %scan3A_194 = arith.constant 150 : i32
        %scan3A_195 = arith.addi %scan3A_193, %scan3A_194 : i32
        %scan3A_196 = arith.constant 1 : i32
        %scan3A_197 = scf.for %scan3A_241 = %scan3A_193 to %scan3A_195 step %scan3A_196 iter_args(%scan3A_242 = %broadcast_in_dim3A_192) -> (vector<16xi32>)  : i32 {
          %mul3A_243 = arith.constant 16 : i32
          %mul3A_244 = arith.muli %scan3A_241, %mul3A_243 : i32
          %get3A = arith.index_cast %mul3A_244 : i32 to index
          %get3A_245 = tpu.vector_load %arg17[%get3A] {strides = array<i32>} : memref<2400xi32, #tpu.memory_space<vmem>>, vector<16xi32>,
          %get3A_246 = arith.index_cast %mul3A_244 : i32 to index
          %get3A_247 = tpu.vector_load %arg15[%get3A_246] {strides = array<i32>} : memref<2400xi32, #tpu.memory_space<vmem>>, vector<16xi32>,
          %and3A_248 = arith.constant 31 : i32
          %and3A_249 = vector.broadcast %and3A_248 : i32 to vector<16xi32>
          %and3A_250 = arith.andi %get3A_247, %and3A_249 : vector<16xi32>
          %shift_left3A = arith.constant 1 : i32
          %shift_left3A_251 = vector.broadcast %shift_left3A : i32 to vector<16xi32>
          %shift_left3A_252 = arith.shli %shift_left3A_251, %and3A_250 : vector<16xi32>
          %and3A_253 = arith.andi %get3A_245, %shift_left3A_252 : vector<16xi32>
          %ne3A_254 = arith.constant 0 : i32
          %ne3A_255 = vector.broadcast %ne3A_254 : i32 to vector<16xi32>
          %ne3A_256 = arith.cmpi ne, %and3A_253, %ne3A_255 : vector<16xi32>
          %convert_element_type3A_257 = arith.extui %ne3A_256 : vector<16xi1> to vector<16xi32>
          %broadcast_in_dim3A_258 = arith.constant true
          %broadcast_in_dim3A_259 = vector.broadcast %broadcast_in_dim3A_258 : i1 to vector<16xi1>
          %masked_cumsum3A = tpu.scan <sum>, %convert_element_type3A_257 masked %broadcast_in_dim3A_259 : vector<16xi32>, vector<16xi1> -> vector<16xi32>
          %sub3A_260 = arith.constant 1 : i32
          %sub3A_261 = vector.broadcast %sub3A_260 : i32 to vector<16xi32>
          %sub3A_262 = arith.subi %scan3A_242, %sub3A_261 : vector<16xi32>
          %add3A_263 = arith.addi %sub3A_262, %masked_cumsum3A : vector<16xi32>
          tpu.vector_store_idx %arg18[%add3A_263], %get3A_247 masked %ne3A_256 : memref<2432xi32, #tpu.memory_space<vmem>>[vector<16xi32>], vector<16xi32>, vector<16xi1>
          %mul3A_264 = arith.constant 16 : i32
          %mul3A_265 = arith.muli %scan3A_241, %mul3A_264 : i32
          %iota3A = tpu.iota {dimensions = array<i32: 0>} : vector<16xi32>
          %add3A_266 = vector.broadcast %mul3A_265 : i32 to vector<16xi32>
          %add3A_267 = arith.addi %add3A_266, %iota3A : vector<16xi32>
          tpu.vector_store_idx %arg19[%add3A_263], %add3A_267 masked %ne3A_256 : memref<2432xi32, #tpu.memory_space<vmem>>[vector<16xi32>], vector<16xi32>, vector<16xi1>
          %broadcast_in_dim3A_268 = arith.constant 15 : i32
          %broadcast_in_dim3A_269 = vector.broadcast %broadcast_in_dim3A_268 : i32 to vector<16xi32>
          %lt3A_270 = arith.constant 0 : i32
          %lt3A_271 = vector.broadcast %lt3A_270 : i32 to vector<16xi32>
          %lt3A_272 = arith.cmpi slt, %broadcast_in_dim3A_269, %lt3A_271 : vector<16xi32>
          %add3A_273 = arith.constant 16 : i32
          %add3A_274 = vector.broadcast %add3A_273 : i32 to vector<16xi32>
          %add3A_275 = arith.addi %broadcast_in_dim3A_269, %add3A_274 : vector<16xi32>
          %select_n3A_276 = arith.select %lt3A_272, %add3A_275, %broadcast_in_dim3A_269 : vector<16xi1>, vector<16xi32>
          %broadcast_in_dim3A_277 = vector.shape_cast %select_n3A_276 : vector<16xi32> to vector<16x1xi32>
          %gather3A = vector.shape_cast %broadcast_in_dim3A_277 : vector<16x1xi32> to vector<16xi32>
          %gather3A_278 = tpu.dynamic_gather %masked_cumsum3A[%gather3A] in [0] : vector<16xi32>, vector<16xi32> -> vector<16xi32>
          %add3A_279 = arith.addi %scan3A_242, %gather3A_278 : vector<16xi32>
          scf.yield %add3A_279 : vector<16xi32>
        }
        %scan3A_198 = arith.constant 150 : i32
        %reduce_max3A = arith.constant true
        %reduce_max3A_199 = vector.broadcast %reduce_max3A : i1 to vector<16xi1>
        %reduce_max3A_200 = arith.constant -2147483648 : i32
        %reduce_max3A_201 = vector.broadcast %reduce_max3A_200 : i32 to vector<16xi32>
        %reduce_max3A_202 = arith.xori %scan3A_197, %reduce_max3A_201 : vector<16xi32>
        %reduce_max3A_203 = tpu.scan <max>, %reduce_max3A_202 masked %reduce_max3A_199 : vector<16xi32>, vector<16xi1> -> vector<16xi32>
        %reduce_max3A_204 = arith.xori %reduce_max3A_203, %reduce_max3A_201 : vector<16xi32>
        %reduce_max3A_205 = vector.extract %reduce_max3A_204[15] : i32 from vector<16xi32>
        %add3A_206 = arith.constant 127 : i32
        %add3A_207 = arith.addi %reduce_max3A_205, %add3A_206 : i32
        %jit3A_208 = arith.constant 128 : i32
        %div3A_209 = arith.divsi %add3A_207, %jit3A_208 : i32
        %sign3A_210 = arith.constant 0 : i32
        %sign3A_211 = arith.cmpi sgt, %add3A_207, %sign3A_210 : i32
        %sign3A_212 = arith.extui %sign3A_211 : i1 to i32
        %sign3A_213 = arith.constant 0 : i32
        %sign3A_214 = arith.cmpi slt, %add3A_207, %sign3A_213 : i32
        %sign3A_215 = arith.extui %sign3A_214 : i1 to i32
        %sign3A_216 = arith.subi %sign3A_212, %sign3A_215 : i32
        %sign3A_217 = arith.constant 0 : i32
        %sign3A_218 = arith.cmpi sgt, %jit3A_208, %sign3A_217 : i32
        %sign3A_219 = arith.extui %sign3A_218 : i1 to i32
        %sign3A_220 = arith.constant 0 : i32
        %sign3A_221 = arith.cmpi slt, %jit3A_208, %sign3A_220 : i32
        %sign3A_222 = arith.extui %sign3A_221 : i1 to i32
        %sign3A_223 = arith.subi %sign3A_219, %sign3A_222 : i32
        %ne3A_224 = arith.cmpi ne, %sign3A_216, %sign3A_223 : i32
        %rem3A_225 = arith.remsi %add3A_207, %jit3A_208 : i32
        %ne3A_226 = arith.constant 0 : i32
        %ne3A_227 = arith.cmpi ne, %rem3A_225, %ne3A_226 : i32
        %and3A_228 = arith.andi %ne3A_224, %ne3A_227 : i1
        %sub3A_229 = arith.constant 1 : i32
        %sub3A_230 = arith.subi %div3A_209, %sub3A_229 : i32
        %select_n3A_231 = arith.select %and3A_228, %sub3A_230, %div3A_209 : i32
        %while3A = arith.constant 0 : i32
        %while3A_232 = arith.constant 0 : i32
        %while3A_233 = arith.subi %select_n3A_231, %while3A_232 : i32
        %while3A_234 = arith.addi %while3A_232, %while3A_233 : i32
        %while3A_235 = arith.constant 1 : i32
        %while3A_236 = arith.divsi %while3A_233, %while3A_235 : i32
        %while3A_237 = arith.muli %while3A_236, %while3A_235 : i32
        %while3A_238 = arith.addi %while3A_232, %while3A_237 : i32
        %while3A_239 = arith.constant 1 : i32
        scf.for %while3A_241 = %while3A_232 to %while3A_238 step %while3A_239  : i32 {
          %scan3A_242 = arith.constant 0 : i32
          %scan3A_243 = arith.constant 0 : i32
          %scan3A_244 = arith.constant 8 : i32
          %scan3A_245 = arith.addi %scan3A_243, %scan3A_244 : i32
          %scan3A_246 = arith.constant 1 : i32
          scf.for %scan3A_270 = %scan3A_243 to %scan3A_245 step %scan3A_246  : i32 {
            %mul3A_271 = arith.constant 16 : i32
            %mul3A_272 = arith.muli %scan3A_270, %mul3A_271 : i32
            %mul3A_273 = arith.constant 128 : i32
            %mul3A_274 = arith.muli %while3A_241, %mul3A_273 : i32
            %mul3A_275 = arith.constant 16 : i32
            %mul3A_276 = arith.muli %scan3A_270, %mul3A_275 : i32
            %add3A_277 = arith.addi %mul3A_274, %mul3A_276 : i32
            %get3A = arith.index_cast %add3A_277 : i32 to index
            %get3A_278 = tpu.vector_load %arg18[%get3A] {strides = array<i32>} : memref<2432xi32, #tpu.memory_space<vmem>>, vector<16xi32>,
            %swap3A = arith.index_cast %mul3A_272 : i32 to index
            %swap3A_279 = tpu.vector_load %arg22[%swap3A] {strides = array<i32>} : memref<128xi32, #tpu.memory_space<vmem>>, vector<16xi32>,
            tpu.vector_store %arg22[%swap3A], %get3A_278 {strides = array<i32>} : memref<128xi32, #tpu.memory_space<vmem>>, vector<16xi32>,
          }
          %scan3A_247 = arith.constant 8 : i32
          %dma_start3A_248 = arith.constant 0 : i32
          %dma_start3A_249 = tpu.memref_slice %arg8[%dma_start3A_248] : memref<11545601xi32, #tpu.memory_space<hbm>> -> memref<11545601xi32, #tpu.memory_space<hbm>>
          tpu.enqueue_indirect_dma source(%dma_start3A_249 : memref<11545601xi32, #tpu.memory_space<hbm>>) target(%arg20 : memref<128xi32, #tpu.memory_space<vmem>>) offsets(%arg22 : memref<128xi32, #tpu.memory_space<vmem>>) semaphore(%arg26 : memref<!tpu.dma_semaphore, #tpu.memory_space<semaphore_mem>>)
          %dma_wait3A_250 = arith.constant 0 : i32
          %dma_wait3A_251 = tpu.memref_slice %arg8[%dma_wait3A_250] : memref<11545601xi32, #tpu.memory_space<hbm>> -> memref<11545601xi32, #tpu.memory_space<hbm>>
          tpu.wait_indirect_dma semaphore(%arg26 : memref<!tpu.dma_semaphore, #tpu.memory_space<semaphore_mem>>) src(%dma_wait3A_251 : memref<11545601xi32, #tpu.memory_space<hbm>>) dst(%arg20 : memref<128xi32, #tpu.memory_space<vmem>>)
          %scan3A_252 = arith.constant 0 : i32
          %scan3A_253 = arith.constant 0 : i32
          %scan3A_254 = arith.constant 8 : i32
          %scan3A_255 = arith.addi %scan3A_253, %scan3A_254 : i32
          %scan3A_256 = arith.constant 1 : i32
          scf.for %scan3A_270 = %scan3A_253 to %scan3A_255 step %scan3A_256  : i32 {
            %mul3A_271 = arith.constant 16 : i32
            %mul3A_272 = arith.muli %scan3A_270, %mul3A_271 : i32
            %get3A = arith.index_cast %mul3A_272 : i32 to index
            %get3A_273 = tpu.vector_load %arg20[%get3A] {strides = array<i32>} : memref<128xi32, #tpu.memory_space<vmem>>, vector<16xi32>,
            %jit3A_274 = arith.constant 0 : i32
            %jit3A_275 = arith.constant 150000 : i32
            %max3A = vector.broadcast %jit3A_274 : i32 to vector<16xi32>
            %max3A_276 = arith.maxsi %max3A, %get3A_273 : vector<16xi32>
            %min3A = vector.broadcast %jit3A_275 : i32 to vector<16xi32>
            %min3A_277 = arith.minsi %min3A, %max3A_276 : vector<16xi32>
            %mul3A_278 = arith.constant 26 : i32
            %mul3A_279 = vector.broadcast %mul3A_278 : i32 to vector<16xi32>
            %mul3A_280 = arith.muli %min3A_277, %mul3A_279 : vector<16xi32>
            %add3A_281 = vector.broadcast %scan3A_93 : i32 to vector<16xi32>
            %add3A_282 = arith.addi %mul3A_280, %add3A_281 : vector<16xi32>
            %swap3A = arith.index_cast %mul3A_272 : i32 to index
            %swap3A_283 = tpu.vector_load %arg21[%swap3A] {strides = array<i32>} : memref<128xi32, #tpu.memory_space<vmem>>, vector<16xi32>,
            tpu.vector_store %arg21[%swap3A], %add3A_282 {strides = array<i32>} : memref<128xi32, #tpu.memory_space<vmem>>, vector<16xi32>,
          }
          %scan3A_257 = arith.constant 8 : i32
          %dma_start3A_258 = arith.constant 0 : i32
          %dma_start3A_259 = arith.constant 0 : i32
          %dma_start3A_260 = tpu.memref_slice %arg6[%dma_start3A_258, %dma_start3A_259] : memref<3993600x16xf32, #tpu.memory_space<hbm>> -> memref<3993600x16xf32, #tpu.memory_space<hbm>>
          tpu.enqueue_indirect_dma source(%dma_start3A_260 : memref<3993600x16xf32, #tpu.memory_space<hbm>>) target(%arg23 : memref<128x16xf32, #tpu.memory_space<vmem>>) offsets(%arg21 : memref<128xi32, #tpu.memory_space<vmem>>) semaphore(%arg26 : memref<!tpu.dma_semaphore, #tpu.memory_space<semaphore_mem>>)
          %dma_wait3A_261 = arith.constant 0 : i32
          %dma_wait3A_262 = arith.constant 0 : i32
          %dma_wait3A_263 = tpu.memref_slice %arg6[%dma_wait3A_261, %dma_wait3A_262] : memref<3993600x16xf32, #tpu.memory_space<hbm>> -> memref<3993600x16xf32, #tpu.memory_space<hbm>>
          tpu.wait_indirect_dma semaphore(%arg26 : memref<!tpu.dma_semaphore, #tpu.memory_space<semaphore_mem>>) src(%dma_wait3A_263 : memref<3993600x16xf32, #tpu.memory_space<hbm>>) dst(%arg23 : memref<128x16xf32, #tpu.memory_space<vmem>>)
          %scan3A_264 = arith.constant 0 : i32
          %scan3A_265 = arith.constant 0 : i32
          %scan3A_266 = arith.constant 8 : i32
          %scan3A_267 = arith.addi %scan3A_265, %scan3A_266 : i32
          %scan3A_268 = arith.constant 1 : i32
          scf.for %scan3A_270 = %scan3A_265 to %scan3A_267 step %scan3A_268  : i32 {
            %mul3A_271 = arith.constant 128 : i32
            %mul3A_272 = arith.muli %while3A_241, %mul3A_271 : i32
            %mul3A_273 = arith.constant 16 : i32
            %mul3A_274 = arith.muli %scan3A_270, %mul3A_273 : i32
            %add3A_275 = arith.addi %mul3A_272, %mul3A_274 : i32
            %get3A = arith.index_cast %add3A_275 : i32 to index
            %get3A_276 = tpu.vector_load %arg19[%get3A] {strides = array<i32>} : memref<2432xi32, #tpu.memory_space<vmem>>, vector<16xi32>,
            %mul3A_277 = arith.constant 16 : i32
            %mul3A_278 = arith.muli %scan3A_270, %mul3A_277 : i32
            %iota3A = tpu.iota {dimensions = array<i32: 0>} : vector<16xi32>
            %add3A_279 = vector.broadcast %mul3A_278 : i32 to vector<16xi32>
            %add3A_280 = arith.addi %add3A_279, %iota3A : vector<16xi32>
            %scan3A_281 = arith.constant 0 : i32
            %scan3A_282 = arith.constant 0 : i32
            %scan3A_283 = arith.constant 16 : i32
            %scan3A_284 = arith.addi %scan3A_282, %scan3A_283 : i32
            %scan3A_285 = arith.constant 1 : i32
            scf.for %scan3A_287 = %scan3A_282 to %scan3A_284 step %scan3A_285  : i32 {
              %broadcast_in_dim3A_288 = vector.broadcast %scan3A_287 : i32 to vector<16xi32>
              %gather3A = tpu.vector_load_idx %arg23[%add3A_280, %broadcast_in_dim3A_288] : memref<128x16xf32, #tpu.memory_space<vmem>>[vector<16xi32>, vector<16xi32>], vector<16xf32>,
              tpu.vector_store_idx %arg24[%get3A_276, %broadcast_in_dim3A_288], %gather3A {add = true} : memref<2416x16xf32, #tpu.memory_space<vmem>>[vector<16xi32>, vector<16xi32>], vector<16xf32>,
            }
            %scan3A_286 = arith.constant 16 : i32
          }
          %scan3A_269 = arith.constant 8 : i32
        }
        %while3A_240 = arith.constant 1 : i32
        scf.for %while3A_241 = %while3A_238 to %while3A_234 step %while3A_240  : i32 {
          %scan3A_242 = arith.constant 0 : i32
          %scan3A_243 = arith.constant 0 : i32
          %scan3A_244 = arith.constant 8 : i32
          %scan3A_245 = arith.addi %scan3A_243, %scan3A_244 : i32
          %scan3A_246 = arith.constant 1 : i32
          scf.for %scan3A_270 = %scan3A_243 to %scan3A_245 step %scan3A_246  : i32 {
            %mul3A_271 = arith.constant 16 : i32
            %mul3A_272 = arith.muli %scan3A_270, %mul3A_271 : i32
            %mul3A_273 = arith.constant 128 : i32
            %mul3A_274 = arith.muli %while3A_241, %mul3A_273 : i32
            %mul3A_275 = arith.constant 16 : i32
            %mul3A_276 = arith.muli %scan3A_270, %mul3A_275 : i32
            %add3A_277 = arith.addi %mul3A_274, %mul3A_276 : i32
            %get3A = arith.index_cast %add3A_277 : i32 to index
            %get3A_278 = tpu.vector_load %arg18[%get3A] {strides = array<i32>} : memref<2432xi32, #tpu.memory_space<vmem>>, vector<16xi32>,
            %swap3A = arith.index_cast %mul3A_272 : i32 to index
            %swap3A_279 = tpu.vector_load %arg22[%swap3A] {strides = array<i32>} : memref<128xi32, #tpu.memory_space<vmem>>, vector<16xi32>,
            tpu.vector_store %arg22[%swap3A], %get3A_278 {strides = array<i32>} : memref<128xi32, #tpu.memory_space<vmem>>, vector<16xi32>,
          }
          %scan3A_247 = arith.constant 8 : i32
          %dma_start3A_248 = arith.constant 0 : i32
          %dma_start3A_249 = tpu.memref_slice %arg8[%dma_start3A_248] : memref<11545601xi32, #tpu.memory_space<hbm>> -> memref<11545601xi32, #tpu.memory_space<hbm>>
          tpu.enqueue_indirect_dma source(%dma_start3A_249 : memref<11545601xi32, #tpu.memory_space<hbm>>) target(%arg20 : memref<128xi32, #tpu.memory_space<vmem>>) offsets(%arg22 : memref<128xi32, #tpu.memory_space<vmem>>) semaphore(%arg26 : memref<!tpu.dma_semaphore, #tpu.memory_space<semaphore_mem>>)
          %dma_wait3A_250 = arith.constant 0 : i32
          %dma_wait3A_251 = tpu.memref_slice %arg8[%dma_wait3A_250] : memref<11545601xi32, #tpu.memory_space<hbm>> -> memref<11545601xi32, #tpu.memory_space<hbm>>
          tpu.wait_indirect_dma semaphore(%arg26 : memref<!tpu.dma_semaphore, #tpu.memory_space<semaphore_mem>>) src(%dma_wait3A_251 : memref<11545601xi32, #tpu.memory_space<hbm>>) dst(%arg20 : memref<128xi32, #tpu.memory_space<vmem>>)
          %scan3A_252 = arith.constant 0 : i32
          %scan3A_253 = arith.constant 0 : i32
          %scan3A_254 = arith.constant 8 : i32
          %scan3A_255 = arith.addi %scan3A_253, %scan3A_254 : i32
          %scan3A_256 = arith.constant 1 : i32
          scf.for %scan3A_270 = %scan3A_253 to %scan3A_255 step %scan3A_256  : i32 {
            %mul3A_271 = arith.constant 16 : i32
            %mul3A_272 = arith.muli %scan3A_270, %mul3A_271 : i32
            %get3A = arith.index_cast %mul3A_272 : i32 to index
            %get3A_273 = tpu.vector_load %arg20[%get3A] {strides = array<i32>} : memref<128xi32, #tpu.memory_space<vmem>>, vector<16xi32>,
            %jit3A_274 = arith.constant 0 : i32
            %jit3A_275 = arith.constant 150000 : i32
            %max3A = vector.broadcast %jit3A_274 : i32 to vector<16xi32>
            %max3A_276 = arith.maxsi %max3A, %get3A_273 : vector<16xi32>
            %min3A = vector.broadcast %jit3A_275 : i32 to vector<16xi32>
            %min3A_277 = arith.minsi %min3A, %max3A_276 : vector<16xi32>
            %mul3A_278 = arith.constant 26 : i32
            %mul3A_279 = vector.broadcast %mul3A_278 : i32 to vector<16xi32>
            %mul3A_280 = arith.muli %min3A_277, %mul3A_279 : vector<16xi32>
            %add3A_281 = vector.broadcast %scan3A_93 : i32 to vector<16xi32>
            %add3A_282 = arith.addi %mul3A_280, %add3A_281 : vector<16xi32>
            %swap3A = arith.index_cast %mul3A_272 : i32 to index
            %swap3A_283 = tpu.vector_load %arg21[%swap3A] {strides = array<i32>} : memref<128xi32, #tpu.memory_space<vmem>>, vector<16xi32>,
            tpu.vector_store %arg21[%swap3A], %add3A_282 {strides = array<i32>} : memref<128xi32, #tpu.memory_space<vmem>>, vector<16xi32>,
          }
          %scan3A_257 = arith.constant 8 : i32
          %dma_start3A_258 = arith.constant 0 : i32
          %dma_start3A_259 = arith.constant 0 : i32
          %dma_start3A_260 = tpu.memref_slice %arg6[%dma_start3A_258, %dma_start3A_259] : memref<3993600x16xf32, #tpu.memory_space<hbm>> -> memref<3993600x16xf32, #tpu.memory_space<hbm>>
          tpu.enqueue_indirect_dma source(%dma_start3A_260 : memref<3993600x16xf32, #tpu.memory_space<hbm>>) target(%arg23 : memref<128x16xf32, #tpu.memory_space<vmem>>) offsets(%arg21 : memref<128xi32, #tpu.memory_space<vmem>>) semaphore(%arg26 : memref<!tpu.dma_semaphore, #tpu.memory_space<semaphore_mem>>)
          %dma_wait3A_261 = arith.constant 0 : i32
          %dma_wait3A_262 = arith.constant 0 : i32
          %dma_wait3A_263 = tpu.memref_slice %arg6[%dma_wait3A_261, %dma_wait3A_262] : memref<3993600x16xf32, #tpu.memory_space<hbm>> -> memref<3993600x16xf32, #tpu.memory_space<hbm>>
          tpu.wait_indirect_dma semaphore(%arg26 : memref<!tpu.dma_semaphore, #tpu.memory_space<semaphore_mem>>) src(%dma_wait3A_263 : memref<3993600x16xf32, #tpu.memory_space<hbm>>) dst(%arg23 : memref<128x16xf32, #tpu.memory_space<vmem>>)
          %scan3A_264 = arith.constant 0 : i32
          %scan3A_265 = arith.constant 0 : i32
          %scan3A_266 = arith.constant 8 : i32
          %scan3A_267 = arith.addi %scan3A_265, %scan3A_266 : i32
          %scan3A_268 = arith.constant 1 : i32
          scf.for %scan3A_270 = %scan3A_265 to %scan3A_267 step %scan3A_268  : i32 {
            %mul3A_271 = arith.constant 128 : i32
            %mul3A_272 = arith.muli %while3A_241, %mul3A_271 : i32
            %mul3A_273 = arith.constant 16 : i32
            %mul3A_274 = arith.muli %scan3A_270, %mul3A_273 : i32
            %add3A_275 = arith.addi %mul3A_272, %mul3A_274 : i32
            %get3A = arith.index_cast %add3A_275 : i32 to index
            %get3A_276 = tpu.vector_load %arg19[%get3A] {strides = array<i32>} : memref<2432xi32, #tpu.memory_space<vmem>>, vector<16xi32>,
            %mul3A_277 = arith.constant 16 : i32
            %mul3A_278 = arith.muli %scan3A_270, %mul3A_277 : i32
            %iota3A = tpu.iota {dimensions = array<i32: 0>} : vector<16xi32>
            %add3A_279 = vector.broadcast %mul3A_278 : i32 to vector<16xi32>
            %add3A_280 = arith.addi %add3A_279, %iota3A : vector<16xi32>
            %scan3A_281 = arith.constant 0 : i32
            %scan3A_282 = arith.constant 0 : i32
            %scan3A_283 = arith.constant 16 : i32
            %scan3A_284 = arith.addi %scan3A_282, %scan3A_283 : i32
            %scan3A_285 = arith.constant 1 : i32
            scf.for %scan3A_287 = %scan3A_282 to %scan3A_284 step %scan3A_285  : i32 {
              %broadcast_in_dim3A_288 = vector.broadcast %scan3A_287 : i32 to vector<16xi32>
              %gather3A = tpu.vector_load_idx %arg23[%add3A_280, %broadcast_in_dim3A_288] : memref<128x16xf32, #tpu.memory_space<vmem>>[vector<16xi32>, vector<16xi32>], vector<16xf32>,
              tpu.vector_store_idx %arg24[%get3A_276, %broadcast_in_dim3A_288], %gather3A {add = true} : memref<2416x16xf32, #tpu.memory_space<vmem>>[vector<16xi32>, vector<16xi32>], vector<16xf32>,
            }
            %scan3A_286 = arith.constant 16 : i32
          }
          %scan3A_269 = arith.constant 8 : i32
        }
      }
      %scan3A_92 = arith.constant 26 : i32
      "tpu.region"() ({
        %run_scoped3A = tpu.sem_alloc : memref<!tpu.dma_semaphore, #tpu.memory_space<semaphore_mem>>
        %dma_start3A = arith.constant 0 : i32
        %dma_start3A_93 = arith.constant 0 : i32
        %dma_start3A_94 = tpu.memref_slice %arg24[%dma_start3A, %dma_start3A_93] : memref<2416x16xf32, #tpu.memory_space<vmem>> -> memref<2400x16xf32, #tpu.memory_space<vmem>>
        %dma_start3A_95 = arith.constant 0 : i32
        %dma_start3A_96 = tpu.memref_slice %arg9[%add3A_80, %dma_start3A_95] : memref<153600x16xf32, #tpu.memory_space<hbm>> -> memref<2400x16xf32, #tpu.memory_space<hbm>>
        %dma_start3A_97 = arith.constant 0 : i32
        %dma_start3A_98 = tpu.memref_slice %arg9[%add3A_80, %dma_start3A_97] : memref<153600x16xf32, #tpu.memory_space<hbm>> -> memref<2400x16xf32, #tpu.memory_space<hbm>>
        %dma_start3A_99 = arith.constant 0 : i32
        %dma_start3A_100 = arith.constant 0 : i32
        %dma_start3A_101 = tpu.memref_slice %arg24[%dma_start3A_99, %dma_start3A_100] : memref<2416x16xf32, #tpu.memory_space<vmem>> -> memref<2400x16xf32, #tpu.memory_space<vmem>>
        tpu.enqueue_dma source(%dma_start3A_101 : memref<2400x16xf32, #tpu.memory_space<vmem>>) target(%dma_start3A_98 : memref<2400x16xf32, #tpu.memory_space<hbm>>) target_semaphore(%run_scoped3A : memref<!tpu.dma_semaphore, #tpu.memory_space<semaphore_mem>>)
        %dma_wait3A = arith.constant 0 : i32
        %dma_wait3A_102 = arith.constant 0 : i32
        %dma_wait3A_103 = tpu.memref_slice %arg24[%dma_wait3A, %dma_wait3A_102] : memref<2416x16xf32, #tpu.memory_space<vmem>> -> memref<2400x16xf32, #tpu.memory_space<vmem>>
        %dma_wait3A_104 = arith.constant 0 : i32
        %dma_wait3A_105 = tpu.memref_slice %arg9[%add3A_80, %dma_wait3A_104] : memref<153600x16xf32, #tpu.memory_space<hbm>> -> memref<2400x16xf32, #tpu.memory_space<hbm>>
        %dma_wait3A_106 = arith.constant 0 : i32
        %dma_wait3A_107 = tpu.memref_slice %arg9[%add3A_80, %dma_wait3A_106] : memref<153600x16xf32, #tpu.memory_space<hbm>> -> memref<2400x16xf32, #tpu.memory_space<hbm>>
        %dma_wait3A_108 = arith.constant 0 : i32
        %dma_wait3A_109 = arith.constant 0 : i32
        %dma_wait3A_110 = tpu.memref_slice %arg24[%dma_wait3A_108, %dma_wait3A_109] : memref<2416x16xf32, #tpu.memory_space<vmem>> -> memref<2400x16xf32, #tpu.memory_space<vmem>>
        tpu.wait_dma2 semaphore(%run_scoped3A : memref<!tpu.dma_semaphore, #tpu.memory_space<semaphore_mem>>) src(%dma_wait3A_110 : memref<2400x16xf32, #tpu.memory_space<vmem>>) dst(%dma_wait3A_107 : memref<2400x16xf32, #tpu.memory_space<hbm>>)
        tpu.yield
      }) : () -> ()
    }
    %scan3A_74 = arith.constant 2 : i32
    return
  }
}

#map = affine_map<(d0, d1) -> (0)>
module attributes {stable_mosaic.version = 14 : i64} {
  func.func @_sc_scatter_body(%arg0: i32, %arg1: i32, %arg2: memref<153600xi32, #tpu.memory_space<hbm>>, %arg3: memref<153600xi32, #tpu.memory_space<hbm>>, %arg4: memref<153600xi32, #tpu.memory_space<hbm>>, %arg5: memref<153600xi32, #tpu.memory_space<hbm>>, %arg6: memref<11545601xi32, #tpu.memory_space<hbm>>, %arg7: memref<2400xi32, #tpu.memory_space<vmem>>, %arg8: memref<2400xi32, #tpu.memory_space<vmem>>, %arg9: memref<2400xi32, #tpu.memory_space<vmem>>, %arg10: memref<2400xi32, #tpu.memory_space<vmem>>, %arg11: memref<2400xi32, #tpu.memory_space<vmem>>, %arg12: memref<2400xi32, #tpu.memory_space<vmem>>, %arg13: memref<!tpu.dma_semaphore, #tpu.memory_space<semaphore_mem>>) attributes {dimension_semantics = [#tpu.dimension_semantics<core_parallel>, #tpu.dimension_semantics<subcore_parallel>], iteration_bounds = array<i64: 2, 16>, scalar_prefetch = 0 : i64, scratch_operands = 7 : i64, tpu.core_type = #tpu.core_type<sc_vector_subcore>, window_params = [{transform_indices = #map}, {transform_indices = #map}, {transform_indices = #map}, {transform_indices = #map}, {transform_indices = #map}]} {
    %mul3A = arith.constant 2 : i32
    %mul3A_0 = arith.muli %arg1, %mul3A : i32
    %add3A = arith.addi %mul3A_0, %arg0 : i32
    %mul3A_1 = arith.constant 4800 : i32
    %mul3A_2 = arith.muli %add3A, %mul3A_1 : i32
    %add3A_3 = arith.constant 0 : i32
    %add3A_4 = arith.addi %mul3A_2, %add3A_3 : i32
    "tpu.region"() ({
      %run_scoped3A = tpu.sem_alloc : memref<!tpu.dma_semaphore, #tpu.memory_space<semaphore_mem>>
      %dma_start3A_26 = tpu.memref_slice %arg2[%add3A_4] : memref<153600xi32, #tpu.memory_space<hbm>> -> memref<2400xi32, #tpu.memory_space<hbm>>
      %dma_start3A_27 = tpu.memref_slice %arg2[%add3A_4] : memref<153600xi32, #tpu.memory_space<hbm>> -> memref<2400xi32, #tpu.memory_space<hbm>>
      tpu.enqueue_dma source(%dma_start3A_27 : memref<2400xi32, #tpu.memory_space<hbm>>) target(%arg7 : memref<2400xi32, #tpu.memory_space<vmem>>) target_semaphore(%run_scoped3A : memref<!tpu.dma_semaphore, #tpu.memory_space<semaphore_mem>>)
      %dma_wait3A_28 = tpu.memref_slice %arg2[%add3A_4] : memref<153600xi32, #tpu.memory_space<hbm>> -> memref<2400xi32, #tpu.memory_space<hbm>>
      %dma_wait3A_29 = tpu.memref_slice %arg2[%add3A_4] : memref<153600xi32, #tpu.memory_space<hbm>> -> memref<2400xi32, #tpu.memory_space<hbm>>
      tpu.wait_dma2 semaphore(%run_scoped3A : memref<!tpu.dma_semaphore, #tpu.memory_space<semaphore_mem>>) src(%dma_wait3A_29 : memref<2400xi32, #tpu.memory_space<hbm>>) dst(%arg7 : memref<2400xi32, #tpu.memory_space<vmem>>)
      tpu.yield
    }) : () -> ()
    "tpu.region"() ({
      %run_scoped3A = tpu.sem_alloc : memref<!tpu.dma_semaphore, #tpu.memory_space<semaphore_mem>>
      %dma_start3A_26 = tpu.memref_slice %arg3[%add3A_4] : memref<153600xi32, #tpu.memory_space<hbm>> -> memref<2400xi32, #tpu.memory_space<hbm>>
      %dma_start3A_27 = tpu.memref_slice %arg3[%add3A_4] : memref<153600xi32, #tpu.memory_space<hbm>> -> memref<2400xi32, #tpu.memory_space<hbm>>
      tpu.enqueue_dma source(%dma_start3A_27 : memref<2400xi32, #tpu.memory_space<hbm>>) target(%arg8 : memref<2400xi32, #tpu.memory_space<vmem>>) target_semaphore(%run_scoped3A : memref<!tpu.dma_semaphore, #tpu.memory_space<semaphore_mem>>)
      %dma_wait3A_28 = tpu.memref_slice %arg3[%add3A_4] : memref<153600xi32, #tpu.memory_space<hbm>> -> memref<2400xi32, #tpu.memory_space<hbm>>
      %dma_wait3A_29 = tpu.memref_slice %arg3[%add3A_4] : memref<153600xi32, #tpu.memory_space<hbm>> -> memref<2400xi32, #tpu.memory_space<hbm>>
      tpu.wait_dma2 semaphore(%run_scoped3A : memref<!tpu.dma_semaphore, #tpu.memory_space<semaphore_mem>>) src(%dma_wait3A_29 : memref<2400xi32, #tpu.memory_space<hbm>>) dst(%arg8 : memref<2400xi32, #tpu.memory_space<vmem>>)
      tpu.yield
    }) : () -> ()
    "tpu.region"() ({
      %run_scoped3A = tpu.sem_alloc : memref<!tpu.dma_semaphore, #tpu.memory_space<semaphore_mem>>
      %dma_start3A_26 = tpu.memref_slice %arg4[%add3A_4] : memref<153600xi32, #tpu.memory_space<hbm>> -> memref<2400xi32, #tpu.memory_space<hbm>>
      %dma_start3A_27 = tpu.memref_slice %arg4[%add3A_4] : memref<153600xi32, #tpu.memory_space<hbm>> -> memref<2400xi32, #tpu.memory_space<hbm>>
      tpu.enqueue_dma source(%dma_start3A_27 : memref<2400xi32, #tpu.memory_space<hbm>>) target(%arg9 : memref<2400xi32, #tpu.memory_space<vmem>>) target_semaphore(%run_scoped3A : memref<!tpu.dma_semaphore, #tpu.memory_space<semaphore_mem>>)
      %dma_wait3A_28 = tpu.memref_slice %arg4[%add3A_4] : memref<153600xi32, #tpu.memory_space<hbm>> -> memref<2400xi32, #tpu.memory_space<hbm>>
      %dma_wait3A_29 = tpu.memref_slice %arg4[%add3A_4] : memref<153600xi32, #tpu.memory_space<hbm>> -> memref<2400xi32, #tpu.memory_space<hbm>>
      tpu.wait_dma2 semaphore(%run_scoped3A : memref<!tpu.dma_semaphore, #tpu.memory_space<semaphore_mem>>) src(%dma_wait3A_29 : memref<2400xi32, #tpu.memory_space<hbm>>) dst(%arg9 : memref<2400xi32, #tpu.memory_space<vmem>>)
      tpu.yield
    }) : () -> ()
    "tpu.region"() ({
      %run_scoped3A = tpu.sem_alloc : memref<!tpu.dma_semaphore, #tpu.memory_space<semaphore_mem>>
      %dma_start3A_26 = tpu.memref_slice %arg5[%add3A_4] : memref<153600xi32, #tpu.memory_space<hbm>> -> memref<2400xi32, #tpu.memory_space<hbm>>
      %dma_start3A_27 = tpu.memref_slice %arg5[%add3A_4] : memref<153600xi32, #tpu.memory_space<hbm>> -> memref<2400xi32, #tpu.memory_space<hbm>>
      tpu.enqueue_dma source(%dma_start3A_27 : memref<2400xi32, #tpu.memory_space<hbm>>) target(%arg10 : memref<2400xi32, #tpu.memory_space<vmem>>) target_semaphore(%run_scoped3A : memref<!tpu.dma_semaphore, #tpu.memory_space<semaphore_mem>>)
      %dma_wait3A_28 = tpu.memref_slice %arg5[%add3A_4] : memref<153600xi32, #tpu.memory_space<hbm>> -> memref<2400xi32, #tpu.memory_space<hbm>>
      %dma_wait3A_29 = tpu.memref_slice %arg5[%add3A_4] : memref<153600xi32, #tpu.memory_space<hbm>> -> memref<2400xi32, #tpu.memory_space<hbm>>
      tpu.wait_dma2 semaphore(%run_scoped3A : memref<!tpu.dma_semaphore, #tpu.memory_space<semaphore_mem>>) src(%dma_wait3A_29 : memref<2400xi32, #tpu.memory_space<hbm>>) dst(%arg10 : memref<2400xi32, #tpu.memory_space<vmem>>)
      tpu.yield
    }) : () -> ()
    %scan3A = arith.constant 0 : i32
    %scan3A_5 = arith.constant 0 : i32
    %scan3A_6 = arith.constant 150 : i32
    %scan3A_7 = arith.addi %scan3A_5, %scan3A_6 : i32
    %scan3A_8 = arith.constant 1 : i32
    scf.for %scan3A_26 = %scan3A_5 to %scan3A_7 step %scan3A_8  : i32 {
      %mul3A_27 = arith.constant 16 : i32
      %mul3A_28 = arith.muli %scan3A_26, %mul3A_27 : i32
      %get3A = arith.index_cast %mul3A_28 : i32 to index
      %get3A_29 = tpu.vector_load %arg7[%get3A] {strides = array<i32>} : memref<2400xi32, #tpu.memory_space<vmem>>, vector<16xi32>,
      %mul3A_30 = arith.constant 41 : i32
      %mul3A_31 = vector.broadcast %mul3A_30 : i32 to vector<16xi32>
      %mul3A_32 = arith.muli %get3A_29, %mul3A_31 : vector<16xi32>
      %get3A_33 = arith.index_cast %mul3A_28 : i32 to index
      %get3A_34 = tpu.vector_load %arg8[%get3A_33] {strides = array<i32>} : memref<2400xi32, #tpu.memory_space<vmem>>, vector<16xi32>,
      %add3A_35 = arith.addi %mul3A_32, %get3A_34 : vector<16xi32>
      %mul3A_36 = arith.constant 400 : i32
      %mul3A_37 = vector.broadcast %mul3A_36 : i32 to vector<16xi32>
      %mul3A_38 = arith.muli %add3A_35, %mul3A_37 : vector<16xi32>
      %get3A_39 = arith.index_cast %mul3A_28 : i32 to index
      %get3A_40 = tpu.vector_load %arg9[%get3A_39] {strides = array<i32>} : memref<2400xi32, #tpu.memory_space<vmem>>, vector<16xi32>,
      %add3A_41 = arith.addi %mul3A_38, %get3A_40 : vector<16xi32>
      %mul3A_42 = arith.constant 352 : i32
      %mul3A_43 = vector.broadcast %mul3A_42 : i32 to vector<16xi32>
      %mul3A_44 = arith.muli %add3A_41, %mul3A_43 : vector<16xi32>
      %get3A_45 = arith.index_cast %mul3A_28 : i32 to index
      %get3A_46 = tpu.vector_load %arg10[%get3A_45] {strides = array<i32>} : memref<2400xi32, #tpu.memory_space<vmem>>, vector<16xi32>,
      %add3A_47 = arith.addi %mul3A_44, %get3A_46 : vector<16xi32>
      %mul3A_48 = arith.constant 16 : i32
      %mul3A_49 = arith.muli %scan3A_26, %mul3A_48 : i32
      %add3A_50 = arith.addi %add3A_4, %mul3A_49 : i32
      %iota3A = tpu.iota {dimensions = array<i32: 0>} : vector<16xi32>
      %add3A_51 = vector.broadcast %add3A_50 : i32 to vector<16xi32>
      %add3A_52 = arith.addi %add3A_51, %iota3A : vector<16xi32>
      %swap3A = arith.index_cast %mul3A_28 : i32 to index
      %swap3A_53 = tpu.vector_load %arg11[%swap3A] {strides = array<i32>} : memref<2400xi32, #tpu.memory_space<vmem>>, vector<16xi32>,
      tpu.vector_store %arg11[%swap3A], %add3A_47 {strides = array<i32>} : memref<2400xi32, #tpu.memory_space<vmem>>, vector<16xi32>,
      %lt3A = arith.constant 150000 : i32
      %lt3A_54 = vector.broadcast %lt3A : i32 to vector<16xi32>
      %lt3A_55 = arith.cmpi slt, %add3A_52, %lt3A_54 : vector<16xi32>
      %jit3A = arith.constant 0 : i32
      %broadcast_in_dim3A = vector.broadcast %jit3A : i32 to vector<16xi32>
      %select_n3A = arith.select %lt3A_55, %add3A_52, %broadcast_in_dim3A : vector<16xi1>, vector<16xi32>
      %swap3A_56 = arith.index_cast %mul3A_28 : i32 to index
      %swap3A_57 = tpu.vector_load %arg12[%swap3A_56] {strides = array<i32>} : memref<2400xi32, #tpu.memory_space<vmem>>, vector<16xi32>,
      tpu.vector_store %arg12[%swap3A_56], %select_n3A {strides = array<i32>} : memref<2400xi32, #tpu.memory_space<vmem>>, vector<16xi32>,
    }
    %scan3A_9 = arith.constant 150 : i32
    %dma_start3A = arith.constant 0 : i32
    %dma_start3A_10 = tpu.memref_slice %arg6[%dma_start3A] : memref<11545601xi32, #tpu.memory_space<hbm>> -> memref<11545601xi32, #tpu.memory_space<hbm>>
    tpu.enqueue_indirect_dma source(%arg12 : memref<2400xi32, #tpu.memory_space<vmem>>) target(%dma_start3A_10 : memref<11545601xi32, #tpu.memory_space<hbm>>) offsets(%arg11 : memref<2400xi32, #tpu.memory_space<vmem>>) semaphore(%arg13 : memref<!tpu.dma_semaphore, #tpu.memory_space<semaphore_mem>>)
    %dma_wait3A = arith.constant 0 : i32
    %dma_wait3A_11 = tpu.memref_slice %arg6[%dma_wait3A] : memref<11545601xi32, #tpu.memory_space<hbm>> -> memref<11545601xi32, #tpu.memory_space<hbm>>
    tpu.wait_indirect_dma semaphore(%arg13 : memref<!tpu.dma_semaphore, #tpu.memory_space<semaphore_mem>>) src(%arg12 : memref<2400xi32, #tpu.memory_space<vmem>>) dst(%dma_wait3A_11 : memref<11545601xi32, #tpu.memory_space<hbm>>)
    %mul3A_12 = arith.constant 4800 : i32
    %mul3A_13 = arith.muli %add3A, %mul3A_12 : i32
    %add3A_14 = arith.constant 2400 : i32
    %add3A_15 = arith.addi %mul3A_13, %add3A_14 : i32
    "tpu.region"() ({
      %run_scoped3A = tpu.sem_alloc : memref<!tpu.dma_semaphore, #tpu.memory_space<semaphore_mem>>
      %dma_start3A_26 = tpu.memref_slice %arg2[%add3A_15] : memref<153600xi32, #tpu.memory_space<hbm>> -> memref<2400xi32, #tpu.memory_space<hbm>>
      %dma_start3A_27 = tpu.memref_slice %arg2[%add3A_15] : memref<153600xi32, #tpu.memory_space<hbm>> -> memref<2400xi32, #tpu.memory_space<hbm>>
      tpu.enqueue_dma source(%dma_start3A_27 : memref<2400xi32, #tpu.memory_space<hbm>>) target(%arg7 : memref<2400xi32, #tpu.memory_space<vmem>>) target_semaphore(%run_scoped3A : memref<!tpu.dma_semaphore, #tpu.memory_space<semaphore_mem>>)
      %dma_wait3A_28 = tpu.memref_slice %arg2[%add3A_15] : memref<153600xi32, #tpu.memory_space<hbm>> -> memref<2400xi32, #tpu.memory_space<hbm>>
      %dma_wait3A_29 = tpu.memref_slice %arg2[%add3A_15] : memref<153600xi32, #tpu.memory_space<hbm>> -> memref<2400xi32, #tpu.memory_space<hbm>>
      tpu.wait_dma2 semaphore(%run_scoped3A : memref<!tpu.dma_semaphore, #tpu.memory_space<semaphore_mem>>) src(%dma_wait3A_29 : memref<2400xi32, #tpu.memory_space<hbm>>) dst(%arg7 : memref<2400xi32, #tpu.memory_space<vmem>>)
      tpu.yield
    }) : () -> ()
    "tpu.region"() ({
      %run_scoped3A = tpu.sem_alloc : memref<!tpu.dma_semaphore, #tpu.memory_space<semaphore_mem>>
      %dma_start3A_26 = tpu.memref_slice %arg3[%add3A_15] : memref<153600xi32, #tpu.memory_space<hbm>> -> memref<2400xi32, #tpu.memory_space<hbm>>
      %dma_start3A_27 = tpu.memref_slice %arg3[%add3A_15] : memref<153600xi32, #tpu.memory_space<hbm>> -> memref<2400xi32, #tpu.memory_space<hbm>>
      tpu.enqueue_dma source(%dma_start3A_27 : memref<2400xi32, #tpu.memory_space<hbm>>) target(%arg8 : memref<2400xi32, #tpu.memory_space<vmem>>) target_semaphore(%run_scoped3A : memref<!tpu.dma_semaphore, #tpu.memory_space<semaphore_mem>>)
      %dma_wait3A_28 = tpu.memref_slice %arg3[%add3A_15] : memref<153600xi32, #tpu.memory_space<hbm>> -> memref<2400xi32, #tpu.memory_space<hbm>>
      %dma_wait3A_29 = tpu.memref_slice %arg3[%add3A_15] : memref<153600xi32, #tpu.memory_space<hbm>> -> memref<2400xi32, #tpu.memory_space<hbm>>
      tpu.wait_dma2 semaphore(%run_scoped3A : memref<!tpu.dma_semaphore, #tpu.memory_space<semaphore_mem>>) src(%dma_wait3A_29 : memref<2400xi32, #tpu.memory_space<hbm>>) dst(%arg8 : memref<2400xi32, #tpu.memory_space<vmem>>)
      tpu.yield
    }) : () -> ()
    "tpu.region"() ({
      %run_scoped3A = tpu.sem_alloc : memref<!tpu.dma_semaphore, #tpu.memory_space<semaphore_mem>>
      %dma_start3A_26 = tpu.memref_slice %arg4[%add3A_15] : memref<153600xi32, #tpu.memory_space<hbm>> -> memref<2400xi32, #tpu.memory_space<hbm>>
      %dma_start3A_27 = tpu.memref_slice %arg4[%add3A_15] : memref<153600xi32, #tpu.memory_space<hbm>> -> memref<2400xi32, #tpu.memory_space<hbm>>
      tpu.enqueue_dma source(%dma_start3A_27 : memref<2400xi32, #tpu.memory_space<hbm>>) target(%arg9 : memref<2400xi32, #tpu.memory_space<vmem>>) target_semaphore(%run_scoped3A : memref<!tpu.dma_semaphore, #tpu.memory_space<semaphore_mem>>)
      %dma_wait3A_28 = tpu.memref_slice %arg4[%add3A_15] : memref<153600xi32, #tpu.memory_space<hbm>> -> memref<2400xi32, #tpu.memory_space<hbm>>
      %dma_wait3A_29 = tpu.memref_slice %arg4[%add3A_15] : memref<153600xi32, #tpu.memory_space<hbm>> -> memref<2400xi32, #tpu.memory_space<hbm>>
      tpu.wait_dma2 semaphore(%run_scoped3A : memref<!tpu.dma_semaphore, #tpu.memory_space<semaphore_mem>>) src(%dma_wait3A_29 : memref<2400xi32, #tpu.memory_space<hbm>>) dst(%arg9 : memref<2400xi32, #tpu.memory_space<vmem>>)
      tpu.yield
    }) : () -> ()
    "tpu.region"() ({
      %run_scoped3A = tpu.sem_alloc : memref<!tpu.dma_semaphore, #tpu.memory_space<semaphore_mem>>
      %dma_start3A_26 = tpu.memref_slice %arg5[%add3A_15] : memref<153600xi32, #tpu.memory_space<hbm>> -> memref<2400xi32, #tpu.memory_space<hbm>>
      %dma_start3A_27 = tpu.memref_slice %arg5[%add3A_15] : memref<153600xi32, #tpu.memory_space<hbm>> -> memref<2400xi32, #tpu.memory_space<hbm>>
      tpu.enqueue_dma source(%dma_start3A_27 : memref<2400xi32, #tpu.memory_space<hbm>>) target(%arg10 : memref<2400xi32, #tpu.memory_space<vmem>>) target_semaphore(%run_scoped3A : memref<!tpu.dma_semaphore, #tpu.memory_space<semaphore_mem>>)
      %dma_wait3A_28 = tpu.memref_slice %arg5[%add3A_15] : memref<153600xi32, #tpu.memory_space<hbm>> -> memref<2400xi32, #tpu.memory_space<hbm>>
      %dma_wait3A_29 = tpu.memref_slice %arg5[%add3A_15] : memref<153600xi32, #tpu.memory_space<hbm>> -> memref<2400xi32, #tpu.memory_space<hbm>>
      tpu.wait_dma2 semaphore(%run_scoped3A : memref<!tpu.dma_semaphore, #tpu.memory_space<semaphore_mem>>) src(%dma_wait3A_29 : memref<2400xi32, #tpu.memory_space<hbm>>) dst(%arg10 : memref<2400xi32, #tpu.memory_space<vmem>>)
      tpu.yield
    }) : () -> ()
    %scan3A_16 = arith.constant 0 : i32
    %scan3A_17 = arith.constant 0 : i32
    %scan3A_18 = arith.constant 150 : i32
    %scan3A_19 = arith.addi %scan3A_17, %scan3A_18 : i32
    %scan3A_20 = arith.constant 1 : i32
    scf.for %scan3A_26 = %scan3A_17 to %scan3A_19 step %scan3A_20  : i32 {
      %mul3A_27 = arith.constant 16 : i32
      %mul3A_28 = arith.muli %scan3A_26, %mul3A_27 : i32
      %get3A = arith.index_cast %mul3A_28 : i32 to index
      %get3A_29 = tpu.vector_load %arg7[%get3A] {strides = array<i32>} : memref<2400xi32, #tpu.memory_space<vmem>>, vector<16xi32>,
      %mul3A_30 = arith.constant 41 : i32
      %mul3A_31 = vector.broadcast %mul3A_30 : i32 to vector<16xi32>
      %mul3A_32 = arith.muli %get3A_29, %mul3A_31 : vector<16xi32>
      %get3A_33 = arith.index_cast %mul3A_28 : i32 to index
      %get3A_34 = tpu.vector_load %arg8[%get3A_33] {strides = array<i32>} : memref<2400xi32, #tpu.memory_space<vmem>>, vector<16xi32>,
      %add3A_35 = arith.addi %mul3A_32, %get3A_34 : vector<16xi32>
      %mul3A_36 = arith.constant 400 : i32
      %mul3A_37 = vector.broadcast %mul3A_36 : i32 to vector<16xi32>
      %mul3A_38 = arith.muli %add3A_35, %mul3A_37 : vector<16xi32>
      %get3A_39 = arith.index_cast %mul3A_28 : i32 to index
      %get3A_40 = tpu.vector_load %arg9[%get3A_39] {strides = array<i32>} : memref<2400xi32, #tpu.memory_space<vmem>>, vector<16xi32>,
      %add3A_41 = arith.addi %mul3A_38, %get3A_40 : vector<16xi32>
      %mul3A_42 = arith.constant 352 : i32
      %mul3A_43 = vector.broadcast %mul3A_42 : i32 to vector<16xi32>
      %mul3A_44 = arith.muli %add3A_41, %mul3A_43 : vector<16xi32>
      %get3A_45 = arith.index_cast %mul3A_28 : i32 to index
      %get3A_46 = tpu.vector_load %arg10[%get3A_45] {strides = array<i32>} : memref<2400xi32, #tpu.memory_space<vmem>>, vector<16xi32>,
      %add3A_47 = arith.addi %mul3A_44, %get3A_46 : vector<16xi32>
      %mul3A_48 = arith.constant 16 : i32
      %mul3A_49 = arith.muli %scan3A_26, %mul3A_48 : i32
      %add3A_50 = arith.addi %add3A_15, %mul3A_49 : i32
      %iota3A = tpu.iota {dimensions = array<i32: 0>} : vector<16xi32>
      %add3A_51 = vector.broadcast %add3A_50 : i32 to vector<16xi32>
      %add3A_52 = arith.addi %add3A_51, %iota3A : vector<16xi32>
      %swap3A = arith.index_cast %mul3A_28 : i32 to index
      %swap3A_53 = tpu.vector_load %arg11[%swap3A] {strides = array<i32>} : memref<2400xi32, #tpu.memory_space<vmem>>, vector<16xi32>,
      tpu.vector_store %arg11[%swap3A], %add3A_47 {strides = array<i32>} : memref<2400xi32, #tpu.memory_space<vmem>>, vector<16xi32>,
      %lt3A = arith.constant 150000 : i32
      %lt3A_54 = vector.broadcast %lt3A : i32 to vector<16xi32>
      %lt3A_55 = arith.cmpi slt, %add3A_52, %lt3A_54 : vector<16xi32>
      %jit3A = arith.constant 0 : i32
      %broadcast_in_dim3A = vector.broadcast %jit3A : i32 to vector<16xi32>
      %select_n3A = arith.select %lt3A_55, %add3A_52, %broadcast_in_dim3A : vector<16xi1>, vector<16xi32>
      %swap3A_56 = arith.index_cast %mul3A_28 : i32 to index
      %swap3A_57 = tpu.vector_load %arg12[%swap3A_56] {strides = array<i32>} : memref<2400xi32, #tpu.memory_space<vmem>>, vector<16xi32>,
      tpu.vector_store %arg12[%swap3A_56], %select_n3A {strides = array<i32>} : memref<2400xi32, #tpu.memory_space<vmem>>, vector<16xi32>,
    }
    %scan3A_21 = arith.constant 150 : i32
    %dma_start3A_22 = arith.constant 0 : i32
    %dma_start3A_23 = tpu.memref_slice %arg6[%dma_start3A_22] : memref<11545601xi32, #tpu.memory_space<hbm>> -> memref<11545601xi32, #tpu.memory_space<hbm>>
    tpu.enqueue_indirect_dma source(%arg12 : memref<2400xi32, #tpu.memory_space<vmem>>) target(%dma_start3A_23 : memref<11545601xi32, #tpu.memory_space<hbm>>) offsets(%arg11 : memref<2400xi32, #tpu.memory_space<vmem>>) semaphore(%arg13 : memref<!tpu.dma_semaphore, #tpu.memory_space<semaphore_mem>>)
    %dma_wait3A_24 = arith.constant 0 : i32
    %dma_wait3A_25 = tpu.memref_slice %arg6[%dma_wait3A_24] : memref<11545601xi32, #tpu.memory_space<hbm>> -> memref<11545601xi32, #tpu.memory_space<hbm>>
    tpu.wait_indirect_dma semaphore(%arg13 : memref<!tpu.dma_semaphore, #tpu.memory_space<semaphore_mem>>) src(%arg12 : memref<2400xi32, #tpu.memory_space<vmem>>) dst(%dma_wait3A_25 : memref<11545601xi32, #tpu.memory_space<hbm>>)
    return
  }
}

module attributes {stable_mosaic.version = 14 : i64} {
  func.func @_mm_body(%arg0: i32, %arg1: memref<2400x16xf32, #tpu.memory_space<vmem>>, %arg2: memref<16x416xf32, #tpu.memory_space<vmem>>, %arg3: memref<16x16xf32, #tpu.memory_space<vmem>>, %arg4: memref<2400x416xf32, #tpu.memory_space<vmem>>, %arg5: memref<2400x16xf32, #tpu.memory_space<vmem>>) attributes {dimension_semantics = [#tpu.dimension_semantics<arbitrary>], iteration_bounds = array<i64: 64>, scalar_prefetch = 0 : i64, scratch_operands = 0 : i64, tpu.core_type = #tpu.core_type<tc>, window_params = [{transform_indices = @transform_0, window_bounds = array<i64: 2400, 16>}, {pipeline_mode = #tpu.pipeline_mode<synchronous>, transform_indices = @transform_1, window_bounds = array<i64: 16, 416>}, {pipeline_mode = #tpu.pipeline_mode<synchronous>, transform_indices = @transform_2, window_bounds = array<i64: 16, 16>}, {transform_indices = @transform_3, window_bounds = array<i64: 2400, 416>}, {transform_indices = @transform_4, window_bounds = array<i64: 2400, 16>}]} {
    %get3A = arith.constant 0 : index
    %get3A_0 = arith.constant 0 : index
    %get3A_1 = vector.load %arg1[%get3A, %get3A_0] : memref<2400x16xf32, #tpu.memory_space<vmem>>, vector<2400x16xf32>
    %get3A_2 = arith.constant 0 : index
    %get3A_3 = arith.constant 0 : index
    %get3A_4 = vector.load %arg2[%get3A_2, %get3A_3] : memref<16x416xf32, #tpu.memory_space<vmem>>, vector<16x416xf32>
    %dot_general3A = arith.constant dense<0.000000e+00> : vector<2400x416xf32>
    %dot_general3A_5 = tpu.matmul %get3A_1, %get3A_4, %dot_general3A {dimension_numbers = #tpu.dot_dimension_numbers<[1], [0], [0], [1], [0, 0, 1, 1], [], []>, transpose_lhs_hint = false} : vector<2400x16xf32>, vector<16x416xf32>, vector<2400x416xf32> -> vector<2400x416xf32>
    %swap3A = arith.constant 0 : index
    %swap3A_6 = arith.constant 0 : index
    %swap3A_7 = vector.load %arg4[%swap3A, %swap3A_6] : memref<2400x416xf32, #tpu.memory_space<vmem>>, vector<2400x416xf32>
    tpu.vector_store %arg4[%swap3A, %swap3A_6], %dot_general3A_5 {strides = array<i32>} : memref<2400x416xf32, #tpu.memory_space<vmem>>, vector<2400x416xf32>,
    %get3A_8 = arith.constant 0 : index
    %get3A_9 = arith.constant 0 : index
    %get3A_10 = vector.load %arg3[%get3A_8, %get3A_9] : memref<16x16xf32, #tpu.memory_space<vmem>>, vector<16x16xf32>
    %dot_general3A_11 = arith.constant dense<0.000000e+00> : vector<2400x16xf32>
    %dot_general3A_12 = tpu.matmul %get3A_1, %get3A_10, %dot_general3A_11 {dimension_numbers = #tpu.dot_dimension_numbers<[1], [0], [0], [1], [0, 0, 1, 1], [], []>, transpose_lhs_hint = false} : vector<2400x16xf32>, vector<16x16xf32>, vector<2400x16xf32> -> vector<2400x16xf32>
    %swap3A_13 = arith.constant 0 : index
    %swap3A_14 = arith.constant 0 : index
    %swap3A_15 = vector.load %arg5[%swap3A_13, %swap3A_14] : memref<2400x16xf32, #tpu.memory_space<vmem>>, vector<2400x16xf32>
    tpu.vector_store %arg5[%swap3A_13, %swap3A_14], %dot_general3A_12 {strides = array<i32>} : memref<2400x16xf32, #tpu.memory_space<vmem>>, vector<2400x16xf32>,
    return
  }
  func.func @transform_0(%arg0: i32) -> (i32, i32) {
    %c0_i32 = arith.constant 0 : i32
    %c0_i32_0 = arith.constant 0 : i32
    return %arg0, %c0_i32 : i32, i32
  }
  func.func @transform_1(%arg0: i32) -> (i32, i32) {
    %c0_i32 = arith.constant 0 : i32
    %c0_i32_0 = arith.constant 0 : i32
    %c0_i32_1 = arith.constant 0 : i32
    return %c0_i32, %c0_i32_0 : i32, i32
  }
  func.func @transform_2(%arg0: i32) -> (i32, i32) {
    %c0_i32 = arith.constant 0 : i32
    %c0_i32_0 = arith.constant 0 : i32
    %c0_i32_1 = arith.constant 0 : i32
    return %c0_i32, %c0_i32_0 : i32, i32
  }
  func.func @transform_3(%arg0: i32) -> (i32, i32) {
    %c0_i32 = arith.constant 0 : i32
    %c0_i32_0 = arith.constant 0 : i32
    return %arg0, %c0_i32 : i32, i32
  }
  func.func @transform_4(%arg0: i32) -> (i32, i32) {
    %c0_i32 = arith.constant 0 : i32
    %c0_i32_0 = arith.constant 0 : i32
    return %arg0, %c0_i32 : i32, i32
  }
}

module attributes {stable_mosaic.version = 14 : i64} {
  func.func @_bn_body(%arg0: memref<19200x128xf32, #tpu.memory_space<vmem>>, %arg1: memref<1x128xf32, #tpu.memory_space<vmem>>, %arg2: memref<1x128xf32, #tpu.memory_space<vmem>>, %arg3: memref<19200x128xf32, #tpu.memory_space<vmem>>) attributes {dimension_semantics = [], scalar_prefetch = 0 : i64, scratch_operands = 0 : i64, tpu.core_type = #tpu.core_type<tc>} {
    %get3A = arith.constant 0 : index
    %get3A_0 = arith.constant 0 : index
    %get3A_1 = vector.load %arg0[%get3A, %get3A_0] : memref<19200x128xf32, #tpu.memory_space<vmem>>, vector<19200x128xf32>
    %iota3A = tpu.iota {dimensions = array<i32: 0>} : vector<19200x128xi32>
    %lt3A = arith.constant 18750 : i32
    %lt3A_2 = vector.broadcast %lt3A : i32 to vector<19200x128xi32>
    %lt3A_3 = arith.cmpi slt, %iota3A, %lt3A_2 : vector<19200x128xi32>
    %convert_element_type3A = arith.extui %lt3A_3 : vector<19200x128xi1> to vector<19200x128xi32>
    %convert_element_type3A_4 = arith.sitofp %convert_element_type3A : vector<19200x128xi32> to vector<19200x128xf32>
    %mul3A = arith.mulf %get3A_1, %convert_element_type3A_4 : vector<19200x128xf32>
    %reduce_sum3A = arith.constant dense<0.000000e+00> : vector<128xf32>
    %reduce_sum3A_5 = vector.multi_reduction <add>, %mul3A, %reduce_sum3A [0] : vector<19200x128xf32> to vector<128xf32>
    %broadcast_in_dim3A = vector.shape_cast %reduce_sum3A_5 : vector<128xf32> to vector<1x128xf32>
    %mul3A_6 = arith.mulf %mul3A, %get3A_1 : vector<19200x128xf32>
    %reduce_sum3A_7 = arith.constant dense<0.000000e+00> : vector<128xf32>
    %reduce_sum3A_8 = vector.multi_reduction <add>, %mul3A_6, %reduce_sum3A_7 [0] : vector<19200x128xf32> to vector<128xf32>
    %broadcast_in_dim3A_9 = vector.shape_cast %reduce_sum3A_8 : vector<128xf32> to vector<1x128xf32>
    %slice3A = vector.extract_strided_slice %broadcast_in_dim3A {offsets = [0, 112], sizes = [1, 16], strides = [1, 1]} : vector<1x128xf32> to vector<1x16xf32>
    %slice3A_10 = vector.extract_strided_slice %broadcast_in_dim3A {offsets = [0, 0], sizes = [1, 112], strides = [1, 1]} : vector<1x128xf32> to vector<1x112xf32>
    %concatenate3A = tpu.concatenate %slice3A, %slice3A_10 in 1 : vector<1x16xf32>, vector<1x112xf32> -> vector<1x128xf32>
    %add3A = arith.addf %broadcast_in_dim3A, %concatenate3A : vector<1x128xf32>
    %slice3A_11 = vector.extract_strided_slice %broadcast_in_dim3A_9 {offsets = [0, 112], sizes = [1, 16], strides = [1, 1]} : vector<1x128xf32> to vector<1x16xf32>
    %slice3A_12 = vector.extract_strided_slice %broadcast_in_dim3A_9 {offsets = [0, 0], sizes = [1, 112], strides = [1, 1]} : vector<1x128xf32> to vector<1x112xf32>
    %concatenate3A_13 = tpu.concatenate %slice3A_11, %slice3A_12 in 1 : vector<1x16xf32>, vector<1x112xf32> -> vector<1x128xf32>
    %add3A_14 = arith.addf %broadcast_in_dim3A_9, %concatenate3A_13 : vector<1x128xf32>
    %slice3A_15 = vector.extract_strided_slice %broadcast_in_dim3A {offsets = [0, 96], sizes = [1, 32], strides = [1, 1]} : vector<1x128xf32> to vector<1x32xf32>
    %slice3A_16 = vector.extract_strided_slice %broadcast_in_dim3A {offsets = [0, 0], sizes = [1, 96], strides = [1, 1]} : vector<1x128xf32> to vector<1x96xf32>
    %concatenate3A_17 = tpu.concatenate %slice3A_15, %slice3A_16 in 1 : vector<1x32xf32>, vector<1x96xf32> -> vector<1x128xf32>
    %add3A_18 = arith.addf %add3A, %concatenate3A_17 : vector<1x128xf32>
    %slice3A_19 = vector.extract_strided_slice %broadcast_in_dim3A_9 {offsets = [0, 96], sizes = [1, 32], strides = [1, 1]} : vector<1x128xf32> to vector<1x32xf32>
    %slice3A_20 = vector.extract_strided_slice %broadcast_in_dim3A_9 {offsets = [0, 0], sizes = [1, 96], strides = [1, 1]} : vector<1x128xf32> to vector<1x96xf32>
    %concatenate3A_21 = tpu.concatenate %slice3A_19, %slice3A_20 in 1 : vector<1x32xf32>, vector<1x96xf32> -> vector<1x128xf32>
    %add3A_22 = arith.addf %add3A_14, %concatenate3A_21 : vector<1x128xf32>
    %slice3A_23 = vector.extract_strided_slice %broadcast_in_dim3A {offsets = [0, 80], sizes = [1, 48], strides = [1, 1]} : vector<1x128xf32> to vector<1x48xf32>
    %slice3A_24 = vector.extract_strided_slice %broadcast_in_dim3A {offsets = [0, 0], sizes = [1, 80], strides = [1, 1]} : vector<1x128xf32> to vector<1x80xf32>
    %concatenate3A_25 = tpu.concatenate %slice3A_23, %slice3A_24 in 1 : vector<1x48xf32>, vector<1x80xf32> -> vector<1x128xf32>
    %add3A_26 = arith.addf %add3A_18, %concatenate3A_25 : vector<1x128xf32>
    %slice3A_27 = vector.extract_strided_slice %broadcast_in_dim3A_9 {offsets = [0, 80], sizes = [1, 48], strides = [1, 1]} : vector<1x128xf32> to vector<1x48xf32>
    %slice3A_28 = vector.extract_strided_slice %broadcast_in_dim3A_9 {offsets = [0, 0], sizes = [1, 80], strides = [1, 1]} : vector<1x128xf32> to vector<1x80xf32>
    %concatenate3A_29 = tpu.concatenate %slice3A_27, %slice3A_28 in 1 : vector<1x48xf32>, vector<1x80xf32> -> vector<1x128xf32>
    %add3A_30 = arith.addf %add3A_22, %concatenate3A_29 : vector<1x128xf32>
    %slice3A_31 = vector.extract_strided_slice %broadcast_in_dim3A {offsets = [0, 64], sizes = [1, 64], strides = [1, 1]} : vector<1x128xf32> to vector<1x64xf32>
    %slice3A_32 = vector.extract_strided_slice %broadcast_in_dim3A {offsets = [0, 0], sizes = [1, 64], strides = [1, 1]} : vector<1x128xf32> to vector<1x64xf32>
    %concatenate3A_33 = tpu.concatenate %slice3A_31, %slice3A_32 in 1 : vector<1x64xf32>, vector<1x64xf32> -> vector<1x128xf32>
    %add3A_34 = arith.addf %add3A_26, %concatenate3A_33 : vector<1x128xf32>
    %slice3A_35 = vector.extract_strided_slice %broadcast_in_dim3A_9 {offsets = [0, 64], sizes = [1, 64], strides = [1, 1]} : vector<1x128xf32> to vector<1x64xf32>
    %slice3A_36 = vector.extract_strided_slice %broadcast_in_dim3A_9 {offsets = [0, 0], sizes = [1, 64], strides = [1, 1]} : vector<1x128xf32> to vector<1x64xf32>
    %concatenate3A_37 = tpu.concatenate %slice3A_35, %slice3A_36 in 1 : vector<1x64xf32>, vector<1x64xf32> -> vector<1x128xf32>
    %add3A_38 = arith.addf %add3A_30, %concatenate3A_37 : vector<1x128xf32>
    %slice3A_39 = vector.extract_strided_slice %broadcast_in_dim3A {offsets = [0, 48], sizes = [1, 80], strides = [1, 1]} : vector<1x128xf32> to vector<1x80xf32>
    %slice3A_40 = vector.extract_strided_slice %broadcast_in_dim3A {offsets = [0, 0], sizes = [1, 48], strides = [1, 1]} : vector<1x128xf32> to vector<1x48xf32>
    %concatenate3A_41 = tpu.concatenate %slice3A_39, %slice3A_40 in 1 : vector<1x80xf32>, vector<1x48xf32> -> vector<1x128xf32>
    %add3A_42 = arith.addf %add3A_34, %concatenate3A_41 : vector<1x128xf32>
    %slice3A_43 = vector.extract_strided_slice %broadcast_in_dim3A_9 {offsets = [0, 48], sizes = [1, 80], strides = [1, 1]} : vector<1x128xf32> to vector<1x80xf32>
    %slice3A_44 = vector.extract_strided_slice %broadcast_in_dim3A_9 {offsets = [0, 0], sizes = [1, 48], strides = [1, 1]} : vector<1x128xf32> to vector<1x48xf32>
    %concatenate3A_45 = tpu.concatenate %slice3A_43, %slice3A_44 in 1 : vector<1x80xf32>, vector<1x48xf32> -> vector<1x128xf32>
    %add3A_46 = arith.addf %add3A_38, %concatenate3A_45 : vector<1x128xf32>
    %slice3A_47 = vector.extract_strided_slice %broadcast_in_dim3A {offsets = [0, 32], sizes = [1, 96], strides = [1, 1]} : vector<1x128xf32> to vector<1x96xf32>
    %slice3A_48 = vector.extract_strided_slice %broadcast_in_dim3A {offsets = [0, 0], sizes = [1, 32], strides = [1, 1]} : vector<1x128xf32> to vector<1x32xf32>
    %concatenate3A_49 = tpu.concatenate %slice3A_47, %slice3A_48 in 1 : vector<1x96xf32>, vector<1x32xf32> -> vector<1x128xf32>
    %add3A_50 = arith.addf %add3A_42, %concatenate3A_49 : vector<1x128xf32>
    %slice3A_51 = vector.extract_strided_slice %broadcast_in_dim3A_9 {offsets = [0, 32], sizes = [1, 96], strides = [1, 1]} : vector<1x128xf32> to vector<1x96xf32>
    %slice3A_52 = vector.extract_strided_slice %broadcast_in_dim3A_9 {offsets = [0, 0], sizes = [1, 32], strides = [1, 1]} : vector<1x128xf32> to vector<1x32xf32>
    %concatenate3A_53 = tpu.concatenate %slice3A_51, %slice3A_52 in 1 : vector<1x96xf32>, vector<1x32xf32> -> vector<1x128xf32>
    %add3A_54 = arith.addf %add3A_46, %concatenate3A_53 : vector<1x128xf32>
    %slice3A_55 = vector.extract_strided_slice %broadcast_in_dim3A {offsets = [0, 16], sizes = [1, 112], strides = [1, 1]} : vector<1x128xf32> to vector<1x112xf32>
    %slice3A_56 = vector.extract_strided_slice %broadcast_in_dim3A {offsets = [0, 0], sizes = [1, 16], strides = [1, 1]} : vector<1x128xf32> to vector<1x16xf32>
    %concatenate3A_57 = tpu.concatenate %slice3A_55, %slice3A_56 in 1 : vector<1x112xf32>, vector<1x16xf32> -> vector<1x128xf32>
    %add3A_58 = arith.addf %add3A_50, %concatenate3A_57 : vector<1x128xf32>
    %slice3A_59 = vector.extract_strided_slice %broadcast_in_dim3A_9 {offsets = [0, 16], sizes = [1, 112], strides = [1, 1]} : vector<1x128xf32> to vector<1x112xf32>
    %slice3A_60 = vector.extract_strided_slice %broadcast_in_dim3A_9 {offsets = [0, 0], sizes = [1, 16], strides = [1, 1]} : vector<1x128xf32> to vector<1x16xf32>
    %concatenate3A_61 = tpu.concatenate %slice3A_59, %slice3A_60 in 1 : vector<1x112xf32>, vector<1x16xf32> -> vector<1x128xf32>
    %add3A_62 = arith.addf %add3A_54, %concatenate3A_61 : vector<1x128xf32>
    %mul3A_63 = arith.constant 6.66666664E-6 : f32
    %mul3A_64 = vector.broadcast %mul3A_63 : f32 to vector<1x128xf32>
    %mul3A_65 = arith.mulf %add3A_58, %mul3A_64 : vector<1x128xf32>
    %mul3A_66 = arith.constant 6.66666664E-6 : f32
    %mul3A_67 = vector.broadcast %mul3A_66 : f32 to vector<1x128xf32>
    %mul3A_68 = arith.mulf %add3A_62, %mul3A_67 : vector<1x128xf32>
    %mul3A_69 = arith.mulf %mul3A_65, %mul3A_65 : vector<1x128xf32>
    %sub3A = arith.subf %mul3A_68, %mul3A_69 : vector<1x128xf32>
    %add3A_70 = arith.constant 9.99999974E-6 : f32
    %add3A_71 = vector.broadcast %add3A_70 : f32 to vector<1x128xf32>
    %add3A_72 = arith.addf %sub3A, %add3A_71 : vector<1x128xf32>
    %rsqrt3A = math.rsqrt %add3A_72 : vector<1x128xf32>
    %get3A_73 = arith.constant 0 : index
    %get3A_74 = arith.constant 0 : index
    %get3A_75 = vector.load %arg1[%get3A_73, %get3A_74] : memref<1x128xf32, #tpu.memory_space<vmem>>, vector<1x128xf32>
    %mul3A_76 = arith.mulf %rsqrt3A, %get3A_75 : vector<1x128xf32>
    %get3A_77 = arith.constant 0 : index
    %get3A_78 = arith.constant 0 : index
    %get3A_79 = vector.load %arg2[%get3A_77, %get3A_78] : memref<1x128xf32, #tpu.memory_space<vmem>>, vector<1x128xf32>
    %mul3A_80 = arith.mulf %mul3A_65, %mul3A_76 : vector<1x128xf32>
    %sub3A_81 = arith.subf %get3A_79, %mul3A_80 : vector<1x128xf32>
    %mul3A_82 = vector.broadcast %mul3A_76 : vector<1x128xf32> to vector<19200x128xf32>
    %mul3A_83 = arith.mulf %get3A_1, %mul3A_82 : vector<19200x128xf32>
    %add3A_84 = vector.broadcast %sub3A_81 : vector<1x128xf32> to vector<19200x128xf32>
    %add3A_85 = arith.addf %mul3A_83, %add3A_84 : vector<19200x128xf32>
    %max3A = arith.constant 0.000000e+00 : f32
    %max3A_86 = vector.broadcast %max3A : f32 to vector<19200x128xf32>
    %max3A_87 = arith.maximumf %add3A_85, %max3A_86 : vector<19200x128xf32>
    %swap3A = arith.constant 0 : index
    %swap3A_88 = arith.constant 0 : index
    %swap3A_89 = vector.load %arg3[%swap3A, %swap3A_88] : memref<19200x128xf32, #tpu.memory_space<vmem>>, vector<19200x128xf32>
    tpu.vector_store %arg3[%swap3A, %swap3A_88], %max3A_87 {strides = array<i32>} : memref<19200x128xf32, #tpu.memory_space<vmem>>, vector<19200x128xf32>,
    return
  }
}

</mosaic_0001>

<sc_bundles>
// kernel: kernel.6.cloned.1.call-start
scs
__scs_entry_jumppad:
0x0: {  	(pc) =	sbr.rel $0x88, $3  }
0x1: {  	(tag) =	ssettag $0x0;
	lr =	simm.s32 $0x1  }
0x2: {  	[smem:$0x3F9C] =	sst lr;
	_ =	strace $0xD0000000  }
0x3: {  	_ = 	snop  }
0x4: {  	_ = 	snop  }
0x5: {  	_ = 	snop  }
0x6: {  	_ = 	snop  }
0x7: {  	_ = 	snop  }
__scs_overlays_trampoline_lowered:
0x8: {  	[smem:$0x3FAB] =	sst s0  }
0x9: {  	[smem:$0x3FAC] =	sst s1  }
0xa: {  	[smem:$0x3FAD] =	sst s2  }
0xb: {  	[smem:$0x3FAE] =	sst s3  }
0xc: {  	[smem:$0x3FAF] =	sst s4  }
0xd: {  	[smem:$0x3FB0] =	sst s5  }
0xe: {  	[smem:$0x3FB1] =	sst s6  }
0xf: {  	[smem:$0x3FB2] =	sst s7  }
0x10: {  	[smem:$0x3FB3] =	sst s8  }
0x11: {  	[smem:$0x3FB4] =	sst s9;
	s0 =	simm.s32 @!p0 $0x0  }
0x12: {  	s1 =	sld [smem:$0x3F9A];
	s0 =	simm.s32 @p0 $0x1  }
0x13: {  	[smem:$0x3FB5] =	sst s0;
	s0 =	simm.s32 @!p1 $0x0  }
0x14: {  	s2 =	sld [smem:$0x3F99];
	s0 =	simm.s32 @p1 $0x1  }
0x15: {  	[smem:$0x3FB6] =	sst s0;
	s0 =	simm.s32 @!p2 $0x0  }
0x16: {  	s3 =	sld [smem:$0x3FDB];
	s0 =	simm.s32 @p2 $0x1  }
0x17: {  	s4 =	simm.s32 $0x1BF5;
	[smem:$0x3FB8] =	sst s0  }
0x18: {  	s0 =	sld [smem:$0x3F9B];
	_ =	swait.ge [sflag:s4], $0x0  }
0x19: {  	s7 =	sld [smem:$0x3F9C]  }
0x1a: {  	s8 =	sadd.s32 $0xFFFFE003, lr  }
0x1b: {  	s9 =	sadd.s32 $0xFFFFFEF7, lr;
	s5 =	simm.s32 $0xFFFFFFFF;
	p2 =	slt.u32 s8, $0xFFFFF086  }
0x1c: {  	p1 =	slt.u32 s9, $0xF7A;
	s5 =	simm.s32 @!p2 $0x0  }
0x1d: {  	s5 =	simm.s32 @p1 $0x1;
	p0 =	seq.s32 s7, s2  }
0x1e: {  	s7 =	smul.u32 @!p0 $0xF7A, s2;
	p2 =	seq.s32 @!p0 s5, $0x0  }
0x1f: {  	s9 =	smul.u32 $0xF7A, s1;
	s8 =	simm.s32 @!p0 $0x1BF5;
	p2 =	por !p2, p0  }
0x20: {  	[sflag:s8] =	ssyncset.s32 @!p0 $0xFFFFF086;
	s6 =	sadd.s32 @!p0 s3, s7;
	s7 =	simm.s32 @!p0 $0x108  }
0x21: {  	s3 =	sadd.s32 s3, s9;
	s6 =	sadd.s32 @!p0 $0x88, s6;
	s7 =	simm.s32 @p2 $0x1082  }
0x22: {  	[simem:s7], [sflag:s8] =	dma.local @!p0 [hbm:s6], $0xF7A  }
0x23: {  	s9 =	sor.u32 $0xD0000000, s2;
	s6 =	simm.s32 $0x108;
	_ =	swait.ge @!p0 [sflag:s8], $0x0  }
0x24: {  	s3 =	sadd.s32 $0x88, s3;
	s6 =	simm.s32 @!p1 $0x1082;
	[sflag:s4] =	ssyncset.s32 $0xFFFFF086  }
0x25: {  	[simem:s6], [sflag:s4] =	dma.local [hbm:s3], $0xF7A  }
0x26: {  	[smem:$0x3F9C] =	sst s1;
	(tag) =	ssettag s2;
	_ =	strace s9  }
0x27: {  	s1 =	sld [smem:$0x3FAC]  }
0x28: {  	s2 =	sld [smem:$0x3FAD]  }
0x29: {  	s4 =	sld [smem:$0x3FAF]  }
0x2a: {  	p0 =	seq.s32 s5, $0x0;
	s5 =	sld [smem:$0x3FB0]  }
0x2b: {  	s6 =	sld [smem:$0x3FB1]  }
0x2c: {  	s7 =	sld [smem:$0x3FB2]  }
0x2d: {  	s3 =	simm.s32 $0x108;
	s8 =	sld [smem:$0x3FB3]  }
0x2e: {  	s3 =	simm.s32 @!p0 $0x1082;
	s9 =	sld [smem:$0x3FB4]  }
0x2f: {  	lr =	sadd.s32 s0, s3;
	s0 =	sld [smem:$0x3FAB]  }
0x30: {  	s3 =	sld [smem:$0x3FAE]  }
0x31: {  	[smem:$0x3FB7] =	sst s10  }
0x32: {  	s10 =	sld [smem:$0x3FB5];
	_ =	sdelay $0x3  }
0x33: {  	p0 =	seq.s32 s10, $0x1;
	s10 =	sld [smem:$0x3FB7];
	_ =	sdelay $0x3  }
0x34: {  	[smem:$0x3FB7] =	sst s10  }
0x35: {  	s10 =	sld [smem:$0x3FB6];
	_ =	sdelay $0x3  }
0x36: {  	p1 =	seq.s32 s10, $0x1;
	s10 =	sld [smem:$0x3FB7];
	_ =	sdelay $0x3  }
0x37: {  	[smem:$0x3FB7] =	sst s10  }
0x38: {  	s10 =	sld [smem:$0x3FB8]  }
0x39: {  	_ = 	snop;
	(pc) =	sbr.ind lr, $3  }
0x3a: {  	_ = 	snop  }
0x3b: {  	_ = 	snop  }
0x3c: {  	p2 =	seq.s32 s10, $0x1;
	s10 =	sld [smem:$0x3FB7]  }
0x3d: {  	_ =	shalt  }
0x3e: {  	_ =	shalt  }
0x3f: {  	_ =	shalt  }
0x40: {  	_ =	shalt  }
0x41: {  	_ =	shalt  }
0x42: {  	_ =	shalt  }
0x43: {  	_ =	shalt  }
0x44: {  	_ =	shalt  }
0x45: {  	_ =	shalt  }
0x46: {  	_ =	shalt  }
0x47: {  	_ =	shalt  }
0x48: {  	_ =	shalt  }
0x49: {  	_ =	shalt  }
0x4a: {  	_ =	shalt  }
0x4b: {  	_ =	shalt  }
0x4c: {  	_ =	shalt  }
0x4d: {  	_ =	shalt  }
0x4e: {  	_ =	shalt  }
0x4f: {  	_ =	shalt  }
0x50: {  	_ =	shalt  }
0x51: {  	_ =	shalt  }
0x52: {  	_ =	shalt  }
0x53: {  	_ =	shalt  }
0x54: {  	_ =	shalt  }
0x55: {  	_ =	shalt  }
0x56: {  	_ =	shalt  }
0x57: {  	_ =	shalt  }
0x58: {  	_ =	shalt  }
0x59: {  	_ =	shalt  }
0x5a: {  	_ =	shalt  }
0x5b: {  	_ =	shalt  }
0x5c: {  	_ =	shalt  }
0x5d: {  	_ =	shalt  }
0x5e: {  	_ =	shalt  }
0x5f: {  	_ =	shalt  }
0x60: {  	_ =	shalt  }
0x61: {  	_ =	shalt  }
0x62: {  	_ =	shalt  }
0x63: {  	_ =	shalt  }
0x64: {  	_ =	shalt  }
0x65: {  	_ =	shalt  }
0x66: {  	_ =	shalt  }
0x67: {  	_ =	shalt  }
0x68: {  	_ =	shalt  }
0x69: {  	_ =	shalt  }
0x6a: {  	_ =	shalt  }
0x6b: {  	_ =	shalt  }
0x6c: {  	_ =	shalt  }
0x6d: {  	_ =	shalt  }
0x6e: {  	_ =	shalt  }
0x6f: {  	_ =	shalt  }
0x70: {  	_ =	shalt  }
0x71: {  	_ =	shalt  }
0x72: {  	_ =	shalt  }
0x73: {  	_ =	shalt  }
0x74: {  	_ =	shalt  }
0x75: {  	_ =	shalt  }
0x76: {  	_ =	shalt  }
0x77: {  	_ =	shalt  }
0x78: {  	_ =	shalt  }
0x79: {  	_ =	shalt  }
0x7a: {  	_ =	shalt  }
0x7b: {  	_ =	shalt  }
0x7c: {  	_ =	shalt  }
0x7d: {  	_ =	shalt  }
0x7e: {  	_ =	shalt  }
0x7f: {  	_ =	shalt  }
0x80: {  	_ =	shalt  }
0x81: {  	_ =	shalt  }
0x82: {  	_ =	shalt  }
0x83: {  	_ =	shalt  }
0x84: {  	_ =	shalt  }
0x85: {  	_ =	shalt  }
0x86: {  	_ =	shalt  }
0x87: {  	_ =	shalt  }
.Lfunc_end0:
.L_simem_size_0:
called_computation_lowered:
.L_overlay_start_0:
0x88: {  	s2 =	sld [smem:$0x3FD9]  }
0x89: {  	s3 =	sld [smem:$0x3FFE];
	_ =	sdelay $0x1  }
0x8a: {  	s1 =	srdreg.scid  }
0x8b: {  	s0 =	sand.u32 $0x1, s1  }
0x8c: {  	s17 =	sshll.u32 s0, $0xA;
	s2 =	sadd.s32 s3, s2  }
0x8d: {  	s2 =	sadd.s32 s2, s17  }
0x8e: {  	[smem:$0x3FC3] =	sst s2  }
0x8f: {  	_ = 	snop  }
0x90: {  	s2 =	sld [smem:$0x3FD0];
	(tm) =	ssettm $0x1  }
0x91: {  	s18 =	sld [smem:$0x3FFB];
	_ =	sdelay $0x3  }
0x92: {  	_ =	strace s18  }
0x93: {  	s3 =	sld [smem:$0x3FFC];
	_ =	sdelay $0x3  }
0x94: {  	_ =	strace s3  }
0x95: {  	s3 =	sld [smem:$0x3FFD];
	_ =	sdelay $0x3  }
0x96: {  	_ =	strace s3  }
0x97: {  	_ =	strace $0x8FFFFFFF  }
0x98: {  	s19 =	sld [smem:$0x3FDB];
	_ =	sdelay $0x1  }
0x99: {  	s4 =	simm.s32 $_scs_section_size  }
0x9a: {  	s5 =	simm.s32 $_size__tile_overlayer_lowered;
	s6 =	simm.s32 $_tile_overlayer_lowered  }
0x9b: {  	s22 =	simm.s32 $0x1BFF;
	s21 =	sshll.u32 s6, $0x1;
	s3 =	sadd.s32 s4, s19  }
0x9c: {  	s7 =	simm.s32 $0x0;
	s20 =	sshll.u32 s5, $0x1;
	s5 =	sadd.s32 s21, s3  }
0x9d: {  	[timem:s7], [sflag:s22] =	dma.local [hbm:s5], s20  }
0x9e: {  	_ =	swait.ge [sflag:s22], s20  }
0x9f: {  	s4 =	ssub.s32 $0x0, s20;
	[sflag:s22] =	ssyncset.done $0x0  }
0xa0: {  	[sflag:s22] =	ssyncadd.s32 s4;
	_ =	sdelay $0x1  }
0xa1: {  	s23 =	simm.s32 $0x1B8B  }
0xa2: {  	_ =	swait.ge [sflag:s23], $0x1  }
0xa3: {  	[sflag:s23] =	ssyncset.done $0x0  }
0xa4: {  	s25 =	simm.s32 $0x1B8E;
	s24 =	sld [smem:$0x3FFE];
	[sflag:s23] =	ssyncadd.s32 $0xFFFFFFFF  }
0xa5: {  	s26 =	simm.s32 $execute0_lowered;
	[smem:$0x3FD2] =	sst s25  }
0xa6: {  	s5 =	sshll.u32 s26, $0x1;
	_ =	strace $0x80000046;
	[dreg:$0x1] =	wrdreg $0xFFFFFFFF  }
0xa7: {  	s28 =	simm.s32 $_size_execute0_lowered;
	s3 =	sadd.s32 s3, s5;
	[dreg:$0x0] =	wrdreg $0x0  }
0xa8: {  	s5 =	sshll.u32 s28, $0x1;
	[dreg:$0x2] =	wrdreg s3  }
0xa9: {  	[dreg:$0x3] =	wrdreg s5  }
0xaa: {  	[dreg:$0x4] =	wrdreg $0xC0  }
0xab: {  	_ =	task [dreg:s7], $0x5FFFF  }
0xac: {  	[dreg:$0x1] =	wrdreg $0xFFFFFFFF  }
0xad: {  	[dreg:$0x0] =	wrdreg $0x60  }
0xae: {  	[dreg:$0x2] =	wrdreg s24  }
0xaf: {  	[dreg:$0x3] =	wrdreg s2  }
0xb0: {  	[dreg:$0x4] =	wrdreg $0x9  }
0xb1: {  	_ =	task.clear_ibuf [dreg:s7], $0x5FFFF;
	_ =	strace $0x90000046  }
0xb2: {  	s29 =	simm.s32 $0x9;
	_ =	strace $0x80000048  }
0xb3: {  	_ =	swait.ge [sflag:s29], $0x1  }
0xb4: {  	[sflag:s29] =	ssyncadd.s32 $0xFFFFFFFF  }
0xb5: {  	_ =	strace $0x90000048  }
0xb6: {  	_ =	sfence  }
0xb7: {  	s30 =	sld [smem:$0x0];
	_ =	sdelay $0x2  }
0xb8: {  	s31 =	sshll.u32 s1, $0xD;
	s1 =	sshrl.u32 s1, $0x2  }
0xb9: {  	s3 =	sand.u32 $0x4000, s31;
	s1 =	sadd.s32 s1, s30  }
0xba: {  	s0 =	sor.u32 s3, s0;
	s1 =	sshll.u32 s1, $0x11  }
0xbb: {  	s0 =	sor.u32 s1, s0  }
0xbc: {  	s0 =	sadd.s32 $0x8F2B, s0  }
0xbd: {  	[sflag:s0] =	ssyncadd.remote.s32 $0x1  }
0xbe: {  	_ =	sfence.sel $0xFFFF  }
0xbf: {  	[dreg:$0x0] =	wrdreg $0xFFFFFFFF;
	(pc) =	sbr.abs _section_cstart, $3  }
0xc0: {  	[dreg:$0x1] =	wrdreg $0xFFFFFFFF  }
0xc1: {  	_ =	task.clear_ibuf [dreg:s7], $0x2FFFF;
	_ =	strace $0x9FFFFFFF  }
0xc2: {  	(tm) =	ssettm $0x7FFFFFFF  }
0xc3: {  	_ =	shalt  }
tec
execute0_lowered:
.L_overlay_start_1:
0x0: {  	(tag) =	ssettag $0x1  }
0x1: {  	s3 =	rddreg [dreg:$0x0]  }
0x2: {  	s11 =	rddreg [dreg:$0x1]  }
0x3: {  	s0 =	rddreg [dreg:$0x2]  }
0x4: {  	s4 =	srdreg.scid;
	s1 =	stileid.u32;
	s2 =	simm.s32 $0x0  }
0x5: {  	s17 =	simm.s32 $0x12C0;
	s18 =	simm.s32 $0x1C20;
	s19 =	simm.s32 $0x2580  }
0x6: {  	s20 =	simm.s32 $0x2EE0;
	s21 =	simm.s32 $0x1;
	s22 =	simm.s32 $0x0  }
0x7: {  	s8 =	sand.u32 $0x1, s4;
	s31 =	sshll.u32 s1, $0x1;
	[smem:$0x7FF] =	sst s2  }
0x8: {  	s9 =	sadd.s32 $0x1E00, s3;
	s10 =	sadd.s32 $0x6A00, s3;
	s4 =	sor.u32 s8, s31  }
0x9: {  	s12 =	sadd.s32 $0xB600, s3;
	s3 =	sadd.s32 $0x10200, s3;
	s4 =	smul.u32 $0x12C0, s4  }
0xa: {  	s15 =	smul.u32 $0x2580, s1;
	_ =	strace $0x80000047;
	s5 =	ssub.s32 $0x2, s8  }
0xb: {  	s16 =	smul.u32 $0x12C0, s8;
	s6 =	sshrl.u32 s5, $0x1;
	s13 =	sshrl.u32 s4, $0x3  }
0xc: {  	s14 =	ssub.s32 s5, s6;
	s4 =	sadd.s32 s9, s13;
	s5 =	sadd.s32 s10, s13  }
0xd: {  	s6 =	sadd.s32 s12, s13;
	s7 =	sadd.s32 s11, s13;
	s13 =	sadd.s32 $0x12C, s13  }
0xe: {  	s8 =	sadd.s32 s9, s13;
	s9 =	sadd.s32 s10, s13;
	s10 =	sadd.s32 s12, s13  }
0xf: {  	s11 =	sadd.s32 s11, s13;
	s12 =	smax.u32 s14, $0x1;
	s13 =	sadd.s32 s16, s15  }
0x10: {  	v0 =	vlaneseq.u32;
	s15 =	simm.s32 $0x2;
	s16 =	simm.s32 $0x960;
	s14 =	sadd.s32 $0x960, s13  }
.LBB2_1:
0x11: {  	[tilespmem:s2], [sflag:$0x2] =	stream.linear.gather [hbm4b:s4+s2], $0x960, $0x38;
	[tilespmem:$0x3840] =	vst v63  }
0x12: {  	_ =	swait.ge [sflag:s15], $0x960  }
0x13: {  	[sflag:s15] =	ssyncset.done $0x0  }
0x14: {  	[sflag:s15] =	ssyncadd.s32 $0xFFFFF6A0  }
0x15: {  	[tilespmem:s16], [sflag:$0x2] =	stream.linear.gather [hbm4b:s5+s2], $0x960, $0x38;
	[tilespmem:$0x3840] =	vst v63  }
0x16: {  	_ =	swait.ge [sflag:s15], $0x960  }
0x17: {  	[sflag:s15] =	ssyncset.done $0x0  }
0x18: {  	[sflag:s15] =	ssyncadd.s32 $0xFFFFF6A0  }
0x19: {  	[tilespmem:s17], [sflag:$0x2] =	stream.linear.gather [hbm4b:s6+s2], $0x960, $0x38;
	[tilespmem:$0x3840] =	vst v63  }
0x1a: {  	_ =	swait.ge [sflag:s15], $0x960  }
0x1b: {  	[sflag:s15] =	ssyncset.done $0x0  }
0x1c: {  	[sflag:s15] =	ssyncadd.s32 $0xFFFFF6A0  }
0x1d: {  	[tilespmem:s18], [sflag:$0x2] =	stream.linear.gather [hbm4b:s7+s2], $0x960, $0x38;
	[tilespmem:$0x3840] =	vst v63  }
0x1e: {  	_ =	swait.ge [sflag:s15], $0x960  }
0x1f: {  	[sflag:s15] =	ssyncset.done $0x0  }
0x20: {  	v1 =	vmov s13;
	s23 =	simm.s32 $0x0;
	[sflag:s15] =	ssyncadd.s32 $0xFFFFF6A0  }
0x21: {  	v2 =	vor.u32 s13, v0;
	vm0 =	vlt.u32 v1, $0x249F0;
	v3 =	vld [tilespmem:s23+$0x0]  }
0x22: {  	v1 =	vnsel vm0, $0x0, v2  }
0x23: {  	[tilespmem:s23+$0x2EE0] =	vst v1;
	v1 =	vld [tilespmem:s23+$0x960]  }
0x24: {  	s26 =	sadd.s32 $0x10, s13  }
0x25: {  	v2 =	vmov s26  }
0x26: {  	s24 =	simm.s32 $0x10;
	v4 =	vor.u32 s26, v0;
	vm15 =	vlt.u32 v2, $0x249F0;
	v2 =	vld [tilespmem:s23+$0x12C0];
	v5 =	vmul.u32 $0x29, v3  }
0x27: {  	v4 =	vnsel vm15, $0x0, v4;
	v3 =	vld [tilespmem:s24+$0x0]  }
0x28: {  	[tilespmem:s24+$0x2EE0] =	vst v4;
	v4 =	vld [tilespmem:s24+$0x960];
	v5 =	vadd.s32 v1, v5  }
0x29: {  	s25 =	simm.s32 $0x80;
	s26 =	sadd.s32 $0x10, s26;
	v1 =	vld [tilespmem:s23+$0x1C20];
	v5 =	vmul.u32 $0x190, v5  }
.LBB2_2:
0x2a: {  	v6 =	vmov s26;
	p0 =	sne.s32 s25, $0x2540  }
.Ltmp0:
0x2b: {  	v7 =	vor.u32 s26, v0;
	vm0 =	vlt.u32 v6, $0x249F0;
	v5 =	vadd.s32 v2, v5;
	(pc) =	sbr.rel @p0 .LBB2_2-.Ltmp0, $4  }
0x2c: {  	s28 =	sshra.s32 s25, $0x2;
	s25 =	sadd.s32 $0x40, s25;
	v6 =	vnsel vm0, $0x0, v7;
	v7 =	vmul.u32 $0x29, v3;
	v2 =	vld [tilespmem:s24+$0x12C0];
	v5 =	vmul.u32 $0x160, v5  }
0x2d: {  	v3 =	vld [tilespmem:s28+$0x0];
	[tilespmem:s28+$0x2EE0] =	vst v6  }
0x2e: {  	v6 =	vadd.s32 v4, v7;
	v7 =	vadd.s32 v1, v5;
	v1 =	vld [tilespmem:s24+$0x1C20]  }
0x2f: {  	s26 =	sadd.s32 $0x10, s26;
	v4 =	vld [tilespmem:s28+$0x960];
	v5 =	vmul.u32 $0x190, v6;
	[tilespmem:s23+$0x2580] =	vst v7;
	s23 =	smov.u32 s24;
	s24 =	smov.u32 s28  }
0x30: {  	_ =	sdelay $0x1  }
0x31: {  	v6 =	vld [tilespmem:s24+$0x12C0];
	v3 =	vmul.u32 $0x29, v3;
	_ =	sdelay $0x1  }
0x32: {  	v3 =	vadd.s32 v4, v3  }
0x33: {  	v4 =	vld [tilespmem:s24+$0x1C20];
	v3 =	vmul.u32 $0x190, v3  }
0x34: {  	v2 =	vadd.s32 v2, v5  }
0x35: {  	v2 =	vmul.u32 $0x160, v2;
	v3 =	vadd.s32 v6, v3  }
0x36: {  	v3 =	vmul.u32 $0x160, v3  }
0x37: {  	v1 =	vadd.s32 v1, v2  }
0x38: {  	[tilespmem:s23+$0x2580] =	vst v1;
	v1 =	vadd.s32 v4, v3  }
0x39: {  	[tilespmem:s24+$0x2580] =	vst v1  }
0x3a: {  	[hbm4b:s3+s16] =	stream.indirect.scatter [tilespmem:s20], [sflag:$0x1], $0x1, s19, s16, $0xb8;
	[tilespmem:$0x3840] =	vst v63  }
0x3b: {  	_ =	swait.ge [sflag:s21], $0x960  }
0x3c: {  	[sflag:s21] =	ssyncset.done $0x0  }
0x3d: {  	s31 =	simm.s32 $0x0;
	[sflag:s21] =	ssyncadd.s32 $0xFFFFF6A0  }
0x3e: {  	[tilespmem:s31], [sflag:$0x2] =	stream.linear.gather [hbm4b:s8+s31], $0x960, $0x38;
	[tilespmem:$0x3840] =	vst v63  }
0x3f: {  	_ =	swait.ge [sflag:s15], $0x960  }
0x40: {  	[sflag:s15] =	ssyncset.done $0x0  }
0x41: {  	[sflag:s15] =	ssyncadd.s32 $0xFFFFF6A0  }
0x42: {  	[tilespmem:s16], [sflag:$0x2] =	stream.linear.gather [hbm4b:s9+s31], $0x960, $0x38;
	[tilespmem:$0x3840] =	vst v63  }
0x43: {  	_ =	swait.ge [sflag:s15], $0x960  }
0x44: {  	[sflag:s15] =	ssyncset.done $0x0  }
0x45: {  	[sflag:s15] =	ssyncadd.s32 $0xFFFFF6A0  }
0x46: {  	[tilespmem:s17], [sflag:$0x2] =	stream.linear.gather [hbm4b:s10+s31], $0x960, $0x38;
	[tilespmem:$0x3840] =	vst v63  }
0x47: {  	_ =	swait.ge [sflag:s15], $0x960  }
0x48: {  	[sflag:s15] =	ssyncset.done $0x0  }
0x49: {  	[sflag:s15] =	ssyncadd.s32 $0xFFFFF6A0  }
0x4a: {  	[tilespmem:s18], [sflag:$0x2] =	stream.linear.gather [hbm4b:s11+s31], $0x960, $0x38;
	[tilespmem:$0x3840] =	vst v63  }
0x4b: {  	_ =	swait.ge [sflag:s15], $0x960  }
0x4c: {  	[sflag:s15] =	ssyncset.done $0x0  }
0x4d: {  	s23 =	simm.s32 $0x0;
	v1 =	vmov s14;
	[sflag:s15] =	ssyncadd.s32 $0xFFFFF6A0  }
0x4e: {  	v2 =	vor.u32 s14, v0;
	vm0 =	vlt.u32 v1, $0x249F0;
	v3 =	vld [tilespmem:s23+$0x0]  }
0x4f: {  	v1 =	vnsel vm0, $0x0, v2  }
0x50: {  	[tilespmem:s23+$0x2EE0] =	vst v1;
	v1 =	vld [tilespmem:s23+$0x960]  }
0x51: {  	s26 =	sadd.s32 $0x10, s14  }
0x52: {  	v2 =	vmov s26  }
0x53: {  	v4 =	vor.u32 s26, v0;
	s24 =	simm.s32 $0x10;
	vm15 =	vlt.u32 v2, $0x249F0;
	v2 =	vld [tilespmem:s23+$0x12C0];
	v5 =	vmul.u32 $0x29, v3  }
0x54: {  	v4 =	vnsel vm15, $0x0, v4;
	v3 =	vld [tilespmem:s24+$0x0]  }
0x55: {  	[tilespmem:s24+$0x2EE0] =	vst v4;
	v4 =	vld [tilespmem:s24+$0x960];
	v5 =	vadd.s32 v1, v5  }
0x56: {  	s25 =	simm.s32 $0x80;
	s26 =	sadd.s32 $0x10, s26;
	v1 =	vld [tilespmem:s23+$0x1C20];
	v5 =	vmul.u32 $0x190, v5  }
.LBB2_4:
0x57: {  	v6 =	vmov s26;
	p0 =	sne.s32 s25, $0x2540  }
.Ltmp1:
0x58: {  	v7 =	vor.u32 s26, v0;
	vm0 =	vlt.u32 v6, $0x249F0;
	v5 =	vadd.s32 v2, v5;
	(pc) =	sbr.rel @p0 .LBB2_4-.Ltmp1, $4  }
0x59: {  	s28 =	sshra.s32 s25, $0x2;
	s25 =	sadd.s32 $0x40, s25;
	v6 =	vnsel vm0, $0x0, v7;
	v7 =	vmul.u32 $0x29, v3;
	v2 =	vld [tilespmem:s24+$0x12C0];
	v5 =	vmul.u32 $0x160, v5  }
0x5a: {  	v3 =	vld [tilespmem:s28+$0x0];
	[tilespmem:s28+$0x2EE0] =	vst v6  }
0x5b: {  	v6 =	vadd.s32 v4, v7;
	v7 =	vadd.s32 v1, v5;
	v1 =	vld [tilespmem:s24+$0x1C20]  }
0x5c: {  	s26 =	sadd.s32 $0x10, s26;
	v4 =	vld [tilespmem:s28+$0x960];
	v5 =	vmul.u32 $0x190, v6;
	[tilespmem:s23+$0x2580] =	vst v7;
	s23 =	smov.u32 s24;
	s24 =	smov.u32 s28  }
0x5d: {  	_ =	sdelay $0x1  }
0x5e: {  	v6 =	vld [tilespmem:s24+$0x12C0];
	v3 =	vmul.u32 $0x29, v3;
	_ =	sdelay $0x1  }
0x5f: {  	v3 =	vadd.s32 v4, v3  }
0x60: {  	v63 =	vld [tilespmem:s24+$0x1C20];
	v3 =	vmul.u32 $0x190, v3  }
0x61: {  	v2 =	vadd.s32 v2, v5  }
0x62: {  	v2 =	vmul.u32 $0x160, v2;
	v3 =	vadd.s32 v6, v3  }
0x63: {  	v3 =	vmul.u32 $0x160, v3  }
0x64: {  	s22 =	sadd.s32 $0x1, s22;
	v1 =	vadd.s32 v1, v2  }
0x65: {  	p0 =	sne.s32 s22, s12;
	[tilespmem:s23+$0x2580] =	vst v1;
	v1 =	vadd.s32 v63, v3  }
.Ltmp2:
0x66: {  	[tilespmem:s24+$0x2580] =	vst v1;
	(pc) =	sbr.rel @p0 .LBB2_1-.Ltmp2, $4  }
0x67: {  	[hbm4b:s3+s16] =	stream.indirect.scatter [tilespmem:s20], [sflag:$0x1], $0x1, s19, s16, $0xb8;
	[tilespmem:$0x3840] =	vst v63  }
0x68: {  	_ =	swait.ge [sflag:s21], $0x960  }
0x69: {  	[sflag:s21] =	ssyncset.done $0x0  }
0x6a: {  	[sflag:s21] =	ssyncadd.s32 $0xFFFFF6A0  }
0x6b: {  	_ =	sfence.sel $0x180000  }
0x6c: {  	[bflag:$0x0] =	sbarrier.arrive $0xFFFF  }
0x6d: {  	p0 =	sne.s32 s1, $0x0;
	_ =	strace $0x90000047  }
0x6e: {  	s0 =	sadd.s32 @!p0 $0x100000, s0;
	[bflag:$0x2] =	sbarrier.arrive $0xFFFF  }
0x6f: {  	[sflag:s0] =	ssyncadd.tile.s32 @!p0 $0x1;
	_ =	shalt  }
.Lfunc_end2:
_tile_overlayer_lowered:
.L_overlay_start_2:
0x70: {  	(tag) =	ssettag $0x2  }
0x71: {  	s0 =	rddreg [dreg:$0x0];
	s2 =	stileid.u32  }
0x72: {  	s1 =	rddreg [dreg:$0x1];
	p0 =	sne.s32 s2, $0x0  }
0x73: {  	s3 =	rddreg [dreg:$0x2];
	[bflag:$0x3] =	sbarrier.arrive $0xFFFF;
	s2 =	simm.s32 @!p0 $0x1C02  }
0x74: {  	[timem:s3], [sflag:s2] =	dma.local @!p0 [hbm:s0], s1  }
0x75: {  	s0 =	simm.s32 @!p0 $0x2  }
0x76: {  	_ =	swait.ge @!p0 [sflag:s0], s1  }
0x77: {  	s1 =	ssub.s32 @!p0 $0x0, s1;
	[sflag:s0] =	ssyncset.done @!p0 $0x0  }
0x78: {  	[sflag:s0] =	ssyncadd.s32 @!p0 s1  }
0x79: {  	[bflag:$0x3] =	sbarrier.arrive $0xFFFF  }
0x7a: {  	_ =	shalt  }

// kernel: kernel.9.cloned.1.call-start
scs
__scs_entry_jumppad:
0x0: {  	(pc) =	sbr.rel $0x88, $3  }
0x1: {  	(tag) =	ssettag $0x0;
	lr =	simm.s32 $0x1  }
0x2: {  	[smem:$0x3F9C] =	sst lr;
	_ =	strace $0xD0000000  }
0x3: {  	_ = 	snop  }
0x4: {  	_ = 	snop  }
0x5: {  	_ = 	snop  }
0x6: {  	_ = 	snop  }
0x7: {  	_ = 	snop  }
__scs_overlays_trampoline_lowered:
0x8: {  	[smem:$0x3FAB] =	sst s0  }
0x9: {  	[smem:$0x3FAC] =	sst s1  }
0xa: {  	[smem:$0x3FAD] =	sst s2  }
0xb: {  	[smem:$0x3FAE] =	sst s3  }
0xc: {  	[smem:$0x3FAF] =	sst s4  }
0xd: {  	[smem:$0x3FB0] =	sst s5  }
0xe: {  	[smem:$0x3FB1] =	sst s6  }
0xf: {  	[smem:$0x3FB2] =	sst s7  }
0x10: {  	[smem:$0x3FB3] =	sst s8  }
0x11: {  	[smem:$0x3FB4] =	sst s9;
	s0 =	simm.s32 @!p0 $0x0  }
0x12: {  	s1 =	sld [smem:$0x3F9A];
	s0 =	simm.s32 @p0 $0x1  }
0x13: {  	[smem:$0x3FB5] =	sst s0;
	s0 =	simm.s32 @!p1 $0x0  }
0x14: {  	s2 =	sld [smem:$0x3F99];
	s0 =	simm.s32 @p1 $0x1  }
0x15: {  	[smem:$0x3FB6] =	sst s0;
	s0 =	simm.s32 @!p2 $0x0  }
0x16: {  	s3 =	sld [smem:$0x3FDB];
	s0 =	simm.s32 @p2 $0x1  }
0x17: {  	s4 =	simm.s32 $0x1BF5;
	[smem:$0x3FB8] =	sst s0  }
0x18: {  	s0 =	sld [smem:$0x3F9B];
	_ =	swait.ge [sflag:s4], $0x0  }
0x19: {  	s7 =	sld [smem:$0x3F9C]  }
0x1a: {  	s8 =	sadd.s32 $0xFFFFE003, lr  }
0x1b: {  	s9 =	sadd.s32 $0xFFFFFEF7, lr;
	s5 =	simm.s32 $0xFFFFFFFF;
	p2 =	slt.u32 s8, $0xFFFFF086  }
0x1c: {  	p1 =	slt.u32 s9, $0xF7A;
	s5 =	simm.s32 @!p2 $0x0  }
0x1d: {  	s5 =	simm.s32 @p1 $0x1;
	p0 =	seq.s32 s7, s2  }
0x1e: {  	s7 =	smul.u32 @!p0 $0xF7A, s2;
	p2 =	seq.s32 @!p0 s5, $0x0  }
0x1f: {  	s9 =	smul.u32 $0xF7A, s1;
	s8 =	simm.s32 @!p0 $0x1BF5;
	p2 =	por !p2, p0  }
0x20: {  	[sflag:s8] =	ssyncset.s32 @!p0 $0xFFFFF086;
	s6 =	sadd.s32 @!p0 s3, s7;
	s7 =	simm.s32 @!p0 $0x108  }
0x21: {  	s3 =	sadd.s32 s3, s9;
	s6 =	sadd.s32 @!p0 $0x88, s6;
	s7 =	simm.s32 @p2 $0x1082  }
0x22: {  	[simem:s7], [sflag:s8] =	dma.local @!p0 [hbm:s6], $0xF7A  }
0x23: {  	s9 =	sor.u32 $0xD0000000, s2;
	s6 =	simm.s32 $0x108;
	_ =	swait.ge @!p0 [sflag:s8], $0x0  }
0x24: {  	s3 =	sadd.s32 $0x88, s3;
	s6 =	simm.s32 @!p1 $0x1082;
	[sflag:s4] =	ssyncset.s32 $0xFFFFF086  }
0x25: {  	[simem:s6], [sflag:s4] =	dma.local [hbm:s3], $0xF7A  }
0x26: {  	[smem:$0x3F9C] =	sst s1;
	(tag) =	ssettag s2;
	_ =	strace s9  }
0x27: {  	s1 =	sld [smem:$0x3FAC]  }
0x28: {  	s2 =	sld [smem:$0x3FAD]  }
0x29: {  	s4 =	sld [smem:$0x3FAF]  }
0x2a: {  	p0 =	seq.s32 s5, $0x0;
	s5 =	sld [smem:$0x3FB0]  }
0x2b: {  	s6 =	sld [smem:$0x3FB1]  }
0x2c: {  	s7 =	sld [smem:$0x3FB2]  }
0x2d: {  	s3 =	simm.s32 $0x108;
	s8 =	sld [smem:$0x3FB3]  }
0x2e: {  	s3 =	simm.s32 @!p0 $0x1082;
	s9 =	sld [smem:$0x3FB4]  }
0x2f: {  	lr =	sadd.s32 s0, s3;
	s0 =	sld [smem:$0x3FAB]  }
0x30: {  	s3 =	sld [smem:$0x3FAE]  }
0x31: {  	[smem:$0x3FB7] =	sst s10  }
0x32: {  	s10 =	sld [smem:$0x3FB5];
	_ =	sdelay $0x3  }
0x33: {  	p0 =	seq.s32 s10, $0x1;
	s10 =	sld [smem:$0x3FB7];
	_ =	sdelay $0x3  }
0x34: {  	[smem:$0x3FB7] =	sst s10  }
0x35: {  	s10 =	sld [smem:$0x3FB6];
	_ =	sdelay $0x3  }
0x36: {  	p1 =	seq.s32 s10, $0x1;
	s10 =	sld [smem:$0x3FB7];
	_ =	sdelay $0x3  }
0x37: {  	[smem:$0x3FB7] =	sst s10  }
0x38: {  	s10 =	sld [smem:$0x3FB8]  }
0x39: {  	_ = 	snop;
	(pc) =	sbr.ind lr, $3  }
0x3a: {  	_ = 	snop  }
0x3b: {  	_ = 	snop  }
0x3c: {  	p2 =	seq.s32 s10, $0x1;
	s10 =	sld [smem:$0x3FB7]  }
0x3d: {  	_ =	shalt  }
0x3e: {  	_ =	shalt  }
0x3f: {  	_ =	shalt  }
0x40: {  	_ =	shalt  }
0x41: {  	_ =	shalt  }
0x42: {  	_ =	shalt  }
0x43: {  	_ =	shalt  }
0x44: {  	_ =	shalt  }
0x45: {  	_ =	shalt  }
0x46: {  	_ =	shalt  }
0x47: {  	_ =	shalt  }
0x48: {  	_ =	shalt  }
0x49: {  	_ =	shalt  }
0x4a: {  	_ =	shalt  }
0x4b: {  	_ =	shalt  }
0x4c: {  	_ =	shalt  }
0x4d: {  	_ =	shalt  }
0x4e: {  	_ =	shalt  }
0x4f: {  	_ =	shalt  }
0x50: {  	_ =	shalt  }
0x51: {  	_ =	shalt  }
0x52: {  	_ =	shalt  }
0x53: {  	_ =	shalt  }
0x54: {  	_ =	shalt  }
0x55: {  	_ =	shalt  }
0x56: {  	_ =	shalt  }
0x57: {  	_ =	shalt  }
0x58: {  	_ =	shalt  }
0x59: {  	_ =	shalt  }
0x5a: {  	_ =	shalt  }
0x5b: {  	_ =	shalt  }
0x5c: {  	_ =	shalt  }
0x5d: {  	_ =	shalt  }
0x5e: {  	_ =	shalt  }
0x5f: {  	_ =	shalt  }
0x60: {  	_ =	shalt  }
0x61: {  	_ =	shalt  }
0x62: {  	_ =	shalt  }
0x63: {  	_ =	shalt  }
0x64: {  	_ =	shalt  }
0x65: {  	_ =	shalt  }
0x66: {  	_ =	shalt  }
0x67: {  	_ =	shalt  }
0x68: {  	_ =	shalt  }
0x69: {  	_ =	shalt  }
0x6a: {  	_ =	shalt  }
0x6b: {  	_ =	shalt  }
0x6c: {  	_ =	shalt  }
0x6d: {  	_ =	shalt  }
0x6e: {  	_ =	shalt  }
0x6f: {  	_ =	shalt  }
0x70: {  	_ =	shalt  }
0x71: {  	_ =	shalt  }
0x72: {  	_ =	shalt  }
0x73: {  	_ =	shalt  }
0x74: {  	_ =	shalt  }
0x75: {  	_ =	shalt  }
0x76: {  	_ =	shalt  }
0x77: {  	_ =	shalt  }
0x78: {  	_ =	shalt  }
0x79: {  	_ =	shalt  }
0x7a: {  	_ =	shalt  }
0x7b: {  	_ =	shalt  }
0x7c: {  	_ =	shalt  }
0x7d: {  	_ =	shalt  }
0x7e: {  	_ =	shalt  }
0x7f: {  	_ =	shalt  }
0x80: {  	_ =	shalt  }
0x81: {  	_ =	shalt  }
0x82: {  	_ =	shalt  }
0x83: {  	_ =	shalt  }
0x84: {  	_ =	shalt  }
0x85: {  	_ =	shalt  }
0x86: {  	_ =	shalt  }
0x87: {  	_ =	shalt  }
.Lfunc_end0:
.L_simem_size_0:
called_computation.1_lowered:
.L_overlay_start_0:
0x88: {  	s2 =	sld [smem:$0x3FD9]  }
0x89: {  	s3 =	sld [smem:$0x3FFE];
	_ =	sdelay $0x1  }
0x8a: {  	s1 =	srdreg.scid  }
0x8b: {  	s0 =	sand.u32 $0x1, s1  }
0x8c: {  	s17 =	sshll.u32 s0, $0xA;
	s2 =	sadd.s32 s3, s2  }
0x8d: {  	s2 =	sadd.s32 s2, s17  }
0x8e: {  	[smem:$0x3FC3] =	sst s2  }
0x8f: {  	_ = 	snop  }
0x90: {  	s2 =	sld [smem:$0x3FD0];
	(tm) =	ssettm $0x1  }
0x91: {  	s18 =	sld [smem:$0x3FFB];
	_ =	sdelay $0x3  }
0x92: {  	_ =	strace s18  }
0x93: {  	s3 =	sld [smem:$0x3FFC];
	_ =	sdelay $0x3  }
0x94: {  	_ =	strace s3  }
0x95: {  	s3 =	sld [smem:$0x3FFD];
	_ =	sdelay $0x3  }
0x96: {  	_ =	strace s3  }
0x97: {  	_ =	strace $0x8FFFFFFF  }
0x98: {  	s19 =	sld [smem:$0x3FDB];
	_ =	sdelay $0x1  }
0x99: {  	s4 =	simm.s32 $_scs_section_size  }
0x9a: {  	s5 =	simm.s32 $_size__tile_overlayer_lowered;
	s6 =	simm.s32 $_tile_overlayer_lowered  }
0x9b: {  	s22 =	simm.s32 $0x1BFF;
	s21 =	sshll.u32 s6, $0x1;
	s3 =	sadd.s32 s4, s19  }
0x9c: {  	s7 =	simm.s32 $0x0;
	s20 =	sshll.u32 s5, $0x1;
	s5 =	sadd.s32 s21, s3  }
0x9d: {  	[timem:s7], [sflag:s22] =	dma.local [hbm:s5], s20  }
0x9e: {  	_ =	swait.ge [sflag:s22], s20  }
0x9f: {  	s4 =	ssub.s32 $0x0, s20;
	[sflag:s22] =	ssyncset.done $0x0  }
0xa0: {  	[sflag:s22] =	ssyncadd.s32 s4;
	_ =	sdelay $0x1  }
0xa1: {  	s23 =	simm.s32 $0x1B8B  }
0xa2: {  	_ =	swait.ge [sflag:s23], $0x1  }
0xa3: {  	[sflag:s23] =	ssyncset.done $0x0  }
0xa4: {  	s25 =	simm.s32 $0x1B8E;
	s24 =	sld [smem:$0x3FFE];
	[sflag:s23] =	ssyncadd.s32 $0xFFFFFFFF  }
0xa5: {  	s26 =	simm.s32 $execute0_lowered;
	[smem:$0x3FD2] =	sst s25  }
0xa6: {  	s5 =	sshll.u32 s26, $0x1;
	_ =	strace $0x80000049;
	[dreg:$0x1] =	wrdreg $0xFFFFFFFF  }
0xa7: {  	s28 =	simm.s32 $_size_execute0_lowered;
	s3 =	sadd.s32 s3, s5;
	[dreg:$0x0] =	wrdreg $0x0  }
0xa8: {  	s5 =	sshll.u32 s28, $0x1;
	[dreg:$0x2] =	wrdreg s3  }
0xa9: {  	[dreg:$0x3] =	wrdreg s5  }
0xaa: {  	[dreg:$0x4] =	wrdreg $0xC0  }
0xab: {  	_ =	task [dreg:s7], $0x5FFFF  }
0xac: {  	[dreg:$0x1] =	wrdreg $0xFFFFFFFF  }
0xad: {  	[dreg:$0x0] =	wrdreg $0x60  }
0xae: {  	[dreg:$0x2] =	wrdreg s24  }
0xaf: {  	[dreg:$0x3] =	wrdreg s2  }
0xb0: {  	[dreg:$0x4] =	wrdreg $0xFE800  }
0xb1: {  	[dreg:$0x5] =	wrdreg $0x9  }
0xb2: {  	_ =	task.clear_ibuf [dreg:s7], $0x6FFFF;
	_ =	strace $0x90000049  }
0xb3: {  	s29 =	simm.s32 $0x9;
	_ =	strace $0x8000004B  }
0xb4: {  	_ =	swait.ge [sflag:s29], $0x1  }
0xb5: {  	[sflag:s29] =	ssyncadd.s32 $0xFFFFFFFF  }
0xb6: {  	_ =	strace $0x9000004B  }
0xb7: {  	_ =	sfence  }
0xb8: {  	s30 =	sld [smem:$0x0];
	_ =	sdelay $0x2  }
0xb9: {  	s31 =	sshll.u32 s1, $0xD;
	s1 =	sshrl.u32 s1, $0x2  }
0xba: {  	s3 =	sand.u32 $0x4000, s31;
	s1 =	sadd.s32 s1, s30  }
0xbb: {  	s0 =	sor.u32 s3, s0;
	s1 =	sshll.u32 s1, $0x11  }
0xbc: {  	s0 =	sor.u32 s1, s0  }
0xbd: {  	s0 =	sadd.s32 $0x8F2B, s0  }
0xbe: {  	[sflag:s0] =	ssyncadd.remote.s32 $0x1  }
0xbf: {  	_ =	sfence.sel $0xFFFF  }
0xc0: {  	[dreg:$0x0] =	wrdreg $0xFFFFFFFF;
	(pc) =	sbr.abs _section_cstart, $3  }
0xc1: {  	[dreg:$0x1] =	wrdreg $0xFFFFFFFF  }
0xc2: {  	_ =	task.clear_ibuf [dreg:s7], $0x2FFFF;
	_ =	strace $0x9FFFFFFF  }
0xc3: {  	(tm) =	ssettm $0x7FFFFFFF  }
tec
execute0_lowered:
.L_overlay_start_1:
0x0: {  	(tag) =	ssettag $0x1  }
0x1: {  	s0 =	rddreg [dreg:$0x0]  }
0x2: {  	s13 =	rddreg [dreg:$0x1]  }
0x3: {  	s2 =	rddreg [dreg:$0x2]  }
0x4: {  	s1 =	simm.s32 $0x0;
	s23 =	srdreg.scid;
	s14 =	stileid.u32  }
0x5: {  	[smem:$0x7FF] =	sst s1;
	s4 =	sadd.s32 $0x1E00, s0;
	s6 =	sadd.s32 $0x6A00, s0  }
0x6: {  	s7 =	sadd.s32 $0xB600, s0;
	s8 =	sadd.s32 $0x11CA800, s0;
	s5 =	smul.u32 $0x16060, s14  }
0x7: {  	s1 =	sand.u32 $0x1, s23;
	s9 =	sadd.s32 $0x170800, s0;
	s15 =	smul.u32 $0x2580, s14  }
0x8: {  	s10 =	sadd.s32 $0x10200, s0;
	s24 =	sshll.u32 s14, $0x1;
	_ =	strace $0x8000004A  }
0x9: {  	s3 =	ssub.s32 $0x2, s1;
	s16 =	sadd.s32 $0x960, s15;
	[dreg:$0x4] =	wrdreg s15  }
0xa: {  	s1 =	sor.u32 s1, s24;
	s20 =	sadd.s32 $0x12C0, s15;
	[dreg:$0x7] =	wrdreg s16  }
0xb: {  	s26 =	sshrl.u32 s15, $0x3;
	s24 =	sadd.s32 $0x1C20, s15;
	[dreg:$0xc] =	wrdreg s20  }
0xc: {  	s12 =	sadd.s32 $0x1BB800, s0;
	s14 =	sadd.s32 s4, s26;
	[dreg:$0x11] =	wrdreg s24  }
0xd: {  	s11 =	sshrl.u32 s3, $0x1;
	s17 =	sadd.s32 s6, s26;
	[dreg:$0x6] =	wrdreg s14  }
0xe: {  	s25 =	sshrl.u32 s5, $0x2;
	s18 =	sadd.s32 s7, s26;
	[dreg:$0x8] =	wrdreg s17  }
0xf: {  	s0 =	ssub.s32 s3, s11;
	s5 =	sadd.s32 s13, s26;
	[dreg:$0x9] =	wrdreg s18  }
0x10: {  	s11 =	sadd.s32 s25, s2;
	s3 =	sshrl.u32 s16, $0x3;
	[dreg:$0xa] =	wrdreg s5  }
0x11: {  	s19 =	sadd.s32 s4, s3;
	[dreg:$0x5] =	wrdreg s11  }
0x12: {  	s21 =	sadd.s32 s6, s3;
	[dreg:$0xb] =	wrdreg s19  }
0x13: {  	s22 =	sadd.s32 s7, s3;
	[dreg:$0xd] =	wrdreg s21  }
0x14: {  	s3 =	sadd.s32 s13, s3;
	[dreg:$0xe] =	wrdreg s22  }
0x15: {  	s0 =	smax.u32 s0, $0x1;
	[dreg:$0xf] =	wrdreg s3  }
0x16: {  	s18 =	sadd.s32 $0x960, s11;
	[dreg:$0x19] =	wrdreg s0  }
0x17: {  	s5 =	sshrl.u32 s20, $0x3;
	s20 =	sadd.s32 $0x1C20, s11;
	[dreg:$0x1a] =	wrdreg s18  }
0x18: {  	s23 =	sadd.s32 s4, s5;
	[dreg:$0x1c] =	wrdreg s20  }
0x19: {  	s25 =	sadd.s32 s6, s5;
	[dreg:$0x10] =	wrdreg s23  }
0x1a: {  	s29 =	simm.s32 $0x41A0;
	s26 =	sadd.s32 s7, s5;
	[dreg:$0x12] =	wrdreg s25  }
0x1b: {  	s30 =	simm.s32 $0x2;
	s5 =	sadd.s32 s13, s5;
	[dreg:$0x13] =	wrdreg s26  }
0x1c: {  	s31 =	simm.s32 $0x960;
	s19 =	sadd.s32 $0x12C0, s11;
	[dreg:$0x14] =	wrdreg s5  }
0x1d: {  	s28 =	simm.s32 $0x5E80;
	s21 =	sadd.s32 $0x2580, s11;
	[dreg:$0x1b] =	wrdreg s19  }
0x1e: {  	s14 =	smul.u32 $0x12C0, s1;
	s22 =	sadd.s32 $0x2EE0, s11;
	[dreg:$0x1d] =	wrdreg s21  }
0x1f: {  	s3 =	sshrl.u32 s24, $0x3;
	s24 =	sadd.s32 $0x41A0, s11;
	[dreg:$0x1e] =	wrdreg s22  }
0x20: {  	s1 =	simm.s32 $0x0;
	s15 =	sadd.s32 s4, s3;
	[smem:$0x7FB] =	sst s24  }
0x21: {  	s18 =	simm.s32 $0x1;
	s16 =	sadd.s32 s6, s3;
	[dreg:$0x15] =	wrdreg s15  }
0x22: {  	s17 =	sadd.s32 s7, s3;
	s3 =	sadd.s32 s13, s3;
	[dreg:$0x16] =	wrdreg s16  }
0x23: {  	s23 =	sadd.s32 $0x3840, s11;
	s25 =	sadd.s32 $0x4B00, s11;
	[dreg:$0x17] =	wrdreg s17  }
.Ltmp0:
0x24: {  	s26 =	sadd.s32 $0x5460, s11;
	[dreg:$0x18] =	wrdreg s3;
	(pc) =	sbr.rel .LBB2_1-.Ltmp0, $4  }
0x25: {  	s5 =	simm.s32 $0x2EE0;
	s19 =	simm.s32 $0x3840;
	[dreg:$0x1f] =	wrdreg s23  }
0x26: {  	v0 =	vimm.s32 $0x0;
	s21 =	simm.s32 $0x4B00;
	s22 =	simm.s32 $0x5480;
	[smem:$0x7FC] =	sst s25  }
0x27: {  	v1 =	vimm.s32 $0x1;
	v2 =	vimm.s32 $0xB02C00;
	v3 =	vlaneseq.u32;
	s24 =	simm.s32 $0x5F00;
	s13 =	simm.s32 $0x5F80;
	[smem:$0x7FD] =	sst s26  }
0x28: {  	v5 =	vimm.s32 $0xF;
	v4 =	vor.u32 $0x960, v3;
	v6 =	vmul.u32 $0x10, v3;
	s17 =	simm.s32 $0x6780;
	s23 =	simm.s32 $0x80;
	s26 =	simm.s32 $0x5E00  }
.LBB2_30:
0x29: {  	s1 =	sld [smem:$0x7FA];
	_ =	sdelay $0x2  }
0x2a: {  	s0 =	rddreg [dreg:$0x19];
	s1 =	sadd.s32 $0x1, s1  }
0x2b: {  	p0 =	sne.s32 s1, s0  }
.Ltmp1:
0x2c: {  	_ = 	snop;
	(pc) =	sbr.rel @!p0 .LBB2_31-.Ltmp1, $2  }
0x2d: {  	_ =	sdelay $0x2  }
0x2e: {  	s5 =	simm.s32 $0x2EE0  }
.LBB2_1:
0x2f: {  	[smem:$0x7FA] =	sst s1;
	s1 =	simm.s32 $0x40;
	s3 =	simm.s32 $0x0  }
.LBB2_2:
0x30: {  	p0 =	sne.s32 s1, $0x2540;
	[tilespmem:s3+$0x41A0] =	vst v0;
	s3 =	smov.u32 s1;
	s1 =	sadd.s32 $0x40, s1  }
.Ltmp2:
0x31: {  	(pc) =	sbr.rel @p0 .LBB2_2-.Ltmp2, $2  }
0x32: {  	_ =	sdelay $0x2  }
0x33: {  	s3 =	sshra.s32 s3, $0x2  }
0x34: {  	[tilespmem:s3+$0x41A0] =	vst v0;
	s0 =	rddreg [dreg:$0x5]  }
0x35: {  	[spmem:s0] =	stream.linear.scatter [tilespmem:s29], [sflag:$0x2], $0x960, $0x38;
	[tilespmem:$0x15698] =	vst v63  }
0x36: {  	_ =	swait.ge [sflag:s30], $0x960  }
0x37: {  	[sflag:s30] =	ssyncset.done $0x0  }
0x38: {  	s25 =	rddreg [dreg:$0x1a];
	[sflag:s30] =	ssyncadd.s32 $0xFFFFF6A0  }
0x39: {  	[spmem:s25] =	stream.linear.scatter [tilespmem:s29], [sflag:$0x2], $0x960, $0x38;
	[tilespmem:$0x15698] =	vst v63  }
0x3a: {  	_ =	swait.ge [sflag:s30], $0x960  }
0x3b: {  	[sflag:s30] =	ssyncset.done $0x0  }
0x3c: {  	s1 =	rddreg [dreg:$0x1b];
	[sflag:s30] =	ssyncadd.s32 $0xFFFFF6A0  }
0x3d: {  	[spmem:s1] =	stream.linear.scatter [tilespmem:s29], [sflag:$0x2], $0x960, $0x38;
	[tilespmem:$0x15698] =	vst v63  }
0x3e: {  	_ =	swait.ge [sflag:s30], $0x960  }
0x3f: {  	[sflag:s30] =	ssyncset.done $0x0  }
0x40: {  	s3 =	rddreg [dreg:$0x1c];
	[sflag:s30] =	ssyncadd.s32 $0xFFFFF6A0  }
0x41: {  	[spmem:s3] =	stream.linear.scatter [tilespmem:s29], [sflag:$0x2], $0x960, $0x38;
	[tilespmem:$0x15698] =	vst v63  }
0x42: {  	_ =	swait.ge [sflag:s30], $0x960  }
0x43: {  	[sflag:s30] =	ssyncset.done $0x0  }
0x44: {  	s11 =	rddreg [dreg:$0x1d];
	[sflag:s30] =	ssyncadd.s32 $0xFFFFF6A0  }
0x45: {  	[spmem:s11] =	stream.linear.scatter [tilespmem:s29], [sflag:$0x2], $0x960, $0x38;
	[tilespmem:$0x15698] =	vst v63  }
0x46: {  	_ =	swait.ge [sflag:s30], $0x960  }
0x47: {  	[sflag:s30] =	ssyncset.done $0x0  }
0x48: {  	s15 =	rddreg [dreg:$0x1e];
	[sflag:s30] =	ssyncadd.s32 $0xFFFFF6A0  }
0x49: {  	[spmem:s15] =	stream.linear.scatter [tilespmem:s29], [sflag:$0x2], $0x960, $0x38;
	[tilespmem:$0x15698] =	vst v63  }
0x4a: {  	_ =	swait.ge [sflag:s30], $0x960  }
0x4b: {  	[sflag:s30] =	ssyncset.done $0x0  }
0x4c: {  	s16 =	rddreg [dreg:$0x1f];
	[sflag:s30] =	ssyncadd.s32 $0xFFFFF6A0  }
0x4d: {  	[spmem:s16] =	stream.linear.scatter [tilespmem:s29], [sflag:$0x2], $0x960, $0x38;
	[tilespmem:$0x15698] =	vst v63  }
0x4e: {  	_ =	swait.ge [sflag:s30], $0x960  }
0x4f: {  	s20 =	sld [smem:$0x7FB]  }
0x50: {  	[sflag:s30] =	ssyncset.done $0x0  }
0x51: {  	[sflag:s30] =	ssyncadd.s32 $0xFFFFF6A0  }
0x52: {  	[spmem:s20] =	stream.linear.scatter [tilespmem:s29], [sflag:$0x2], $0x960, $0x38;
	[tilespmem:$0x15698] =	vst v63  }
0x53: {  	_ =	swait.ge [sflag:s30], $0x960  }
0x54: {  	s25 =	sld [smem:$0x7FC]  }
0x55: {  	[sflag:s30] =	ssyncset.done $0x0  }
0x56: {  	[sflag:s30] =	ssyncadd.s32 $0xFFFFF6A0  }
0x57: {  	[spmem:s25] =	stream.linear.scatter [tilespmem:s29], [sflag:$0x2], $0x960, $0x38;
	[tilespmem:$0x15698] =	vst v63  }
0x58: {  	_ =	swait.ge [sflag:s30], $0x960  }
0x59: {  	s1 =	sld [smem:$0x7FD]  }
0x5a: {  	[sflag:s30] =	ssyncset.done $0x0  }
0x5b: {  	[sflag:s30] =	ssyncadd.s32 $0xFFFFF6A0  }
0x5c: {  	[spmem:s1] =	stream.linear.scatter [tilespmem:s29], [sflag:$0x2], $0x3B8, $0x38;
	[tilespmem:$0x15698] =	vst v63  }
0x5d: {  	_ =	swait.ge [sflag:s30], $0x3B8  }
0x5e: {  	[sflag:s30] =	ssyncset.done $0x0  }
0x5f: {  	[sflag:s30] =	ssyncadd.s32 $0xFFFFFC48  }
0x60: {  	[bflag:$0x0] =	sbarrier.arrive $0xFFFF  }
0x61: {  	s1 =	simm.s32 $0x0;
	s3 =	rddreg [dreg:$0x6]  }
0x62: {  	[tilespmem:s1], [sflag:$0x2] =	stream.linear.gather [hbm4b:s3+s1], $0x960, $0x38;
	[tilespmem:$0x15698] =	vst v63  }
0x63: {  	_ =	swait.ge [sflag:s30], $0x960  }
0x64: {  	[sflag:s30] =	ssyncset.done $0x0  }
0x65: {  	s11 =	rddreg [dreg:$0x8];
	[sflag:s30] =	ssyncadd.s32 $0xFFFFF6A0  }
0x66: {  	[tilespmem:s31], [sflag:$0x2] =	stream.linear.gather [hbm4b:s11+s1], $0x960, $0x38;
	[tilespmem:$0x15698] =	vst v63  }
0x67: {  	_ =	swait.ge [sflag:s30], $0x960  }
0x68: {  	[sflag:s30] =	ssyncset.done $0x0  }
0x69: {  	s16 =	simm.s32 $0x12C0;
	s15 =	rddreg [dreg:$0x9];
	[sflag:s30] =	ssyncadd.s32 $0xFFFFF6A0  }
0x6a: {  	[tilespmem:s16], [sflag:$0x2] =	stream.linear.gather [hbm4b:s15+s1], $0x960, $0x38;
	[tilespmem:$0x15698] =	vst v63  }
0x6b: {  	_ =	swait.ge [sflag:s30], $0x960  }
0x6c: {  	[sflag:s30] =	ssyncset.done $0x0  }
0x6d: {  	s25 =	simm.s32 $0x1C20;
	s20 =	rddreg [dreg:$0xa];
	[sflag:s30] =	ssyncadd.s32 $0xFFFFF6A0  }
0x6e: {  	[tilespmem:s25], [sflag:$0x2] =	stream.linear.gather [hbm4b:s20+s1], $0x960, $0x38;
	[tilespmem:$0x15698] =	vst v63  }
0x6f: {  	_ =	swait.ge [sflag:s30], $0x960  }
0x70: {  	[sflag:s30] =	ssyncset.done $0x0  }
0x71: {  	s15 =	simm.s32 $0x0;
	[sflag:s30] =	ssyncadd.s32 $0xFFFFF6A0  }
0x72: {  	v7 =	vld [tilespmem:s15+$0x0];
	_ =	sdelay $0x1  }
0x73: {  	v8 =	vld [tilespmem:s15+$0x960];
	_ =	sdelay $0x2  }
0x74: {  	s11 =	simm.s32 $0x10;
	v9 =	vld [tilespmem:s15+$0x12C0];
	v7 =	vmul.u32 $0x29, v7  }
0x75: {  	v10 =	vld [tilespmem:s11+$0x0]  }
0x76: {  	v11 =	vld [tilespmem:s15+$0x1C20];
	v7 =	vadd.s32 v8, v7  }
0x77: {  	v12 =	vld [tilespmem:s11+$0x960];
	v7 =	vmul.u32 $0x190, v7;
	_ =	sdelay $0x1  }
0x78: {  	v7 =	vadd.s32 v9, v7  }
0x79: {  	s3 =	simm.s32 $0x20;
	v9 =	vmul.u32 $0x29, v10;
	v10 =	vld [tilespmem:s11+$0x12C0];
	v7 =	vmul.u32 $0x160, v7  }
0x7a: {  	v8 =	vld [tilespmem:s3+$0x0]  }
0x7b: {  	s1 =	rddreg [dreg:$0x4];
	v9 =	vadd.s32 v12, v9;
	v63 =	vadd.s32 v11, v7;
	v7 =	vld [tilespmem:s11+$0x1C20]  }
0x7c: {  	p0 =	slt.u32 s1, $0x249F0;
	v11 =	vand.u32 $0x1F, v11;
	v13 =	vmul.u32 $0x190, v9;
	v9 =	vld [tilespmem:s3+$0x960];
	v12 =	vshra.s32 v63, $0x5  }
0x7d: {  	v11 =	vshll.u32 v1, v11;
	v12 =	vpsel !p0, $0x58160, v12  }
0x7e: {  	s16 =	simm.s32 $0xC0;
	v11 =	vpsel !p0, $0x0, v11;
	v10 =	vadd.s32 v10, v13;
	[tilespmem:s15+$0x2EE0] =	vst v12  }
.LBB2_4:
0x7f: {  	s20 =	sshra.s32 s16, $0x2;
	p0 =	sne.s32 s16, $0x2540;
	s16 =	sadd.s32 $0x40, s16;
	v12 =	vmul.u32 $0x29, v8;
	v13 =	vld [tilespmem:s3+$0x12C0];
	v10 =	vmul.u32 $0x160, v10;
	[tilespmem:s15+$0x41A0] =	vst v11  }
.Ltmp3:
0x80: {  	s15 =	smov.u32 s11;
	s11 =	smov.u32 s3;
	v8 =	vld [tilespmem:s20+$0x0];
	v11 =	vand.u32 $0x1F, v7;
	(pc) =	sbr.rel @p0 .LBB2_4-.Ltmp3, $4  }
0x81: {  	s1 =	sadd.s32 $0x10, s1;
	s3 =	smov.u32 s20;
	v12 =	vadd.s32 v9, v12;
	v10 =	vadd.s32 v7, v10;
	v7 =	vld [tilespmem:s11+$0x1C20];
	v11 =	vshll.u32 v1, v11  }
0x82: {  	p1 =	slt.u32 s1, $0x249F0;
	v9 =	vld [tilespmem:s3+$0x960];
	v12 =	vmul.u32 $0x190, v12;
	v10 =	vshra.s32 v10, $0x5  }
0x83: {  	v11 =	vpsel !p1, $0x0, v11;
	v14 =	vpsel !p1, $0x58160, v10  }
0x84: {  	v10 =	vadd.s32 v13, v12;
	[tilespmem:s15+$0x2EE0] =	vst v14  }
0x85: {  	v8 =	vmul.u32 $0x29, v8;
	v12 =	vld [tilespmem:s3+$0x12C0];
	_ =	sdelay $0x1  }
0x86: {  	[tilespmem:s15+$0x41A0] =	vst v11;
	v8 =	vadd.s32 v9, v8  }
0x87: {  	v9 =	vld [tilespmem:s3+$0x1C20];
	v8 =	vmul.u32 $0x190, v8  }
0x88: {  	v10 =	vmul.u32 $0x160, v10  }
0x89: {  	v8 =	vadd.s32 v12, v8  }
0x8a: {  	s1 =	sadd.s32 $0x10, s1;
	v10 =	vadd.s32 v7, v10;
	v8 =	vmul.u32 $0x160, v8  }
0x8b: {  	p0 =	slt.u32 s1, $0x249F0;
	v7 =	vand.u32 $0x1F, v7;
	v10 =	vshra.s32 v10, $0x5  }
0x8c: {  	s1 =	sadd.s32 $0x10, s1;
	v7 =	vshll.u32 v1, v7;
	v10 =	vpsel !p0, $0x58160, v10;
	v8 =	vadd.s32 v9, v8  }
0x8d: {  	p5 =	slt.u32 s1, $0x249F0;
	v7 =	vpsel !p0, $0x0, v7;
	[tilespmem:s11+$0x2EE0] =	vst v10;
	v9 =	vand.u32 $0x1F, v9;
	v8 =	vshra.s32 v8, $0x5  }
0x8e: {  	[tilespmem:s11+$0x41A0] =	vst v7;
	v7 =	vshll.u32 v1, v9;
	v8 =	vpsel !p5, $0x58160, v8  }
0x8f: {  	v7 =	vpsel !p5, $0x0, v7;
	[tilespmem:s3+$0x2EE0] =	vst v8  }
0x90: {  	[tilespmem:s3+$0x41A0] =	vst v7  }
0x91: {  	[spmem:s2] =	stream.indirect.scatter.add.s32 [tilespmem:s29], [sflag:$0x2], $0x1, s5, s31, $0xb8;
	[tilespmem:$0x15698] =	vst v63  }
0x92: {  	_ =	swait.ge [sflag:s30], $0x960  }
0x93: {  	[sflag:s30] =	ssyncset.done $0x0  }
0x94: {  	s1 =	simm.s32 $0x0;
	s0 =	rddreg [dreg:$0xb];
	[sflag:s30] =	ssyncadd.s32 $0xFFFFF6A0  }
0x95: {  	[tilespmem:s1], [sflag:$0x2] =	stream.linear.gather [hbm4b:s0+s1], $0x960, $0x38;
	[tilespmem:$0x15698] =	vst v63  }
0x96: {  	_ =	swait.ge [sflag:s30], $0x960  }
0x97: {  	[sflag:s30] =	ssyncset.done $0x0  }
0x98: {  	s11 =	rddreg [dreg:$0xd];
	[sflag:s30] =	ssyncadd.s32 $0xFFFFF6A0  }
0x99: {  	[tilespmem:s31], [sflag:$0x2] =	stream.linear.gather [hbm4b:s11+s1], $0x960, $0x38;
	[tilespmem:$0x15698] =	vst v63  }
0x9a: {  	_ =	swait.ge [sflag:s30], $0x960  }
0x9b: {  	[sflag:s30] =	ssyncset.done $0x0  }
0x9c: {  	s16 =	simm.s32 $0x12C0;
	s15 =	rddreg [dreg:$0xe];
	[sflag:s30] =	ssyncadd.s32 $0xFFFFF6A0  }
0x9d: {  	[tilespmem:s16], [sflag:$0x2] =	stream.linear.gather [hbm4b:s15+s1], $0x960, $0x38;
	[tilespmem:$0x15698] =	vst v63  }
0x9e: {  	_ =	swait.ge [sflag:s30], $0x960  }
0x9f: {  	[sflag:s30] =	ssyncset.done $0x0  }
0xa0: {  	s25 =	simm.s32 $0x1C20;
	s20 =	rddreg [dreg:$0xf];
	[sflag:s30] =	ssyncadd.s32 $0xFFFFF6A0  }
0xa1: {  	[tilespmem:s25], [sflag:$0x2] =	stream.linear.gather [hbm4b:s20+s1], $0x960, $0x38;
	[tilespmem:$0x15698] =	vst v63  }
0xa2: {  	_ =	swait.ge [sflag:s30], $0x960  }
0xa3: {  	[sflag:s30] =	ssyncset.done $0x0  }
0xa4: {  	s15 =	simm.s32 $0x0;
	[sflag:s30] =	ssyncadd.s32 $0xFFFFF6A0  }
0xa5: {  	v7 =	vld [tilespmem:s15+$0x0];
	_ =	sdelay $0x1  }
0xa6: {  	v8 =	vld [tilespmem:s15+$0x960];
	_ =	sdelay $0x2  }
0xa7: {  	s11 =	simm.s32 $0x10;
	v9 =	vld [tilespmem:s15+$0x12C0];
	v7 =	vmul.u32 $0x29, v7  }
0xa8: {  	v10 =	vld [tilespmem:s11+$0x0]  }
0xa9: {  	v11 =	vld [tilespmem:s15+$0x1C20];
	v7 =	vadd.s32 v8, v7  }
0xaa: {  	v62 =	vld [tilespmem:s11+$0x960];
	v7 =	vmul.u32 $0x190, v7;
	_ =	sdelay $0x1  }
0xab: {  	v7 =	vadd.s32 v9, v7  }
0xac: {  	s3 =	simm.s32 $0x20;
	v9 =	vmul.u32 $0x29, v10;
	v10 =	vld [tilespmem:s11+$0x12C0];
	v7 =	vmul.u32 $0x160, v7  }
0xad: {  	v8 =	vld [tilespmem:s3+$0x0]  }
0xae: {  	s1 =	rddreg [dreg:$0x7];
	v9 =	vadd.s32 v62, v9;
	v63 =	vadd.s32 v11, v7;
	v7 =	vld [tilespmem:s11+$0x1C20]  }
0xaf: {  	p6 =	slt.u32 s1, $0x249F0;
	v11 =	vand.u32 $0x1F, v11;
	v13 =	vmul.u32 $0x190, v9;
	v9 =	vld [tilespmem:s3+$0x960];
	v12 =	vshra.s32 v63, $0x5  }
0xb0: {  	v11 =	vshll.u32 v1, v11;
	v12 =	vpsel !p6, $0x58160, v12  }
0xb1: {  	s16 =	simm.s32 $0xC0;
	v11 =	vpsel !p6, $0x0, v11;
	v10 =	vadd.s32 v10, v13;
	[tilespmem:s15+$0x2EE0] =	vst v12  }
.LBB2_6:
0xb2: {  	s20 =	sshra.s32 s16, $0x2;
	p0 =	sne.s32 s16, $0x2540;
	s16 =	sadd.s32 $0x40, s16;
	v12 =	vmul.u32 $0x29, v8;
	v13 =	vld [tilespmem:s3+$0x12C0];
	v10 =	vmul.u32 $0x160, v10;
	[tilespmem:s15+$0x41A0] =	vst v11  }
.Ltmp4:
0xb3: {  	s15 =	smov.u32 s11;
	s11 =	smov.u32 s3;
	v8 =	vld [tilespmem:s20+$0x0];
	v11 =	vand.u32 $0x1F, v7;
	(pc) =	sbr.rel @p0 .LBB2_6-.Ltmp4, $4  }
0xb4: {  	s1 =	sadd.s32 $0x10, s1;
	s3 =	smov.u32 s20;
	v12 =	vadd.s32 v9, v12;
	v10 =	vadd.s32 v7, v10;
	v7 =	vld [tilespmem:s11+$0x1C20];
	v11 =	vshll.u32 v1, v11  }
0xb5: {  	p1 =	slt.u32 s1, $0x249F0;
	v9 =	vld [tilespmem:s3+$0x960];
	v12 =	vmul.u32 $0x190, v12;
	v10 =	vshra.s32 v10, $0x5  }
0xb6: {  	v11 =	vpsel !p1, $0x0, v11;
	v14 =	vpsel !p1, $0x58160, v10  }
0xb7: {  	v10 =	vadd.s32 v13, v12;
	[tilespmem:s15+$0x2EE0] =	vst v14  }
0xb8: {  	v8 =	vmul.u32 $0x29, v8;
	v12 =	vld [tilespmem:s3+$0x12C0];
	_ =	sdelay $0x1  }
0xb9: {  	[tilespmem:s15+$0x41A0] =	vst v11;
	v8 =	vadd.s32 v9, v8  }
0xba: {  	v9 =	vld [tilespmem:s3+$0x1C20];
	v8 =	vmul.u32 $0x190, v8  }
0xbb: {  	v10 =	vmul.u32 $0x160, v10  }
0xbc: {  	v8 =	vadd.s32 v12, v8  }
0xbd: {  	s1 =	sadd.s32 $0x10, s1;
	v10 =	vadd.s32 v7, v10;
	v8 =	vmul.u32 $0x160, v8  }
0xbe: {  	p0 =	slt.u32 s1, $0x249F0;
	v7 =	vand.u32 $0x1F, v7;
	v10 =	vshra.s32 v10, $0x5  }
0xbf: {  	s1 =	sadd.s32 $0x10, s1;
	v7 =	vshll.u32 v1, v7;
	v10 =	vpsel !p0, $0x58160, v10;
	v8 =	vadd.s32 v9, v8  }
0xc0: {  	p5 =	slt.u32 s1, $0x249F0;
	v7 =	vpsel !p0, $0x0, v7;
	[tilespmem:s11+$0x2EE0] =	vst v10;
	v9 =	vand.u32 $0x1F, v9;
	v8 =	vshra.s32 v8, $0x5  }
0xc1: {  	[tilespmem:s11+$0x41A0] =	vst v7;
	v7 =	vshll.u32 v1, v9;
	v8 =	vpsel !p5, $0x58160, v8  }
0xc2: {  	v7 =	vpsel !p5, $0x0, v7;
	[tilespmem:s3+$0x2EE0] =	vst v8  }
0xc3: {  	[tilespmem:s3+$0x41A0] =	vst v7  }
0xc4: {  	[spmem:s2] =	stream.indirect.scatter.add.s32 [tilespmem:s29], [sflag:$0x2], $0x1, s5, s31, $0xb8;
	[tilespmem:$0x15698] =	vst v63  }
0xc5: {  	_ =	swait.ge [sflag:s30], $0x960  }
0xc6: {  	[sflag:s30] =	ssyncset.done $0x0  }
0xc7: {  	s1 =	simm.s32 $0x0;
	s0 =	rddreg [dreg:$0x10];
	[sflag:s30] =	ssyncadd.s32 $0xFFFFF6A0  }
0xc8: {  	[tilespmem:s1], [sflag:$0x2] =	stream.linear.gather [hbm4b:s0+s1], $0x960, $0x38;
	[tilespmem:$0x15698] =	vst v63  }
0xc9: {  	_ =	swait.ge [sflag:s30], $0x960  }
0xca: {  	[sflag:s30] =	ssyncset.done $0x0  }
0xcb: {  	s11 =	rddreg [dreg:$0x12];
	[sflag:s30] =	ssyncadd.s32 $0xFFFFF6A0  }
0xcc: {  	[tilespmem:s31], [sflag:$0x2] =	stream.linear.gather [hbm4b:s11+s1], $0x960, $0x38;
	[tilespmem:$0x15698] =	vst v63  }
0xcd: {  	_ =	swait.ge [sflag:s30], $0x960  }
0xce: {  	[sflag:s30] =	ssyncset.done $0x0  }
0xcf: {  	s16 =	simm.s32 $0x12C0;
	s15 =	rddreg [dreg:$0x13];
	[sflag:s30] =	ssyncadd.s32 $0xFFFFF6A0  }
0xd0: {  	[tilespmem:s16], [sflag:$0x2] =	stream.linear.gather [hbm4b:s15+s1], $0x960, $0x38;
	[tilespmem:$0x15698] =	vst v63  }
0xd1: {  	_ =	swait.ge [sflag:s30], $0x960  }
0xd2: {  	[sflag:s30] =	ssyncset.done $0x0  }
0xd3: {  	s25 =	simm.s32 $0x1C20;
	s20 =	rddreg [dreg:$0x14];
	[sflag:s30] =	ssyncadd.s32 $0xFFFFF6A0  }
0xd4: {  	[tilespmem:s25], [sflag:$0x2] =	stream.linear.gather [hbm4b:s20+s1], $0x960, $0x38;
	[tilespmem:$0x15698] =	vst v63  }
0xd5: {  	_ =	swait.ge [sflag:s30], $0x960  }
0xd6: {  	[sflag:s30] =	ssyncset.done $0x0  }
0xd7: {  	s15 =	simm.s32 $0x0;
	[sflag:s30] =	ssyncadd.s32 $0xFFFFF6A0  }
0xd8: {  	v7 =	vld [tilespmem:s15+$0x0];
	_ =	sdelay $0x1  }
0xd9: {  	v8 =	vld [tilespmem:s15+$0x960];
	_ =	sdelay $0x2  }
0xda: {  	s11 =	simm.s32 $0x10;
	v9 =	vld [tilespmem:s15+$0x12C0];
	v7 =	vmul.u32 $0x29, v7  }
0xdb: {  	v10 =	vld [tilespmem:s11+$0x0]  }
0xdc: {  	v11 =	vld [tilespmem:s15+$0x1C20];
	v7 =	vadd.s32 v8, v7  }
0xdd: {  	v62 =	vld [tilespmem:s11+$0x960];
	v7 =	vmul.u32 $0x190, v7;
	_ =	sdelay $0x1  }
0xde: {  	v7 =	vadd.s32 v9, v7  }
0xdf: {  	s3 =	simm.s32 $0x20;
	v9 =	vmul.u32 $0x29, v10;
	v10 =	vld [tilespmem:s11+$0x12C0];
	v7 =	vmul.u32 $0x160, v7  }
0xe0: {  	v8 =	vld [tilespmem:s3+$0x0]  }
0xe1: {  	s1 =	rddreg [dreg:$0xc];
	v9 =	vadd.s32 v62, v9;
	v63 =	vadd.s32 v11, v7;
	v7 =	vld [tilespmem:s11+$0x1C20]  }
0xe2: {  	p6 =	slt.u32 s1, $0x249F0;
	v11 =	vand.u32 $0x1F, v11;
	v13 =	vmul.u32 $0x190, v9;
	v9 =	vld [tilespmem:s3+$0x960];
	v12 =	vshra.s32 v63, $0x5  }
0xe3: {  	v11 =	vshll.u32 v1, v11;
	v12 =	vpsel !p6, $0x58160, v12  }
0xe4: {  	s16 =	simm.s32 $0xC0;
	v11 =	vpsel !p6, $0x0, v11;
	v10 =	vadd.s32 v10, v13;
	[tilespmem:s15+$0x2EE0] =	vst v12  }
.LBB2_8:
0xe5: {  	s20 =	sshra.s32 s16, $0x2;
	p0 =	sne.s32 s16, $0x2540;
	s16 =	sadd.s32 $0x40, s16;
	v12 =	vmul.u32 $0x29, v8;
	v13 =	vld [tilespmem:s3+$0x12C0];
	v10 =	vmul.u32 $0x160, v10;
	[tilespmem:s15+$0x41A0] =	vst v11  }
.Ltmp5:
0xe6: {  	s15 =	smov.u32 s11;
	s11 =	smov.u32 s3;
	v8 =	vld [tilespmem:s20+$0x0];
	v11 =	vand.u32 $0x1F, v7;
	(pc) =	sbr.rel @p0 .LBB2_8-.Ltmp5, $4  }
0xe7: {  	s1 =	sadd.s32 $0x10, s1;
	s3 =	smov.u32 s20;
	v12 =	vadd.s32 v9, v12;
	v10 =	vadd.s32 v7, v10;
	v7 =	vld [tilespmem:s11+$0x1C20];
	v11 =	vshll.u32 v1, v11  }
0xe8: {  	p1 =	slt.u32 s1, $0x249F0;
	v9 =	vld [tilespmem:s3+$0x960];
	v12 =	vmul.u32 $0x190, v12;
	v10 =	vshra.s32 v10, $0x5  }
0xe9: {  	v11 =	vpsel !p1, $0x0, v11;
	v14 =	vpsel !p1, $0x58160, v10  }
0xea: {  	v10 =	vadd.s32 v13, v12;
	[tilespmem:s15+$0x2EE0] =	vst v14  }
0xeb: {  	v8 =	vmul.u32 $0x29, v8;
	v12 =	vld [tilespmem:s3+$0x12C0];
	_ =	sdelay $0x1  }
0xec: {  	[tilespmem:s15+$0x41A0] =	vst v11;
	v8 =	vadd.s32 v9, v8  }
0xed: {  	v9 =	vld [tilespmem:s3+$0x1C20];
	v8 =	vmul.u32 $0x190, v8  }
0xee: {  	v10 =	vmul.u32 $0x160, v10  }
0xef: {  	v8 =	vadd.s32 v12, v8  }
0xf0: {  	s1 =	sadd.s32 $0x10, s1;
	v10 =	vadd.s32 v7, v10;
	v8 =	vmul.u32 $0x160, v8  }
0xf1: {  	p0 =	slt.u32 s1, $0x249F0;
	v7 =	vand.u32 $0x1F, v7;
	v10 =	vshra.s32 v10, $0x5  }
0xf2: {  	s1 =	sadd.s32 $0x10, s1;
	v7 =	vshll.u32 v1, v7;
	v10 =	vpsel !p0, $0x58160, v10;
	v8 =	vadd.s32 v9, v8  }
0xf3: {  	p5 =	slt.u32 s1, $0x249F0;
	v7 =	vpsel !p0, $0x0, v7;
	[tilespmem:s11+$0x2EE0] =	vst v10;
	v9 =	vand.u32 $0x1F, v9;
	v8 =	vshra.s32 v8, $0x5  }
0xf4: {  	[tilespmem:s11+$0x41A0] =	vst v7;
	v7 =	vshll.u32 v1, v9;
	v8 =	vpsel !p5, $0x58160, v8  }
0xf5: {  	v7 =	vpsel !p5, $0x0, v7;
	[tilespmem:s3+$0x2EE0] =	vst v8  }
0xf6: {  	[tilespmem:s3+$0x41A0] =	vst v7  }
0xf7: {  	[spmem:s2] =	stream.indirect.scatter.add.s32 [tilespmem:s29], [sflag:$0x2], $0x1, s5, s31, $0xb8;
	[tilespmem:$0x15698] =	vst v63  }
0xf8: {  	_ =	swait.ge [sflag:s30], $0x960  }
0xf9: {  	[sflag:s30] =	ssyncset.done $0x0  }
0xfa: {  	s1 =	simm.s32 $0x0;
	s0 =	rddreg [dreg:$0x15];
	[sflag:s30] =	ssyncadd.s32 $0xFFFFF6A0  }
0xfb: {  	[tilespmem:s1], [sflag:$0x2] =	stream.linear.gather [hbm4b:s0+s1], $0x960, $0x38;
	[tilespmem:$0x15698] =	vst v63  }
0xfc: {  	_ =	swait.ge [sflag:s30], $0x960  }
0xfd: {  	[sflag:s30] =	ssyncset.done $0x0  }
0xfe: {  	s11 =	rddreg [dreg:$0x16];
	[sflag:s30] =	ssyncadd.s32 $0xFFFFF6A0  }
0xff: {  	[tilespmem:s31], [sflag:$0x2] =	stream.linear.gather [hbm4b:s11+s1], $0x960, $0x38;
	[tilespmem:$0x15698] =	vst v63  }
0x100: {  	_ =	swait.ge [sflag:s30], $0x960  }
0x101: {  	[sflag:s30] =	ssyncset.done $0x0  }
0x102: {  	s16 =	simm.s32 $0x12C0;
	s15 =	rddreg [dreg:$0x17];
	[sflag:s30] =	ssyncadd.s32 $0xFFFFF6A0  }
0x103: {  	[tilespmem:s16], [sflag:$0x2] =	stream.linear.gather [hbm4b:s15+s1], $0x960, $0x38;
	[tilespmem:$0x15698] =	vst v63  }
0x104: {  	_ =	swait.ge [sflag:s30], $0x960  }
0x105: {  	[sflag:s30] =	ssyncset.done $0x0  }
0x106: {  	s25 =	simm.s32 $0x1C20;
	s20 =	rddreg [dreg:$0x18];
	[sflag:s30] =	ssyncadd.s32 $0xFFFFF6A0  }
0x107: {  	[tilespmem:s25], [sflag:$0x2] =	stream.linear.gather [hbm4b:s20+s1], $0x960, $0x38;
	[tilespmem:$0x15698] =	vst v63  }
0x108: {  	_ =	swait.ge [sflag:s30], $0x960  }
0x109: {  	[sflag:s30] =	ssyncset.done $0x0  }
0x10a: {  	s15 =	simm.s32 $0x0;
	[sflag:s30] =	ssyncadd.s32 $0xFFFFF6A0  }
0x10b: {  	v7 =	vld [tilespmem:s15+$0x0];
	_ =	sdelay $0x1  }
0x10c: {  	v8 =	vld [tilespmem:s15+$0x960];
	_ =	sdelay $0x2  }
0x10d: {  	s11 =	simm.s32 $0x10;
	v9 =	vld [tilespmem:s15+$0x12C0];
	v7 =	vmul.u32 $0x29, v7  }
0x10e: {  	v10 =	vld [tilespmem:s11+$0x0]  }
0x10f: {  	v11 =	vld [tilespmem:s15+$0x1C20];
	v7 =	vadd.s32 v8, v7  }
0x110: {  	v62 =	vld [tilespmem:s11+$0x960];
	v7 =	vmul.u32 $0x190, v7;
	_ =	sdelay $0x1  }
0x111: {  	v7 =	vadd.s32 v9, v7  }
0x112: {  	s3 =	simm.s32 $0x20;
	v9 =	vmul.u32 $0x29, v10;
	v10 =	vld [tilespmem:s11+$0x12C0];
	v7 =	vmul.u32 $0x160, v7  }
0x113: {  	v8 =	vld [tilespmem:s3+$0x0]  }
0x114: {  	s1 =	rddreg [dreg:$0x11];
	v9 =	vadd.s32 v62, v9;
	v63 =	vadd.s32 v11, v7;
	v7 =	vld [tilespmem:s11+$0x1C20]  }
0x115: {  	p6 =	slt.u32 s1, $0x249F0;
	v11 =	vand.u32 $0x1F, v11;
	v13 =	vmul.u32 $0x190, v9;
	v9 =	vld [tilespmem:s3+$0x960];
	v12 =	vshra.s32 v63, $0x5  }
0x116: {  	v11 =	vshll.u32 v1, v11;
	v12 =	vpsel !p6, $0x58160, v12  }
0x117: {  	s16 =	simm.s32 $0xC0;
	v11 =	vpsel !p6, $0x0, v11;
	v10 =	vadd.s32 v10, v13;
	[tilespmem:s15+$0x2EE0] =	vst v12  }
.LBB2_10:
0x118: {  	s20 =	sshra.s32 s16, $0x2;
	p0 =	sne.s32 s16, $0x2540;
	s16 =	sadd.s32 $0x40, s16;
	v12 =	vmul.u32 $0x29, v8;
	v13 =	vld [tilespmem:s3+$0x12C0];
	v10 =	vmul.u32 $0x160, v10;
	[tilespmem:s15+$0x41A0] =	vst v11  }
.Ltmp6:
0x119: {  	s15 =	smov.u32 s11;
	s11 =	smov.u32 s3;
	v8 =	vld [tilespmem:s20+$0x0];
	v11 =	vand.u32 $0x1F, v7;
	(pc) =	sbr.rel @p0 .LBB2_10-.Ltmp6, $4  }
0x11a: {  	s1 =	sadd.s32 $0x10, s1;
	s3 =	smov.u32 s20;
	v12 =	vadd.s32 v9, v12;
	v10 =	vadd.s32 v7, v10;
	v7 =	vld [tilespmem:s11+$0x1C20];
	v11 =	vshll.u32 v1, v11  }
0x11b: {  	p1 =	slt.u32 s1, $0x249F0;
	v9 =	vld [tilespmem:s3+$0x960];
	v12 =	vmul.u32 $0x190, v12;
	v10 =	vshra.s32 v10, $0x5  }
0x11c: {  	v11 =	vpsel !p1, $0x0, v11;
	v14 =	vpsel !p1, $0x58160, v10  }
0x11d: {  	v10 =	vadd.s32 v13, v12;
	[tilespmem:s15+$0x2EE0] =	vst v14  }
0x11e: {  	v8 =	vmul.u32 $0x29, v8;
	v12 =	vld [tilespmem:s3+$0x12C0]  }
0x11f: {  	[tilespmem:s15+$0x41A0] =	vst v11  }
0x120: {  	v63 =	vld [tilespmem:s3+$0x1C20];
	v8 =	vadd.s32 v9, v8  }
0x121: {  	v10 =	vmul.u32 $0x160, v10;
	v8 =	vmul.u32 $0x190, v8;
	_ =	sdelay $0x1  }
0x122: {  	s1 =	sadd.s32 $0x10, s1;
	v10 =	vadd.s32 v7, v10;
	v7 =	vand.u32 $0x1F, v7;
	v8 =	vadd.s32 v12, v8  }
0x123: {  	p0 =	slt.u32 s1, $0x249F0;
	v7 =	vshll.u32 v1, v7;
	v8 =	vmul.u32 $0x160, v8  }
0x124: {  	s1 =	sadd.s32 $0x10, s1;
	v10 =	vshra.s32 v10, $0x5;
	v7 =	vpsel !p0, $0x0, v7;
	v9 =	vand.u32 $0x1F, v63  }
0x125: {  	p6 =	slt.u32 s1, $0x249F0;
	v10 =	vpsel !p0, $0x58160, v10;
	[tilespmem:s11+$0x41A0] =	vst v7;
	v7 =	vshll.u32 v1, v9;
	v8 =	vadd.s32 v63, v8  }
0x126: {  	[tilespmem:s11+$0x2EE0] =	vst v10;
	v7 =	vpsel !p6, $0x0, v7;
	v8 =	vshra.s32 v8, $0x5  }
0x127: {  	[tilespmem:s3+$0x41A0] =	vst v7;
	v8 =	vpsel !p6, $0x58160, v8  }
0x128: {  	[tilespmem:s3+$0x2EE0] =	vst v8  }
0x129: {  	[spmem:s2] =	stream.indirect.scatter.add.s32 [tilespmem:s29], [sflag:$0x2], $0x1, s5, s31, $0xb8;
	[tilespmem:$0x15698] =	vst v63  }
.Ltmp7:
0x12a: {  	_ =	swait.ge [sflag:s30], $0x960;
	(pc) =	sbr.rel .LBB2_12-.Ltmp7, $4  }
0x12b: {  	[sflag:s30] =	ssyncset.done $0x0  }
0x12c: {  	[sflag:s30] =	ssyncadd.s32 $0xFFFFF6A0  }
0x12d: {  	[bflag:$0x0] =	sbarrier.arrive $0xFFFF  }
0x12e: {  	s16 =	simm.s32 $0x0;
	p1 =	por $0x1, $0x1;
	s1 =	simm.s32 $0x0  }
.LBB2_29:
.Ltmp8:
0x12f: {  	s0 =	sadd.s32 s12, s20;
	s1 =	simm.s32 $0x0;
	(pc) =	sbr.rel @!p0 .LBB2_30-.Ltmp8, $4  }
0x130: {  	[hbm4b:s0+s1] =	stream.linear.scatter [tilespmem:s17], [sflag:$0x2], $0x9600, $0x38;
	[tilespmem:$0x15698] =	vst v63  }
0x131: {  	_ =	swait.ge [sflag:s30], $0x9600  }
0x132: {  	[sflag:s30] =	ssyncset.done $0x0  }
0x133: {  	p1 =	por $0x0, $0x0;
	s1 =	simm.s32 $0x960;
	[sflag:s30] =	ssyncadd.s32 $0xFFFF6A00  }
.LBB2_12:
0x134: {  	s3 =	sadd.s32 s14, s1  }
0x135: {  	s1 =	sshrl.u32 s3, $0x3  }
0x136: {  	s11 =	sadd.s32 s4, s1  }
0x137: {  	[tilespmem:s16], [sflag:$0x2] =	stream.linear.gather [hbm4b:s11+s16], $0x960, $0x38;
	[tilespmem:$0x15698] =	vst v63  }
0x138: {  	_ =	swait.ge [sflag:s30], $0x960  }
0x139: {  	[sflag:s30] =	ssyncset.done $0x0  }
0x13a: {  	s5 =	sadd.s32 s6, s1;
	[sflag:s30] =	ssyncadd.s32 $0xFFFFF6A0  }
0x13b: {  	[tilespmem:s31], [sflag:$0x2] =	stream.linear.gather [hbm4b:s5+s16], $0x960, $0x38;
	[tilespmem:$0x15698] =	vst v63  }
0x13c: {  	_ =	swait.ge [sflag:s30], $0x960  }
0x13d: {  	[sflag:s30] =	ssyncset.done $0x0  }
0x13e: {  	s0 =	simm.s32 $0x12C0;
	s15 =	sadd.s32 s7, s1;
	[sflag:s30] =	ssyncadd.s32 $0xFFFFF6A0  }
0x13f: {  	[tilespmem:s0], [sflag:$0x2] =	stream.linear.gather [hbm4b:s15+s16], $0x960, $0x38;
	[tilespmem:$0x15698] =	vst v63  }
0x140: {  	_ =	swait.ge [sflag:s30], $0x960  }
0x141: {  	[sflag:s30] =	ssyncset.done $0x0  }
0x142: {  	[sflag:s30] =	ssyncadd.s32 $0xFFFFF6A0  }
0x143: {  	s20 =	rddreg [dreg:$0x1]  }
0x144: {  	s25 =	simm.s32 $0x1C20;
	s1 =	sadd.s32 s20, s1  }
0x145: {  	[tilespmem:s25], [sflag:$0x2] =	stream.linear.gather [hbm4b:s1+s16], $0x960, $0x38;
	[tilespmem:$0x15698] =	vst v63  }
0x146: {  	_ =	swait.ge [sflag:s30], $0x960  }
0x147: {  	[sflag:s30] =	ssyncset.done $0x0  }
0x148: {  	s11 =	simm.s32 $0x0;
	[sflag:s30] =	ssyncadd.s32 $0xFFFFF6A0  }
0x149: {  	v7 =	vld [tilespmem:s11+$0x0];
	_ =	sdelay $0x1  }
0x14a: {  	v8 =	vld [tilespmem:s11+$0x960];
	_ =	sdelay $0x2  }
0x14b: {  	v7 =	vmul.u32 $0x29, v7  }
0x14c: {  	s1 =	simm.s32 $0x10;
	v10 =	vld [tilespmem:s11+$0x12C0]  }
0x14d: {  	v7 =	vadd.s32 v8, v7;
	v8 =	vld [tilespmem:s1+$0x0]  }
0x14e: {  	v9 =	vld [tilespmem:s1+$0x960]  }
0x14f: {  	v11 =	vmul.u32 $0x190, v7;
	v7 =	vld [tilespmem:s11+$0x1C20];
	_ =	sdelay $0x1  }
0x150: {  	p0 =	por p1, p1;
	s15 =	simm.s32 $0x80;
	v10 =	vadd.s32 v10, v11  }
.LBB2_13:
0x151: {  	s20 =	sshra.s32 s15, $0x2;
	p1 =	sne.s32 s15, $0x2540;
	s15 =	sadd.s32 $0x40, s15;
	v11 =	vmul.u32 $0x29, v8;
	v12 =	vld [tilespmem:s1+$0x12C0];
	v10 =	vmul.u32 $0x160, v10  }
.Ltmp9:
0x152: {  	v8 =	vld [tilespmem:s20+$0x0];
	(pc) =	sbr.rel @p1 .LBB2_13-.Ltmp9, $3  }
0x153: {  	v11 =	vadd.s32 v9, v11;
	v10 =	vadd.s32 v7, v10;
	v7 =	vld [tilespmem:s1+$0x1C20]  }
0x154: {  	v9 =	vld [tilespmem:s20+$0x960];
	v11 =	vmul.u32 $0x190, v11;
	[tilespmem:s11+$0x2580] =	vst v10;
	s11 =	smov.u32 s1;
	s1 =	smov.u32 s20;
	_ =	sdelay $0x1  }
0x155: {  	v10 =	vadd.s32 v12, v11  }
0x156: {  	v8 =	vmul.u32 $0x29, v8;
	v11 =	vld [tilespmem:s1+$0x12C0];
	_ =	sdelay $0x1  }
0x157: {  	v8 =	vadd.s32 v9, v8  }
0x158: {  	v63 =	vld [tilespmem:s1+$0x1C20];
	v8 =	vmul.u32 $0x190, v8;
	_ =	sdelay $0x1  }
0x159: {  	v10 =	vmul.u32 $0x160, v10;
	v8 =	vadd.s32 v11, v8  }
0x15a: {  	v8 =	vmul.u32 $0x160, v8  }
0x15b: {  	v7 =	vadd.s32 v7, v10  }
0x15c: {  	s20 =	sshll.u32 s3, $0x1;
	[tilespmem:s11+$0x2580] =	vst v7;
	v7 =	vadd.s32 v63, v8  }
.Ltmp10:
0x15d: {  	s25 =	simm.s32 $0x0;
	s15 =	sadd.s32 s9, s20;
	[tilespmem:s1+$0x2580] =	vst v7;
	(pc) =	sbr.rel .LBB2_15-.Ltmp10, $4  }
0x15e: {  	[tilespmem:s17], [sflag:$0x2] =	stream.linear.gather [hbm4b:s15+s25], $0x9600, $0x38;
	[tilespmem:$0x15698] =	vst v63  }
0x15f: {  	_ =	swait.ge [sflag:s30], $0x9600  }
0x160: {  	[sflag:s30] =	ssyncset.done $0x0  }
0x161: {  	[sflag:s30] =	ssyncadd.s32 $0xFFFF6A00  }
.LBB2_28:
0x162: {  	s25 =	sadd.s32 $0x1, s25  }
0x163: {  	p1 =	sne.s32 s25, $0x1A  }
.Ltmp11:
0x164: {  	_ = 	snop;
	(pc) =	sbr.rel @!p1 .LBB2_29-.Ltmp11, $1  }
0x165: {  	_ =	sdelay $0x3  }
.LBB2_15:
0x166: {  	p1 =	sgt.u32 s25, $0xC;
	s1 =	simm.s32 $0x1  }
0x167: {  	s1 =	simm.s32 @!p1 $0x0  }
0x168: {  	s1 =	sadd.s32 s1, s25  }
0x169: {  	s3 =	smul.u32 $0xAB, s1;
	_ =	sdelay $0x1  }
0x16a: {  	s3 =	sshrl.u32 s3, $0x9  }
0x16b: {  	s11 =	sand.u32 $0x7F, s3  }
0x16c: {  	s3 =	smul.u32 $0x56, s11  }
0x16d: {  	s15 =	smul.u32 $0x39, s1  }
0x16e: {  	s3 =	sshrl.u32 s3, $0x8  }
0x16f: {  	s15 =	sshrl.u32 s15, $0x9;
	s0 =	smul.u32 $0x3, s3;
	s3 =	simm.s32 $0x0  }
0x170: {  	s15 =	sand.u32 $0x7F, s15;
	v10 =	vld [tilespmem:s3+$0x960]  }
0x171: {  	s15 =	sadd.s32 $0xFFFFFFFF, s15;
	s5 =	smul.u32 $0x3, s11;
	v11 =	vld [tilespmem:s3+$0x12C0];
	s0 =	ssub.s32 s11, s0  }
0x172: {  	v12 =	vld [tilespmem:s3+$0x1C20];
	s11 =	smul.u32 $0x190, s15;
	s0 =	sand.u32 $0xFF, s0  }
0x173: {  	s1 =	ssub.s32 s1, s5;
	s0 =	sadd.s32 $0xFFFFFFFF, s0  }
0x174: {  	s1 =	sand.u32 $0xFF, s1;
	v15 =	vld [tilespmem:s3+$0x2580];
	s11 =	sadd.s32 s0, s11  }
0x175: {  	v7 =	vmov s15;
	s1 =	sadd.s32 $0xFFFFFFFF, s1;
	v8 =	vmov s0;
	s5 =	smul.u32 $0x160, s11;
	s11 =	simm.s32 $0x10  }
0x176: {  	v9 =	vmov s1;
	v10 =	vadd.s32 v7, v10;
	v13 =	vadd.s32 v8, v11;
	v11 =	vld [tilespmem:s11+$0x960]  }
0x177: {  	v12 =	vadd.s32 v9, v12;
	vm0 =	vlt.u32 v10, $0x29;
	vm1 =	vlt.u32 v13, $0x190;
	v13 =	vld [tilespmem:s11+$0x12C0];
	s15 =	sadd.s32 s1, s5  }
0x178: {  	vm15 =	vlt.u32 v12, $0x160;
	v14 =	vld [tilespmem:s11+$0x1C20];
	vm0 =	vmand vm0, vm1;
	v10 =	vmov s15  }
0x179: {  	vm0 =	vmand vm0, vm15;
	v15 =	vadd.s32 v10, v15  }
0x17a: {  	v12 =	vld [tilespmem:s11+$0x2580];
	s1 =	simm.s32 $0x80;
	v15 =	vnsel vm0, $0xB02C00, v15  }
.LBB2_16:
0x17b: {  	s0 =	sshra.s32 s1, $0x2;
	[tilespmem:s3+$0x2EE0] =	vst v15;
	v15 =	vshra.s32 v15, $0x5;
	p1 =	sne.s32 s1, $0x2540  }
.Ltmp12:
0x17c: {  	s1 =	sadd.s32 $0x40, s1;
	v16 =	vadd.s32 v7, v11;
	v11 =	vld [tilespmem:s0+$0x960];
	v17 =	vadd.s32 v8, v13;
	[tilespmem:s3+$0x3840] =	vst v15;
	(pc) =	sbr.rel @p1 .LBB2_16-.Ltmp12, $4  }
0x17d: {  	vm0 =	vlt.u32 v16, $0x29;
	s3 =	smov.u32 s11;
	s11 =	smov.u32 s0;
	v13 =	vld [tilespmem:s0+$0x12C0];
	v15 =	vadd.s32 v9, v14;
	vm1 =	vlt.u32 v17, $0x190  }
0x17e: {  	v14 =	vld [tilespmem:s11+$0x1C20];
	vm0 =	vmand vm0, vm1;
	vm1 =	vlt.u32 v15, $0x160  }
0x17f: {  	vm0 =	vmand vm0, vm1;
	v15 =	vadd.s32 v10, v12  }
0x180: {  	v12 =	vld [tilespmem:s11+$0x2580];
	v15 =	vnsel vm0, $0xB02C00, v15  }
0x181: {  	_ = 	snop  }
0x182: {  	v7 =	vadd.s32 v7, v11;
	v8 =	vadd.s32 v8, v13  }
0x183: {  	vm0 =	vlt.u32 v7, $0x29;
	v9 =	vadd.s32 v9, v14;
	vm1 =	vlt.u32 v8, $0x190  }
0x184: {  	vm0 =	vmand vm0, vm1;
	vm15 =	vlt.u32 v9, $0x160  }
0x185: {  	[tilespmem:s3+$0x2EE0] =	vst v15;
	v7 =	vshra.s32 v15, $0x5;
	vm0 =	vmand vm0, vm15;
	v8 =	vadd.s32 v10, v12  }
0x186: {  	[tilespmem:s3+$0x3840] =	vst v7;
	v7 =	vnsel vm0, $0xB02C00, v8  }
0x187: {  	[tilespmem:s11+$0x2EE0] =	vst v7;
	v7 =	vshra.s32 v7, $0x5  }
0x188: {  	[tilespmem:s11+$0x3840] =	vst v7  }
0x189: {  	[tilespmem:s29], [sflag:$0x1] =	stream.indirect.gather [spmem:s2], $0x1, s19, s31, $0xb8;
	[tilespmem:$0x15698] =	vst v63  }
0x18a: {  	_ =	swait.ge [sflag:s18], $0x960  }
0x18b: {  	[sflag:s18] =	ssyncset.done $0x0  }
0x18c: {  	s15 =	simm.s32 $0x0;
	s1 =	simm.s32 $0x0;
	[sflag:s18] =	ssyncadd.s32 $0xFFFFF6A0  }
.LBB2_18:
0x18d: {  	p1 =	sne.s32 s1, $0x25C0  }
.Ltmp13:
0x18e: {  	_ = 	snop;
	(pc) =	sbr.rel @p1 .LBB2_18-.Ltmp13, $4  }
0x18f: {  	_ = 	snop  }
0x190: {  	s0 =	sshra.s32 s1, $0x2  }
0x191: {  	[tilespmem:s0+$0x4B00] =	vst v2  }
0x192: {  	s1 =	sadd.s32 $0x40, s1;
	[tilespmem:s0+$0x5480] =	vst v4  }
0x193: {  	s3 =	simm.s32 $0x2EE0  }
0x194: {  	s11 =	simm.s32 $0x41A0;
	v7 =	vld [tilespmem:s3+$0x0]  }
0x195: {  	v8 =	vimm.s32 $0x0;
	s1 =	simm.s32 $0x10;
	v9 =	vld [tilespmem:s11+$0x0]  }
.LBB2_20:
0x196: {  	p1 =	sne.s32 s1, $0x950;
	_ =	sdelay $0x2  }
0x197: {  	v10 =	vand.u32 $0x1F, v7  }
0x198: {  	v9 =	vshrl.u32 v9, v10  }
0x199: {  	v9 =	vand.u32 $0x1, v9  }
0x19a: {  	vm0 =	vne.s32 v9, $0x0;
	(xrf0) =	vadd.scan.msk.s32 $0xffff, v9;
	_ =	sdelay $0x5  }
0x19b: {  	v9, _, _ =	vpop (xrf0)  }
0x19c: {  	v10 =	vadd.s32 v9, v8;
	v9 =	vperm.xlane v9, v5  }
0x19d: {  	v10 =	vadd.s32 $0xFFFFFFFF, v10  }
0x19e: {  	v8 =	vadd.s32 v8, v9;
	_ =	sdelay $0x2  }
.Ltmp14:
0x19f: {  	(pc) =	sbr.rel @p1 .LBB2_20-.Ltmp14, $4  }
0x1a0: {  	[tilespmem:v10+s21+$0x0] =	vst.idx.msk vm0, v7;
	v7 =	vor.u32 s15, v3;
	s15 =	smov.u32 s1  }
0x1a1: {  	s3 =	sadd.s32 $0x10, s3;
	[tilespmem:v10+s22+$0x0] =	vst.idx.msk vm0, v7  }
0x1a2: {  	s11 =	sadd.s32 $0x10, s11;
	v7 =	vld [tilespmem:s3+$0x0]  }
0x1a3: {  	s1 =	sadd.s32 $0x10, s1;
	v9 =	vld [tilespmem:s11+$0x0]  }
0x1a4: {  	_ =	sdelay $0x2  }
0x1a5: {  	v10 =	vand.u32 $0x1F, v7  }
0x1a6: {  	v9 =	vshrl.u32 v9, v10  }
0x1a7: {  	v9 =	vand.u32 $0x1, v9  }
0x1a8: {  	(xrf0) =	vadd.scan.msk.s32 $0xffff, v9;
	_ =	sdelay $0x5  }
0x1a9: {  	v63, _, _ =	vpop (xrf0)  }
0x1aa: {  	v11 =	vperm.xlane v63, v5;
	_ =	sdelay $0x1  }
0x1ab: {  	v11 =	vadd.s32 v8, v11  }
0x1ac: {  	v11 =	vxor.u32 $0x80000000, v11  }
0x1ad: {  	(xrf0) =	vmax.scan.msk.u32 $0xffff, v11;
	_ =	sdelay $0x5  }
0x1ae: {  	v11, _, _ =	vpop (xrf0)  }
0x1af: {  	(v2sf) =	vpush v11, $0xF;
	_ =	sdelay $0xe  }
0x1b0: {  	s0 =	spop (v2sf)  }
0x1b1: {  	s0 =	sadd.s32 $0x8000007F, s0  }
0x1b2: {  	s1 =	sand.u32 $0x7F, s0  }
0x1b3: {  	s11 =	sshra.s32 s0, $0x1F;
	p2 =	slt.s32 s0, $0x1;
	p1 =	sne.s32 s1, $0x0  }
0x1b4: {  	s1 =	sshrl.u32 s11, $0x19;
	p1 =	por !p2, !p1  }
0x1b5: {  	s0 =	sadd.s32 s1, s0;
	s1 =	simm.s32 $0x1;
	p1 =	por !p1, !p1  }
0x1b6: {  	vm0 =	vne.s32 v9, $0x0;
	v8 =	vadd.s32 v63, v8;
	s0 =	sshra.s32 s0, $0x7;
	s1 =	simm.s32 @!p1 $0x0  }
0x1b7: {  	v8 =	vadd.s32 $0xFFFFFFFF, v8;
	s11 =	ssub.s32 s0, s1  }
0x1b8: {  	p1 =	slt.s32 s11, $0x1  }
.Ltmp15:
0x1b9: {  	_ = 	snop;
	(pc) =	sbr.rel @p1 .LBB2_28-.Ltmp15, $3  }
0x1ba: {  	_ =	sdelay $0x1  }
0x1bb: {  	[tilespmem:v8+s21+$0x0] =	vst.idx.msk vm0, v7;
	v7 =	vor.u32 s15, v3  }
0x1bc: {  	[tilespmem:v8+s22+$0x0] =	vst.idx.msk vm0, v7  }
0x1bd: {  	v7 =	vmov s25;
	s15 =	simm.s32 $0x0  }
.LBB2_23:
0x1be: {  	s0 =	sshll.u32 s15, $0x9  }
0x1bf: {  	s3 =	sshra.s32 s0, $0x2  }
0x1c0: {  	v8 =	vld [tilespmem:s3+$0x4B00];
	_ =	sdelay $0x4  }
0x1c1: {  	[tilespmem:$0x5F00] =	vst v8  }
0x1c2: {  	v8 =	vld [tilespmem:s3+$0x4B10];
	_ =	sdelay $0x4  }
0x1c3: {  	[tilespmem:$0x5F10] =	vst v8  }
0x1c4: {  	v8 =	vld [tilespmem:s3+$0x4B20];
	_ =	sdelay $0x4  }
0x1c5: {  	[tilespmem:$0x5F20] =	vst v8  }
0x1c6: {  	v8 =	vld [tilespmem:s3+$0x4B30];
	_ =	sdelay $0x4  }
0x1c7: {  	[tilespmem:$0x5F30] =	vst v8  }
0x1c8: {  	v8 =	vld [tilespmem:s3+$0x4B40];
	_ =	sdelay $0x4  }
0x1c9: {  	[tilespmem:$0x5F40] =	vst v8  }
0x1ca: {  	v8 =	vld [tilespmem:s3+$0x4B50];
	_ =	sdelay $0x4  }
0x1cb: {  	[tilespmem:$0x5F50] =	vst v8  }
0x1cc: {  	v8 =	vld [tilespmem:s3+$0x4B60];
	_ =	sdelay $0x4  }
0x1cd: {  	[tilespmem:$0x5F60] =	vst v8  }
0x1ce: {  	v8 =	vld [tilespmem:s3+$0x4B70];
	_ =	sdelay $0x4  }
0x1cf: {  	[tilespmem:$0x5F70] =	vst v8  }
0x1d0: {  	[tilespmem:s26], [sflag:$0x1] =	stream.indirect.gather [hbm4b:s10+s23], $0x1, s24, s23, $0xb8;
	[tilespmem:$0x15698] =	vst v63  }
0x1d1: {  	_ =	swait.ge [sflag:s18], $0x80  }
0x1d2: {  	[sflag:s18] =	ssyncset.done $0x0  }
0x1d3: {  	[sflag:s18] =	ssyncadd.s32 $0xFFFFFF80  }
0x1d4: {  	v8 =	vld [tilespmem:$0x5E00]  }
0x1d5: {  	v9 =	vld [tilespmem:$0x5E10]  }
0x1d6: {  	v10 =	vld [tilespmem:$0x5E20]  }
0x1d7: {  	v11 =	vld [tilespmem:$0x5E30]  }
0x1d8: {  	v12 =	vld [tilespmem:$0x5E40]  }
0x1d9: {  	v13 =	vld [tilespmem:$0x5E50]  }
0x1da: {  	v14 =	vld [tilespmem:$0x5E60]  }
0x1db: {  	v15 =	vld [tilespmem:$0x5E70];
	_ =	sdelay $0x2  }
0x1dc: {  	vm0 =	vgt.s32 v8, $0x0;
	vm10 =	vgt.s32 v9, $0x0;
	vm11 =	vgt.s32 v10, $0x0  }
0x1dd: {  	vm1 =	vgt.s32 v11, $0x0;
	vm12 =	vgt.s32 v12, $0x0;
	vm13 =	vgt.s32 v13, $0x0  }
0x1de: {  	vm14 =	vgt.s32 v14, $0x0;
	vm15 =	vgt.s32 v15, $0x0;
	v8 =	vnsel vm0, $0x0, v8  }
0x1df: {  	v9 =	vnsel vm10, $0x0, v9;
	v10 =	vnsel vm11, $0x0, v10;
	v11 =	vnsel vm1, $0x0, v11  }
0x1e0: {  	v12 =	vnsel vm12, $0x0, v12;
	v13 =	vnsel vm13, $0x0, v13;
	v8 =	vmin.u32 v8, $0x249F0  }
0x1e1: {  	v14 =	vnsel vm14, $0x0, v14;
	v9 =	vmin.u32 v9, $0x249F0;
	v8 =	vmul.u32 $0x1A, v8  }
0x1e2: {  	v15 =	vnsel vm15, $0x0, v15;
	v10 =	vmin.u32 v10, $0x249F0;
	v9 =	vmul.u32 $0x1A, v9  }
0x1e3: {  	v11 =	vmin.u32 v11, $0x249F0;
	v10 =	vmul.u32 $0x1A, v10;
	v8 =	vadd.s32 v7, v8  }
0x1e4: {  	[tilespmem:$0x5E80] =	vst v8;
	v8 =	vadd.s32 v7, v9;
	v9 =	vmul.u32 $0x1A, v11;
	v11 =	vmin.u32 v12, $0x249F0  }
0x1e5: {  	[tilespmem:$0x5E90] =	vst v8;
	v8 =	vadd.s32 v7, v10;
	v10 =	vmul.u32 $0x1A, v11;
	v11 =	vmin.u32 v13, $0x249F0  }
0x1e6: {  	[tilespmem:$0x5EA0] =	vst v8;
	v8 =	vadd.s32 v7, v9;
	v9 =	vmul.u32 $0x1A, v11;
	v11 =	vmin.u32 v14, $0x249F0  }
0x1e7: {  	[tilespmem:$0x5EB0] =	vst v8;
	v8 =	vadd.s32 v7, v10;
	v10 =	vmul.u32 $0x1A, v11;
	v11 =	vmin.u32 v15, $0x249F0  }
0x1e8: {  	[tilespmem:$0x5EC0] =	vst v8;
	v8 =	vadd.s32 v7, v9;
	v9 =	vmul.u32 $0x1A, v11  }
0x1e9: {  	[tilespmem:$0x5ED0] =	vst v8;
	v8 =	vadd.s32 v7, v10  }
0x1ea: {  	[tilespmem:$0x5EE0] =	vst v8;
	v8 =	vadd.s32 v7, v9  }
0x1eb: {  	[tilespmem:$0x5EF0] =	vst v8  }
0x1ec: {  	[tilespmem:s13], [sflag:$0x1] =	stream.indirect.gather [hbm4b:s8+s23], $0x10, s28, s23, $0xb8;
	[tilespmem:$0x15698] =	vst v63  }
0x1ed: {  	_ =	swait.ge [sflag:s18], $0x800  }
0x1ee: {  	s0 =	sadd.s32 $0x5480, s3;
	[sflag:s18] =	ssyncset.done $0x0  }
0x1ef: {  	s3 =	simm.s32 $0x0;
	v8 =	vmov s0;
	[sflag:s18] =	ssyncadd.s32 $0xFFFFF800  }
.LBB2_24:
0x1f0: {  	s0 =	sshll.u32 s3, $0x4  }
0x1f1: {  	s1 =	simm.s32 $0x0;
	v9 =	vmov s0  }
0x1f2: {  	v11 =	vmov s1;
	v9 =	vshll.u32 v9, $0x4  }
0x1f3: {  	v12 =	vand.u32 $0x8, v11;
	v9 =	vor.u32 v6, v9  }
0x1f4: {  	v10 =	vld.idx.msk [tilespmem:v8+s0+$0x0 ss:$0x1], $0xffff;
	v11 =	vand.u32 $0x7, v11;
	v13 =	vor.u32 v9, v12  }
0x1f5: {  	v14 =	vor.u32 v11, v13;
	_ =	sdelay $0x2  }
0x1f6: {  	s5 =	simm.s32 $0x1  }
0x1f7: {  	s1 =	simm.s32 $0x2;
	v13 =	vmov s5;
	v10 =	vshll.u32 v10, $0x4  }
.LBB2_25:
0x1f8: {  	p1 =	sne.s32 s1, $0xF;
	v15 =	vld.idx.msk [tilespmem:v14+s13+$0x0], $0xffff;
	v14 =	vor.u32 v10, v12;
	v12 =	vand.u32 $0x8, v13  }
0x1f9: {  	v16 =	vor.u32 v9, v12;
	v17 =	vor.u32 v11, v14;
	v11 =	vand.u32 $0x7, v13  }
.Ltmp16:
0x1fa: {  	v14 =	vor.u32 v11, v16;
	(pc) =	sbr.rel @p1 .LBB2_25-.Ltmp16, $2  }
0x1fb: {  	_ =	sdelay $0x2  }
0x1fc: {  	v13 =	vmov s1;
	s1 =	sadd.s32 $0x1, s1;
	[tilespmem:v17+s17+$0x0] =	vst.idx.add.f32.msk $0xffff, v15  }
0x1fd: {  	_ =	sdelay $0x2  }
0x1fe: {  	v15 =	vand.u32 $0x8, v13;
	v12 =	vor.u32 v10, v12  }
0x1ff: {  	v14 =	vld.idx.msk [tilespmem:v14+s13+$0x0], $0xffff;
	v63 =	vand.u32 $0x7, v13;
	v9 =	vor.u32 v9, v15;
	v11 =	vor.u32 v11, v12  }
0x200: {  	v9 =	vor.u32 v63, v9;
	_ =	sdelay $0x3  }
0x201: {  	s3 =	sadd.s32 $0x1, s3;
	v10 =	vor.u32 v10, v15;
	[tilespmem:v11+s17+$0x0] =	vst.idx.add.f32.msk $0xffff, v14  }
0x202: {  	p1 =	sne.s32 s3, $0x8;
	v10 =	vor.u32 v63, v10;
	v9 =	vld.idx.msk [tilespmem:v9+s13+$0x0], $0xffff  }
.Ltmp17:
0x203: {  	_ = 	snop;
	(pc) =	sbr.rel @p1 .LBB2_24-.Ltmp17, $2  }
0x204: {  	_ =	sdelay $0x2  }
0x205: {  	[tilespmem:v10+s17+$0x0] =	vst.idx.add.f32.msk $0xffff, v9  }
0x206: {  	s15 =	sadd.s32 $0x1, s15  }
0x207: {  	p1 =	sne.s32 s15, s11  }
.Ltmp18:
0x208: {  	_ = 	snop;
	(pc) =	sbr.rel @p1 .LBB2_23-.Ltmp18, $4  }
.Ltmp19:
0x209: {  	_ = 	snop;
	(pc) =	sbr.rel @!p1 .LBB2_28-.Ltmp19, $4  }
0x20a: {  	_ = 	snop  }
0x20b: {  	_ = 	snop  }
0x20c: {  	_ = 	snop  }
0x20d: {  	_ = 	snop  }
.LBB2_31:
0x20e: {  	_ =	sfence.sel $0x180000  }
0x20f: {  	[bflag:$0x0] =	sbarrier.arrive $0xFFFF  }
0x210: {  	_ =	strace $0x9000004A  }
0x211: {  	s0 =	stileid.u32;
	[bflag:$0x2] =	sbarrier.arrive $0xFFFF  }
0x212: {  	p0 =	sne.s32 s0, $0x0;
	s0 =	rddreg [dreg:$0x3]  }
0x213: {  	s0 =	sadd.s32 @!p0 $0x100000, s0  }
0x214: {  	[sflag:s0] =	ssyncadd.tile.s32 @!p0 $0x1;
	_ =	shalt  }
.Lfunc_end2:
_tile_overlayer_lowered:
.L_overlay_start_2:
0x215: {  	(tag) =	ssettag $0x2  }
0x216: {  	s0 =	rddreg [dreg:$0x0];
	s2 =	stileid.u32  }
0x217: {  	s1 =	rddreg [dreg:$0x1];
	p0 =	sne.s32 s2, $0x0  }
0x218: {  	s3 =	rddreg [dreg:$0x2];
	[bflag:$0x3] =	sbarrier.arrive $0xFFFF;
	s2 =	simm.s32 @!p0 $0x1C02  }
0x219: {  	[timem:s3], [sflag:s2] =	dma.local @!p0 [hbm:s0], s1  }
0x21a: {  	s0 =	simm.s32 @!p0 $0x2  }
0x21b: {  	_ =	swait.ge @!p0 [sflag:s0], s1  }
0x21c: {  	s1 =	ssub.s32 @!p0 $0x0, s1;
	[sflag:s0] =	ssyncset.done @!p0 $0x0  }
0x21d: {  	[sflag:s0] =	ssyncadd.s32 @!p0 s1  }
0x21e: {  	[bflag:$0x3] =	sbarrier.arrive $0xFFFF  }
0x21f: {  	_ =	shalt  }

</sc_bundles>
